<compile_context>
chip_gen: v7x
topology: tpu7x:2x2x1
jax: 0.10.2.dev20260603
libtpu: 0.0.44.dev20260713+nightly
codegen_flags: <defaults>
</compile_context>

<pallas_src>
import functools

import jax
import jax.numpy as jnp
from jax import lax
from jax.experimental import pallas as pl
from jax.experimental.pallas import tpu as pltpu
from jax.experimental.pallas import tpu_sc as plsc

N = 10000
G = 64
L = 3
P = 128
Q = 64
D_IN = 152
HW = 128
NP_ = 10240
SORT_N = 16384
E_PAD = 327680
CHUNK = 128
CPW = 80
NC, NS = 2, 16
ROWS_PT = NP_ // NS
SLABS = ROWS_PT // CHUNK
CB = 128
N_PASS = 105

f32 = jnp.float32
i32 = jnp.int32
MININT = -2147483648
MASK25 = (1 << 25) - 1


EPT = E_PAD // NS
CPT = EPT // CHUNK


SLABC = 16


def _sc_agg_body(h_hbm, src_hbm, dst_hbm, out_hbm, sslab, dslab, didx0,
                 didx1, gbuf0, gbuf1, agg_sp, gsem0, gsem1, ssem0, ssem1):
    c = lax.axis_index("c")
    s = lax.axis_index("s")
    ebase = s * EPT
    gbufs = (gbuf0, gbuf1)
    didxs = (didx0, didx1)
    gsems = (gsem0, gsem1)
    ssems = (ssem0, ssem1)

    def zrow(r, _):
        for k in range(HW // 16):
            gbuf0[r, pl.ds(16 * k, 16)] = jnp.zeros((16,), f32)
        return 0
    lax.fori_loop(0, CHUNK, zrow, 0)
    for slab in range(SLABS):
        pltpu.sync_copy(gbuf0, agg_sp.at[pl.ds(s * ROWS_PT + slab * CHUNK,
                                               CHUNK)])
    plsc.subcore_barrier()

    def group_body(g, _):
        gb = ebase + g * (SLABC * CHUNK)
        pltpu.sync_copy(src_hbm.at[pl.ds(gb, SLABC * CHUNK)], sslab)
        pltpu.sync_copy(dst_hbm.at[pl.ds(gb, SLABC * CHUNK)], dslab)
        for pp in range(SLABC // 2):
            gp = g * (SLABC // 2) + pp
            for b in (0, 1):
                lbase = (pp * 2 + b) * CHUNK

                @pl.when(gp > 0)
                def _free(b=b):
                    pltpu.make_async_copy(gbufs[b], agg_sp.at[didxs[b]],
                                          ssems[b]).wait()
                for kk in range(CHUNK // 16):
                    didxs[b][pl.ds(kk * 16, 16)] = (
                        dslab[pl.ds(lbase + kk * 16, 16)])
                pltpu.async_copy(
                    h_hbm.at[c].at[sslab.at[pl.ds(lbase, CHUNK)]],
                    gbufs[b], gsems[b])
            for b in (0, 1):
                lbase = (pp * 2 + b) * CHUNK
                pltpu.make_async_copy(
                    h_hbm.at[c].at[sslab.at[pl.ds(lbase, CHUNK)]],
                    gbufs[b], gsems[b]).wait()
                pltpu.async_copy(gbufs[b], agg_sp.at[didxs[b]], ssems[b],
                                 add=True)
        return 0
    lax.fori_loop(0, CPT // SLABC, group_body, 0)
    for b in (0, 1):
        pltpu.make_async_copy(gbufs[b], agg_sp.at[didxs[b]], ssems[b]).wait()
    plsc.subcore_barrier()

    for slab in range(SLABS):
        rows = pl.ds(s * ROWS_PT + slab * CHUNK, CHUNK)
        pltpu.sync_copy(agg_sp.at[rows], gbuf0)
        pltpu.sync_copy(gbuf0, out_hbm.at[c].at[rows])


@jax.jit
def _sc_agg(h, srcp, dstp):
    mesh = plsc.VectorSubcoreMesh(core_axis_name="c", subcore_axis_name="s",
                                  num_cores=NC, num_subcores=NS)
    return pl.kernel(
        _sc_agg_body,
        out_type=jax.ShapeDtypeStruct((NC, NP_, HW), f32),
        mesh=mesh,
        scratch_types=[
            pltpu.VMEM((SLABC * CHUNK,), i32),
            pltpu.VMEM((SLABC * CHUNK,), i32),
            pltpu.VMEM((CHUNK,), i32),
            pltpu.VMEM((CHUNK,), i32),
            pltpu.VMEM((CHUNK, HW), f32),
            pltpu.VMEM((CHUNK, HW), f32),
            pltpu.VMEM_SHARED((NP_, HW), f32),
            pltpu.SemaphoreType.DMA,
            pltpu.SemaphoreType.DMA,
            pltpu.SemaphoreType.DMA,
            pltpu.SemaphoreType.DMA,
        ],
    )(h, srcp, dstp)


_RB = 1280


def _keep_mask(shape):
    d0 = lax.broadcasted_iota(i32, shape, 0)
    lane = lax.broadcasted_iota(i32, shape, 2)
    return (d0 == 0) | (lane < 24)


def _step1_body(h_ref, a_ref, out_ref, dinv_ref):
    a = a_ref[...]
    dinv = 1.0 / jnp.maximum(a[1, :, 127:128], 1.0)
    h = 0.5 * (h_ref[...] + a * dinv)
    out_ref[...] = jnp.where(_keep_mask(h.shape), h, 0.0)
    dinv_ref[...] = dinv


def _stepl_body(h_ref, a_ref, dinv_ref, out_ref):
    a = a_ref[...]
    h = 0.5 * (h_ref[...] + a * dinv_ref[...])
    out_ref[...] = jnp.where(_keep_mask(h.shape), h, 0.0)


def _row_spec():
    return pl.BlockSpec((NC, _RB, HW), lambda i: (0, i, 0))


def _dinv_spec():
    return pl.BlockSpec((_RB, 1), lambda i: (i, 0))


@jax.jit
def _tc_step1(h, a):
    return pl.pallas_call(
        _step1_body,
        grid=(NP_ // _RB,),
        in_specs=[_row_spec(), _row_spec()],
        out_specs=[_row_spec(), _dinv_spec()],
        out_shape=[jax.ShapeDtypeStruct((NC, NP_, HW), f32),
                   jax.ShapeDtypeStruct((NP_, 1), f32)],
    )(h, a)


@jax.jit
def _tc_stepl(h, a, dinv):
    return pl.pallas_call(
        _stepl_body,
        grid=(NP_ // _RB,),
        in_specs=[_row_spec(), _row_spec(), _dinv_spec()],
        out_specs=_row_spec(),
        out_shape=jax.ShapeDtypeStruct((NC, NP_, HW), f32),
    )(h, a, dinv)


def _proj_body(h0_ref, h1_ref, h2_ref, h3_ref, tc_ref, tk_ref, bk_ref, out_ref):
    hs = [h0_ref[...], h1_ref[...], h2_ref[...], h3_ref[...]]
    acc = jnp.zeros((_RB, P), f32)
    for l, hl in enumerate(hs):
        acc = acc + lax.dot_general(
            hl[0], tc_ref[:, l * 128:(l + 1) * 128],
            (((1,), (1,)), ((), ())), preferred_element_type=f32)
    labs = []
    for blk_start, blk_w in ((0, 8), (8, 16)):
        for hl in hs:
            b = hl[1, :, blk_start:blk_start + blk_w]
            m = jnp.max(b, axis=-1, keepdims=True)
            ii = jnp.where(b == m,
                           lax.broadcasted_iota(i32, b.shape, 1), blk_w)
            labs.append(jnp.min(ii, axis=-1, keepdims=True).astype(f32))
    xcat = jnp.concatenate(labs, axis=-1)
    pcat = lax.dot_general(xcat, tk_ref[...], (((1,), (1,)), ((), ())),
                           preferred_element_type=f32)
    vals = jnp.concatenate([acc, pcat], axis=-1)
    vb = lax.bitcast_convert_type(vals, i32)
    u = jnp.where(vb < 0, ~vb, vb | MININT)
    comp = lax.shift_left(bk_ref[...], 25) | lax.shift_right_logical(u, 7)
    out_ref[...] = comp ^ MININT


@jax.jit
def _tc_proj(h0, h1, h2, h3, theta_cont, theta_cat, bk):
    return pl.pallas_call(
        _proj_body,
        grid=(NP_ // _RB,),
        in_specs=[_row_spec(), _row_spec(), _row_spec(), _row_spec(),
                  pl.BlockSpec((P, 4 * 128), lambda i: (0, 0)),
                  pl.BlockSpec((P, 8), lambda i: (0, 0)),
                  pl.BlockSpec((_RB, 1), lambda i: (i, 0))],
        out_specs=pl.BlockSpec((_RB, 2 * P), lambda i: (i, 0)),
        out_shape=jax.ShapeDtypeStruct((NP_, 2 * P), i32),
    )(h0, h1, h2, h3, theta_cont, theta_cat, bk)


_QR = 2048
_NQ = SORT_N // _QR
CB = 256


def _sort_body(d_ref, kk_ref, nq_ref, val_ref, out_ref):
    t = pl.program_id(0)

    @pl.when(t == 0)
    def _init():
        def icpy(q, _):
            rows = pl.ds(q * _QR, _QR)
            out_ref[rows, :] = val_ref[rows, :]
            return 0
        lax.fori_loop(0, _NQ, icpy, 0)

    d = d_ref[t]
    kk = kk_ref[t]

    def inquarter(q, _):
        base = pl.multiple_of(q * _QR, _QR)
        rows = pl.ds(base, _QR)
        k = out_ref[rows, :]
        ri = base + lax.broadcasted_iota(i32, (_QR, 1), 0)
        low = (ri & d) == 0
        desc = (ri & kk) != 0
        want_min = low != desc
        pk = jnp.where(low, pltpu.roll(k, _QR - d, 0), pltpu.roll(k, d, 0))
        take = want_min == (k > pk)
        out_ref[rows, :] = jnp.where(take, pk, k)
        return 0

    def crossquarter(tt, _):
        m = d // _QR
        lo = pl.multiple_of(((tt // m) * (2 * m) + (tt % m)) * _QR, _QR)
        rlo = pl.ds(lo, _QR)
        rhi = pl.ds(pl.multiple_of(lo + d, _QR), _QR)
        klo = out_ref[rlo, :]
        khi = out_ref[rhi, :]
        take = (klo > khi) != ((lo & kk) != 0)
        out_ref[rlo, :] = jnp.where(take, khi, klo)
        out_ref[rhi, :] = jnp.where(take, klo, khi)
        return 0

    lax.cond(d < _QR,
             lambda: lax.fori_loop(0, nq_ref[t], inquarter, 0),
             lambda: lax.fori_loop(0, _NQ // 2, crossquarter, 0))


@jax.jit
def _tc_sort(val):
    ds, kks, nqs = [], [], []
    for st in range(14):
        for j in range(st, -1, -1):
            ds.append(1 << j)
            kks.append(1 << (st + 1))
            nqs.append(5 if st <= 10 else (6 if st == 11 else 8))
    grid_spec = pltpu.PrefetchScalarGridSpec(
        num_scalar_prefetch=3,
        grid=(N_PASS,),
        in_specs=[pl.BlockSpec((SORT_N, CB), lambda t, d, kk, nq: (0, 0))],
        out_specs=pl.BlockSpec((SORT_N, CB), lambda t, d, kk, nq: (0, 0)),
    )
    return pl.pallas_call(
        _sort_body,
        grid_spec=grid_spec,
        out_shape=jax.ShapeDtypeStruct((SORT_N, CB), i32),
    )(jnp.asarray(ds, i32), jnp.asarray(kks, i32), jnp.asarray(nqs, i32), val)


def _qidx_body(key_ref, li_ref, hi_ref, lw_ref, hw_ref):
    giota = lax.broadcasted_iota(i32, (1, G), 1)

    def cbody(j, acc):
        chunk = key_ref[pl.ds(j * 1024, 1024), :]
        eq = (chunk == giota).astype(f32)
        return acc + jnp.sum(eq, axis=0, keepdims=True)
    counts = lax.fori_loop(0, SORT_N // 1024, cbody, jnp.zeros((1, G), f32))

    lt = (lax.broadcasted_iota(i32, (G, G), 0) <
          lax.broadcasted_iota(i32, (G, G), 1)).astype(f32)
    starts = lax.dot_general(counts, lt, (((1,), (0,)), ((), ())),
                             preferred_element_type=f32)
    delta = f32(1.0) / f32(Q - 1)
    qs = lax.broadcasted_iota(i32, (Q, 1), 0).astype(f32) * delta
    pos = qs * (counts - 1.0)
    lo = jnp.floor(pos)
    hi = jnp.ceil(pos)
    hw = pos - lo
    lw_ref[...] = 1.0 - hw
    hw_ref[...] = hw
    li_ref[...] = (jnp.clip(lo, 0.0, counts - 1.0) + starts).astype(i32)
    hi_ref[...] = (jnp.clip(hi, 0.0, counts - 1.0) + starts).astype(i32)


@jax.jit
def _tc_qidx(key):
    return pl.pallas_call(
        _qidx_body,
        in_specs=[pl.BlockSpec((SORT_N, G), lambda: (0, 0))],
        out_specs=[pl.BlockSpec((Q, G), lambda: (0, 0))] * 4,
        out_shape=[jax.ShapeDtypeStruct((Q, G), i32),
                   jax.ShapeDtypeStruct((Q, G), i32),
                   jax.ShapeDtypeStruct((Q, G), f32),
                   jax.ShapeDtypeStruct((Q, G), f32)],
    )(key)


def _qgather_body(li_ref, hi_ref, lw_ref, hw_ref, srt_ref, out_ref, scr):
    g = pl.program_id(0)

    def decode(krow):
        comp = krow ^ MININT
        u = lax.shift_left(comp & MASK25, 7)
        vb = jnp.where(u < 0, u & jnp.int32(0x7FFFFFFF), ~u)
        return lax.bitcast_convert_type(vb, f32)

    def qbody(q, _):
        li = li_ref[q, g]
        hi = hi_ref[q, g]
        lw = lw_ref[q, g]
        hw = hw_ref[q, g]
        row = (decode(srt_ref[pl.ds(li, 1), :]) * lw +
               decode(srt_ref[pl.ds(hi, 1), :]) * hw)
        scr[pl.ds(q, 1), :] = row
        return 0
    lax.fori_loop(0, Q, qbody, 0)
    out_ref[0] = jnp.transpose(scr[...])


@jax.jit
def _tc_qgather(li, hi, lw, hw, srt):
    smem = pl.BlockSpec(memory_space=pltpu.SMEM)
    return pl.pallas_call(
        _qgather_body,
        grid=(G,),
        in_specs=[smem, smem, smem, smem,
                  pl.BlockSpec((SORT_N, 256), lambda g: (0, 0))],
        out_specs=pl.BlockSpec((1, 256, Q), lambda g: (g, 0, 0)),
        out_shape=jax.ShapeDtypeStruct((G, 256, Q), f32),
        scratch_shapes=[pltpu.VMEM((Q, 256), f32)],
    )(li, hi, lw, hw, srt)


def kernel(x, edge_index, batch, theta_cont, theta_cat):
    xf = x.astype(f32)
    half0 = jnp.zeros((NP_, HW), f32).at[:N].set(xf[:, :128])
    half1 = jnp.zeros((NP_, HW), f32)
    half1 = half1.at[:N, 0:24].set(xf[:, 128:152])
    half1 = half1.at[:N, HW - 1].set(1.0)
    h0 = jnp.stack([half0, half1])
    src = edge_index[0].astype(i32)
    dst = edge_index[1].astype(i32)
    e = src.shape[0]
    pad_idx = (N + (jnp.arange(E_PAD - e) % 16)).astype(i32)
    srcp = jnp.concatenate([src, pad_idx])
    dstp = jnp.concatenate([dst, pad_idx])

    agg = _sc_agg(h0, srcp, dstp)
    h1, dinv = _tc_step1(h0, agg)
    agg = _sc_agg(h1, srcp, dstp)
    h2 = _tc_stepl(h1, agg, dinv)
    agg = _sc_agg(h2, srcp, dstp)
    h3 = _tc_stepl(h2, agg, dinv)

    bk = jnp.full((NP_, 1), G, i32).at[:N, 0].set(batch.astype(i32))
    ks = _tc_proj(h0, h1, h2, h3, theta_cont, theta_cat, bk)

    val = jnp.full((SORT_N, 256), jnp.iinfo(i32).max, i32).at[:NP_].set(ks)
    srt = _tc_sort(val)

    key = jnp.full((SORT_N, 1), jnp.iinfo(i32).max, i32)
    key = key.at[:N, 0].set(batch.astype(i32))
    li, hi, lw, hw = _tc_qidx(jnp.broadcast_to(key, (SORT_N, G)))
    quant = _tc_qgather(li, hi, lw, hw, srt)
    return quant.reshape(G, 2 * P * Q)

# --- scband reference (transcript-rebuilt; emitter-appended) ---
"""Pipeline reference for scband-swwl-encoder-continuous-and-categorical-57638461112696 (READ-ONLY COPY).

The authoritative reference and input builder live on the scoring server;
editing this copy changes nothing except your own understanding.
"""

import jax, jax.numpy as jnp
import numpy as np

DIM_ATTR = 128
DIMS_OH = [8, 16]
L = 3          # num_wl_iterations
P = 128        # num_projections
Q = 64         # num_quantiles
G = 64         # number of graphs in the batch
N = 10000      # total nodes
E = 320000     # total edges


def _normalize_rows(t):
    return t / jnp.linalg.norm(t, axis=-1, keepdims=True)


def setup_inputs(seed: int = 0) -> dict:
    key = jax.random.key(seed)
    k1, k2, k3, k4, k5 = jax.random.split(key, 5)
    d_in = DIM_ATTR + sum(DIMS_OH)
    x = jax.random.normal(k1, (N, d_in), dtype=jnp.float32)
    edge_index = jax.random.randint(k2, (2, E), 0, N)
    # batch: sorted graph ids, every graph guaranteed non-empty
    base = jax.random.randint(k3, (N - G,), 0, G)
    batch = jnp.sort(jnp.concatenate([jnp.arange(G), base]))
    # random uniform projections on the hypersphere (buffers of SWEncoder)
    d_cont = DIM_ATTR * (L + 1)
    d_cat = len(DIMS_OH) * (L + 1)
    theta_cont = _normalize_rows(jax.random.normal(k4, (P, d_cont), dtype=jnp.float32))
    theta_cat = _normalize_rows(jax.random.normal(k5, (P, d_cat), dtype=jnp.float32))
    return {"x": x, "edge_index": edge_index, "batch": batch,
            "theta_cont": theta_cont, "theta_cat": theta_cat}


def _wl_continuous(x, src, dst, num_iter):
    # continuous WL iteration: h <- 0.5 * (h + mean_{u->v} h[u]); concat all iterations
    n = x.shape[0]
    deg = jnp.zeros((n,), x.dtype).at[dst].add(1.0)
    deg = jnp.maximum(deg, 1.0)
    hs = [x]
    h = x
    for _ in range(num_iter):
        agg = jnp.zeros_like(h).at[dst].add(h[src])
        h = 0.5 * (h + agg / deg[:, None])
        hs.append(h)
    return jnp.concatenate(hs, axis=-1)


def _wl_categorical(x_oh, src, dst, num_iter):
    # WL relabeling on one-hot labels: propagate distributions, relabel by argmax
    n = x_oh.shape[0]
    deg = jnp.zeros((n,), x_oh.dtype).at[dst].add(1.0)
    deg = jnp.maximum(deg, 1.0)
    labels = [jnp.argmax(x_oh, axis=-1)]
    h = x_oh
    for _ in range(num_iter):
        agg = jnp.zeros_like(h).at[dst].add(h[src])
        h = 0.5 * (h + agg / deg[:, None])
        labels.append(jnp.argmax(h, axis=-1))
    out = jnp.stack(labels, axis=-1).astype(jnp.float32)  # [N, num_iter+1]
    return jax.lax.stop_gradient(out)


def _sw_encode(feats, batch, theta, num_quantiles, num_graphs):
    # project onto hypersphere directions, then per-graph quantiles over nodes
    proj = feats @ theta.T  # [N, P]
    qs = jnp.linspace(0.0, 1.0, num_quantiles)
    outs = []
    for g in range(num_graphs):
        mask = batch == g
        n_g = jnp.sum(mask).astype(qs.dtype)
        masked = jnp.where(mask[:, None], proj, jnp.inf)
        srt = jnp.sort(masked, axis=0)         # [N, P]; members occupy first n_g rows
        pos = qs * (n_g - 1)                   # [Q]
        low = jnp.floor(pos)
        high = jnp.ceil(pos)
        high_w = pos - low
        low_w = 1 - high_w
        low_i = jnp.clip(low, 0, n_g - 1).astype(jnp.int32)
        high_i = jnp.clip(high, 0, n_g - 1).astype(jnp.int32)
        low_v = srt[low_i]                     # [Q, P]
        high_v = srt[high_i]                   # [Q, P]
        quant = low_v * low_w[:, None] + high_v * high_w[:, None]  # [Q, P]
        outs.append(quant.T.reshape(-1))       # [P*Q]
    return jnp.stack(outs, axis=0)             # [G, P*Q]


def reference(x, edge_index, batch, theta_cont, theta_cat):
    src = edge_index[0]
    dst = edge_index[1]
    # continuous branch
    x_cont = x[:, :DIM_ATTR]
    x_cont = _wl_continuous(x_cont, src, dst, L)
    emb_cont = _sw_encode(x_cont, batch, theta_cont, Q, G)
    # categorical branch
    x_cat_list = []
    offs = np.concatenate([[0], np.cumsum(np.array(DIMS_OH))])
    for i in range(len(DIMS_OH)):
        start = DIM_ATTR + int(offs[i])
        end = DIM_ATTR + int(offs[i + 1])
        x_cat_list.append(_wl_categorical(x[:, start:end], src, dst, L))
    x_cat = jnp.concatenate(x_cat_list, axis=-1).astype(jnp.float32)
    emb_cat = _sw_encode(x_cat, batch, theta_cat, Q, G)
    return jnp.concatenate([emb_cont, emb_cat], axis=-1)  # [G, 2*P*Q]

if __name__ == "__main__":
    import jax
    _d = setup_inputs()
    print(jax.jit(kernel)(*tuple(_d.values())))

</pallas_src>

<mosaic_0001>
#map = affine_map<(d0, d1) -> (0, 0, 0)>
#map1 = affine_map<(d0, d1) -> (0)>
module attributes {stable_mosaic.version = 14 : i64} {
  func.func @_sc_agg_body(%arg0: i32, %arg1: i32, %arg2: memref<2x10240x128xf32, #tpu.memory_space<hbm>>, %arg3: memref<327680xi32, #tpu.memory_space<hbm>>, %arg4: memref<327680xi32, #tpu.memory_space<hbm>>, %arg5: memref<2x10240x128xf32, #tpu.memory_space<hbm>>, %arg6: memref<2048xi32, #tpu.memory_space<vmem>>, %arg7: memref<2048xi32, #tpu.memory_space<vmem>>, %arg8: memref<128xi32, #tpu.memory_space<vmem>>, %arg9: memref<128xi32, #tpu.memory_space<vmem>>, %arg10: memref<128x128xf32, #tpu.memory_space<vmem>>, %arg11: memref<128x128xf32, #tpu.memory_space<vmem>>, %arg12: memref<10240x128xf32, #tpu.memory_space<vmem_shared>>, %arg13: memref<!tpu.dma_semaphore, #tpu.memory_space<semaphore_mem>>, %arg14: memref<!tpu.dma_semaphore, #tpu.memory_space<semaphore_mem>>, %arg15: memref<!tpu.dma_semaphore, #tpu.memory_space<semaphore_mem>>, %arg16: memref<!tpu.dma_semaphore, #tpu.memory_space<semaphore_mem>>) attributes {dimension_semantics = [#tpu.dimension_semantics<core_parallel>, #tpu.dimension_semantics<subcore_parallel>], iteration_bounds = array<i64: 2, 16>, scalar_prefetch = 0 : i64, scratch_operands = 11 : i64, tpu.core_type = #tpu.core_type<sc_vector_subcore>, window_params = [{transform_indices = #map}, {transform_indices = #map1}, {transform_indices = #map1}, {transform_indices = #map}]} {
    %mul3A = arith.constant 20480 : i32
    %mul3A_0 = arith.muli %arg1, %mul3A : i32
    %scan3A = arith.constant 0 : i32
    %scan3A_1 = arith.constant 0 : i32
    %scan3A_2 = arith.constant 128 : i32
    %scan3A_3 = arith.addi %scan3A_1, %scan3A_2 : i32
    %scan3A_4 = arith.constant 1 : i32
    %scan3A_5 = scf.for %scan3A_59 = %scan3A_1 to %scan3A_3 step %scan3A_4 iter_args(%scan3A_60 = %scan3A) -> (i32)  : i32 {
      %broadcast_in_dim3A = arith.constant 0.000000e+00 : f32
      %broadcast_in_dim3A_61 = vector.broadcast %broadcast_in_dim3A : f32 to vector<16xf32>
      %swap3A = arith.index_cast %scan3A_59 : i32 to index
      %swap3A_62 = arith.constant 0 : index
      %swap3A_63 = tpu.vector_load %arg10[%swap3A, %swap3A_62] {strides = array<i32>} : memref<128x128xf32, #tpu.memory_space<vmem>>, vector<1x16xf32>,
      %swap3A_64 = vector.shape_cast %swap3A_63 : vector<1x16xf32> to vector<16xf32>
      %swap3A_65 = vector.shape_cast %broadcast_in_dim3A_61 : vector<16xf32> to vector<1x16xf32>
      tpu.vector_store %arg10[%swap3A, %swap3A_62], %swap3A_65 {strides = array<i32>} : memref<128x128xf32, #tpu.memory_space<vmem>>, vector<1x16xf32>,
      %broadcast_in_dim3A_66 = arith.constant 0.000000e+00 : f32
      %broadcast_in_dim3A_67 = vector.broadcast %broadcast_in_dim3A_66 : f32 to vector<16xf32>
      %swap3A_68 = arith.index_cast %scan3A_59 : i32 to index
      %swap3A_69 = arith.constant 16 : index
      %swap3A_70 = tpu.vector_load %arg10[%swap3A_68, %swap3A_69] {strides = array<i32>} : memref<128x128xf32, #tpu.memory_space<vmem>>, vector<1x16xf32>,
      %swap3A_71 = vector.shape_cast %swap3A_70 : vector<1x16xf32> to vector<16xf32>
      %swap3A_72 = vector.shape_cast %broadcast_in_dim3A_67 : vector<16xf32> to vector<1x16xf32>
      tpu.vector_store %arg10[%swap3A_68, %swap3A_69], %swap3A_72 {strides = array<i32>} : memref<128x128xf32, #tpu.memory_space<vmem>>, vector<1x16xf32>,
      %broadcast_in_dim3A_73 = arith.constant 0.000000e+00 : f32
      %broadcast_in_dim3A_74 = vector.broadcast %broadcast_in_dim3A_73 : f32 to vector<16xf32>
      %swap3A_75 = arith.index_cast %scan3A_59 : i32 to index
      %swap3A_76 = arith.constant 32 : index
      %swap3A_77 = tpu.vector_load %arg10[%swap3A_75, %swap3A_76] {strides = array<i32>} : memref<128x128xf32, #tpu.memory_space<vmem>>, vector<1x16xf32>,
      %swap3A_78 = vector.shape_cast %swap3A_77 : vector<1x16xf32> to vector<16xf32>
      %swap3A_79 = vector.shape_cast %broadcast_in_dim3A_74 : vector<16xf32> to vector<1x16xf32>
      tpu.vector_store %arg10[%swap3A_75, %swap3A_76], %swap3A_79 {strides = array<i32>} : memref<128x128xf32, #tpu.memory_space<vmem>>, vector<1x16xf32>,
      %broadcast_in_dim3A_80 = arith.constant 0.000000e+00 : f32
      %broadcast_in_dim3A_81 = vector.broadcast %broadcast_in_dim3A_80 : f32 to vector<16xf32>
      %swap3A_82 = arith.index_cast %scan3A_59 : i32 to index
      %swap3A_83 = arith.constant 48 : index
      %swap3A_84 = tpu.vector_load %arg10[%swap3A_82, %swap3A_83] {strides = array<i32>} : memref<128x128xf32, #tpu.memory_space<vmem>>, vector<1x16xf32>,
      %swap3A_85 = vector.shape_cast %swap3A_84 : vector<1x16xf32> to vector<16xf32>
      %swap3A_86 = vector.shape_cast %broadcast_in_dim3A_81 : vector<16xf32> to vector<1x16xf32>
      tpu.vector_store %arg10[%swap3A_82, %swap3A_83], %swap3A_86 {strides = array<i32>} : memref<128x128xf32, #tpu.memory_space<vmem>>, vector<1x16xf32>,
      %broadcast_in_dim3A_87 = arith.constant 0.000000e+00 : f32
      %broadcast_in_dim3A_88 = vector.broadcast %broadcast_in_dim3A_87 : f32 to vector<16xf32>
      %swap3A_89 = arith.index_cast %scan3A_59 : i32 to index
      %swap3A_90 = arith.constant 64 : index
      %swap3A_91 = tpu.vector_load %arg10[%swap3A_89, %swap3A_90] {strides = array<i32>} : memref<128x128xf32, #tpu.memory_space<vmem>>, vector<1x16xf32>,
      %swap3A_92 = vector.shape_cast %swap3A_91 : vector<1x16xf32> to vector<16xf32>
      %swap3A_93 = vector.shape_cast %broadcast_in_dim3A_88 : vector<16xf32> to vector<1x16xf32>
      tpu.vector_store %arg10[%swap3A_89, %swap3A_90], %swap3A_93 {strides = array<i32>} : memref<128x128xf32, #tpu.memory_space<vmem>>, vector<1x16xf32>,
      %broadcast_in_dim3A_94 = arith.constant 0.000000e+00 : f32
      %broadcast_in_dim3A_95 = vector.broadcast %broadcast_in_dim3A_94 : f32 to vector<16xf32>
      %swap3A_96 = arith.index_cast %scan3A_59 : i32 to index
      %swap3A_97 = arith.constant 80 : index
      %swap3A_98 = tpu.vector_load %arg10[%swap3A_96, %swap3A_97] {strides = array<i32>} : memref<128x128xf32, #tpu.memory_space<vmem>>, vector<1x16xf32>,
      %swap3A_99 = vector.shape_cast %swap3A_98 : vector<1x16xf32> to vector<16xf32>
      %swap3A_100 = vector.shape_cast %broadcast_in_dim3A_95 : vector<16xf32> to vector<1x16xf32>
      tpu.vector_store %arg10[%swap3A_96, %swap3A_97], %swap3A_100 {strides = array<i32>} : memref<128x128xf32, #tpu.memory_space<vmem>>, vector<1x16xf32>,
      %broadcast_in_dim3A_101 = arith.constant 0.000000e+00 : f32
      %broadcast_in_dim3A_102 = vector.broadcast %broadcast_in_dim3A_101 : f32 to vector<16xf32>
      %swap3A_103 = arith.index_cast %scan3A_59 : i32 to index
      %swap3A_104 = arith.constant 96 : index
      %swap3A_105 = tpu.vector_load %arg10[%swap3A_103, %swap3A_104] {strides = array<i32>} : memref<128x128xf32, #tpu.memory_space<vmem>>, vector<1x16xf32>,
      %swap3A_106 = vector.shape_cast %swap3A_105 : vector<1x16xf32> to vector<16xf32>
      %swap3A_107 = vector.shape_cast %broadcast_in_dim3A_102 : vector<16xf32> to vector<1x16xf32>
      tpu.vector_store %arg10[%swap3A_103, %swap3A_104], %swap3A_107 {strides = array<i32>} : memref<128x128xf32, #tpu.memory_space<vmem>>, vector<1x16xf32>,
      %broadcast_in_dim3A_108 = arith.constant 0.000000e+00 : f32
      %broadcast_in_dim3A_109 = vector.broadcast %broadcast_in_dim3A_108 : f32 to vector<16xf32>
      %swap3A_110 = arith.index_cast %scan3A_59 : i32 to index
      %swap3A_111 = arith.constant 112 : index
      %swap3A_112 = tpu.vector_load %arg10[%swap3A_110, %swap3A_111] {strides = array<i32>} : memref<128x128xf32, #tpu.memory_space<vmem>>, vector<1x16xf32>,
      %swap3A_113 = vector.shape_cast %swap3A_112 : vector<1x16xf32> to vector<16xf32>
      %swap3A_114 = vector.shape_cast %broadcast_in_dim3A_109 : vector<16xf32> to vector<1x16xf32>
      tpu.vector_store %arg10[%swap3A_110, %swap3A_111], %swap3A_114 {strides = array<i32>} : memref<128x128xf32, #tpu.memory_space<vmem>>, vector<1x16xf32>,
      %scan3A_115 = arith.constant 0 : i32
      scf.yield %scan3A_115 : i32
    }
    %scan3A_6 = arith.constant 128 : i32
    %mul3A_7 = arith.constant 640 : i32
    %mul3A_8 = arith.muli %arg1, %mul3A_7 : i32
    %add3A = arith.constant 0 : i32
    %add3A_9 = arith.addi %mul3A_8, %add3A : i32
    "tpu.region"() ({
      %run_scoped3A = tpu.sem_alloc : memref<!tpu.dma_semaphore, #tpu.memory_space<semaphore_mem>>
      %dma_start3A = arith.constant 0 : i32
      %dma_start3A_59 = tpu.memref_slice %arg12[%add3A_9, %dma_start3A] : memref<10240x128xf32, #tpu.memory_space<vmem_shared>> -> memref<128x128xf32, #tpu.memory_space<vmem_shared>>
      %dma_start3A_60 = arith.constant 0 : i32
      %dma_start3A_61 = tpu.memref_slice %arg12[%add3A_9, %dma_start3A_60] : memref<10240x128xf32, #tpu.memory_space<vmem_shared>> -> memref<128x128xf32, #tpu.memory_space<vmem_shared>>
      tpu.enqueue_dma source(%arg10 : memref<128x128xf32, #tpu.memory_space<vmem>>) target(%dma_start3A_61 : memref<128x128xf32, #tpu.memory_space<vmem_shared>>) target_semaphore(%run_scoped3A : memref<!tpu.dma_semaphore, #tpu.memory_space<semaphore_mem>>)
      %dma_wait3A_62 = arith.constant 0 : i32
      %dma_wait3A_63 = tpu.memref_slice %arg12[%add3A_9, %dma_wait3A_62] : memref<10240x128xf32, #tpu.memory_space<vmem_shared>> -> memref<128x128xf32, #tpu.memory_space<vmem_shared>>
      %dma_wait3A_64 = arith.constant 0 : i32
      %dma_wait3A_65 = tpu.memref_slice %arg12[%add3A_9, %dma_wait3A_64] : memref<10240x128xf32, #tpu.memory_space<vmem_shared>> -> memref<128x128xf32, #tpu.memory_space<vmem_shared>>
      tpu.wait_dma2 semaphore(%run_scoped3A : memref<!tpu.dma_semaphore, #tpu.memory_space<semaphore_mem>>) src(%arg10 : memref<128x128xf32, #tpu.memory_space<vmem>>) dst(%dma_wait3A_65 : memref<128x128xf32, #tpu.memory_space<vmem_shared>>)
      tpu.yield
    }) : () -> ()
    %mul3A_10 = arith.constant 640 : i32
    %mul3A_11 = arith.muli %arg1, %mul3A_10 : i32
    %add3A_12 = arith.constant 128 : i32
    %add3A_13 = arith.addi %mul3A_11, %add3A_12 : i32
    "tpu.region"() ({
      %run_scoped3A = tpu.sem_alloc : memref<!tpu.dma_semaphore, #tpu.memory_space<semaphore_mem>>
      %dma_start3A = arith.constant 0 : i32
      %dma_start3A_59 = tpu.memref_slice %arg12[%add3A_13, %dma_start3A] : memref<10240x128xf32, #tpu.memory_space<vmem_shared>> -> memref<128x128xf32, #tpu.memory_space<vmem_shared>>
      %dma_start3A_60 = arith.constant 0 : i32
      %dma_start3A_61 = tpu.memref_slice %arg12[%add3A_13, %dma_start3A_60] : memref<10240x128xf32, #tpu.memory_space<vmem_shared>> -> memref<128x128xf32, #tpu.memory_space<vmem_shared>>
      tpu.enqueue_dma source(%arg10 : memref<128x128xf32, #tpu.memory_space<vmem>>) target(%dma_start3A_61 : memref<128x128xf32, #tpu.memory_space<vmem_shared>>) target_semaphore(%run_scoped3A : memref<!tpu.dma_semaphore, #tpu.memory_space<semaphore_mem>>)
      %dma_wait3A_62 = arith.constant 0 : i32
      %dma_wait3A_63 = tpu.memref_slice %arg12[%add3A_13, %dma_wait3A_62] : memref<10240x128xf32, #tpu.memory_space<vmem_shared>> -> memref<128x128xf32, #tpu.memory_space<vmem_shared>>
      %dma_wait3A_64 = arith.constant 0 : i32
      %dma_wait3A_65 = tpu.memref_slice %arg12[%add3A_13, %dma_wait3A_64] : memref<10240x128xf32, #tpu.memory_space<vmem_shared>> -> memref<128x128xf32, #tpu.memory_space<vmem_shared>>
      tpu.wait_dma2 semaphore(%run_scoped3A : memref<!tpu.dma_semaphore, #tpu.memory_space<semaphore_mem>>) src(%arg10 : memref<128x128xf32, #tpu.memory_space<vmem>>) dst(%dma_wait3A_65 : memref<128x128xf32, #tpu.memory_space<vmem_shared>>)
      tpu.yield
    }) : () -> ()
    %mul3A_14 = arith.constant 640 : i32
    %mul3A_15 = arith.muli %arg1, %mul3A_14 : i32
    %add3A_16 = arith.constant 256 : i32
    %add3A_17 = arith.addi %mul3A_15, %add3A_16 : i32
    "tpu.region"() ({
      %run_scoped3A = tpu.sem_alloc : memref<!tpu.dma_semaphore, #tpu.memory_space<semaphore_mem>>
      %dma_start3A = arith.constant 0 : i32
      %dma_start3A_59 = tpu.memref_slice %arg12[%add3A_17, %dma_start3A] : memref<10240x128xf32, #tpu.memory_space<vmem_shared>> -> memref<128x128xf32, #tpu.memory_space<vmem_shared>>
      %dma_start3A_60 = arith.constant 0 : i32
      %dma_start3A_61 = tpu.memref_slice %arg12[%add3A_17, %dma_start3A_60] : memref<10240x128xf32, #tpu.memory_space<vmem_shared>> -> memref<128x128xf32, #tpu.memory_space<vmem_shared>>
      tpu.enqueue_dma source(%arg10 : memref<128x128xf32, #tpu.memory_space<vmem>>) target(%dma_start3A_61 : memref<128x128xf32, #tpu.memory_space<vmem_shared>>) target_semaphore(%run_scoped3A : memref<!tpu.dma_semaphore, #tpu.memory_space<semaphore_mem>>)
      %dma_wait3A_62 = arith.constant 0 : i32
      %dma_wait3A_63 = tpu.memref_slice %arg12[%add3A_17, %dma_wait3A_62] : memref<10240x128xf32, #tpu.memory_space<vmem_shared>> -> memref<128x128xf32, #tpu.memory_space<vmem_shared>>
      %dma_wait3A_64 = arith.constant 0 : i32
      %dma_wait3A_65 = tpu.memref_slice %arg12[%add3A_17, %dma_wait3A_64] : memref<10240x128xf32, #tpu.memory_space<vmem_shared>> -> memref<128x128xf32, #tpu.memory_space<vmem_shared>>
      tpu.wait_dma2 semaphore(%run_scoped3A : memref<!tpu.dma_semaphore, #tpu.memory_space<semaphore_mem>>) src(%arg10 : memref<128x128xf32, #tpu.memory_space<vmem>>) dst(%dma_wait3A_65 : memref<128x128xf32, #tpu.memory_space<vmem_shared>>)
      tpu.yield
    }) : () -> ()
    %mul3A_18 = arith.constant 640 : i32
    %mul3A_19 = arith.muli %arg1, %mul3A_18 : i32
    %add3A_20 = arith.constant 384 : i32
    %add3A_21 = arith.addi %mul3A_19, %add3A_20 : i32
    "tpu.region"() ({
      %run_scoped3A = tpu.sem_alloc : memref<!tpu.dma_semaphore, #tpu.memory_space<semaphore_mem>>
      %dma_start3A = arith.constant 0 : i32
      %dma_start3A_59 = tpu.memref_slice %arg12[%add3A_21, %dma_start3A] : memref<10240x128xf32, #tpu.memory_space<vmem_shared>> -> memref<128x128xf32, #tpu.memory_space<vmem_shared>>
      %dma_start3A_60 = arith.constant 0 : i32
      %dma_start3A_61 = tpu.memref_slice %arg12[%add3A_21, %dma_start3A_60] : memref<10240x128xf32, #tpu.memory_space<vmem_shared>> -> memref<128x128xf32, #tpu.memory_space<vmem_shared>>
      tpu.enqueue_dma source(%arg10 : memref<128x128xf32, #tpu.memory_space<vmem>>) target(%dma_start3A_61 : memref<128x128xf32, #tpu.memory_space<vmem_shared>>) target_semaphore(%run_scoped3A : memref<!tpu.dma_semaphore, #tpu.memory_space<semaphore_mem>>)
      %dma_wait3A_62 = arith.constant 0 : i32
      %dma_wait3A_63 = tpu.memref_slice %arg12[%add3A_21, %dma_wait3A_62] : memref<10240x128xf32, #tpu.memory_space<vmem_shared>> -> memref<128x128xf32, #tpu.memory_space<vmem_shared>>
      %dma_wait3A_64 = arith.constant 0 : i32
      %dma_wait3A_65 = tpu.memref_slice %arg12[%add3A_21, %dma_wait3A_64] : memref<10240x128xf32, #tpu.memory_space<vmem_shared>> -> memref<128x128xf32, #tpu.memory_space<vmem_shared>>
      tpu.wait_dma2 semaphore(%run_scoped3A : memref<!tpu.dma_semaphore, #tpu.memory_space<semaphore_mem>>) src(%arg10 : memref<128x128xf32, #tpu.memory_space<vmem>>) dst(%dma_wait3A_65 : memref<128x128xf32, #tpu.memory_space<vmem_shared>>)
      tpu.yield
    }) : () -> ()
    %mul3A_22 = arith.constant 640 : i32
    %mul3A_23 = arith.muli %arg1, %mul3A_22 : i32
    %add3A_24 = arith.constant 512 : i32
    %add3A_25 = arith.addi %mul3A_23, %add3A_24 : i32
    "tpu.region"() ({
      %run_scoped3A = tpu.sem_alloc : memref<!tpu.dma_semaphore, #tpu.memory_space<semaphore_mem>>
      %dma_start3A = arith.constant 0 : i32
      %dma_start3A_59 = tpu.memref_slice %arg12[%add3A_25, %dma_start3A] : memref<10240x128xf32, #tpu.memory_space<vmem_shared>> -> memref<128x128xf32, #tpu.memory_space<vmem_shared>>
      %dma_start3A_60 = arith.constant 0 : i32
      %dma_start3A_61 = tpu.memref_slice %arg12[%add3A_25, %dma_start3A_60] : memref<10240x128xf32, #tpu.memory_space<vmem_shared>> -> memref<128x128xf32, #tpu.memory_space<vmem_shared>>
      tpu.enqueue_dma source(%arg10 : memref<128x128xf32, #tpu.memory_space<vmem>>) target(%dma_start3A_61 : memref<128x128xf32, #tpu.memory_space<vmem_shared>>) target_semaphore(%run_scoped3A : memref<!tpu.dma_semaphore, #tpu.memory_space<semaphore_mem>>)
      %dma_wait3A_62 = arith.constant 0 : i32
      %dma_wait3A_63 = tpu.memref_slice %arg12[%add3A_25, %dma_wait3A_62] : memref<10240x128xf32, #tpu.memory_space<vmem_shared>> -> memref<128x128xf32, #tpu.memory_space<vmem_shared>>
      %dma_wait3A_64 = arith.constant 0 : i32
      %dma_wait3A_65 = tpu.memref_slice %arg12[%add3A_25, %dma_wait3A_64] : memref<10240x128xf32, #tpu.memory_space<vmem_shared>> -> memref<128x128xf32, #tpu.memory_space<vmem_shared>>
      tpu.wait_dma2 semaphore(%run_scoped3A : memref<!tpu.dma_semaphore, #tpu.memory_space<semaphore_mem>>) src(%arg10 : memref<128x128xf32, #tpu.memory_space<vmem>>) dst(%dma_wait3A_65 : memref<128x128xf32, #tpu.memory_space<vmem_shared>>)
      tpu.yield
    }) : () -> ()
    %barrier3A = arith.constant 0 : index
    tpu.barrier barrier_id(%barrier3A)
    %scan3A_26 = arith.constant 0 : i32
    %scan3A_27 = arith.constant 0 : i32
    %scan3A_28 = arith.constant 10 : i32
    %scan3A_29 = arith.addi %scan3A_27, %scan3A_28 : i32
    %scan3A_30 = arith.constant 1 : i32
    %scan3A_31 = scf.for %scan3A_59 = %scan3A_27 to %scan3A_29 step %scan3A_30 iter_args(%scan3A_60 = %scan3A_26) -> (i32)  : i32 {
      %mul3A_61 = arith.constant 2048 : i32
      %mul3A_62 = arith.muli %scan3A_59, %mul3A_61 : i32
      %add3A_63 = arith.addi %mul3A_0, %mul3A_62 : i32
      "tpu.region"() ({
        %run_scoped3A = tpu.sem_alloc : memref<!tpu.dma_semaphore, #tpu.memory_space<semaphore_mem>>
        %dma_start3A_1403 = tpu.memref_slice %arg3[%add3A_63] : memref<327680xi32, #tpu.memory_space<hbm>> -> memref<2048xi32, #tpu.memory_space<hbm>>
        %dma_start3A_1404 = tpu.memref_slice %arg3[%add3A_63] : memref<327680xi32, #tpu.memory_space<hbm>> -> memref<2048xi32, #tpu.memory_space<hbm>>
        tpu.enqueue_dma source(%dma_start3A_1404 : memref<2048xi32, #tpu.memory_space<hbm>>) target(%arg6 : memref<2048xi32, #tpu.memory_space<vmem>>) target_semaphore(%run_scoped3A : memref<!tpu.dma_semaphore, #tpu.memory_space<semaphore_mem>>)
        %dma_wait3A_1405 = tpu.memref_slice %arg3[%add3A_63] : memref<327680xi32, #tpu.memory_space<hbm>> -> memref<2048xi32, #tpu.memory_space<hbm>>
        %dma_wait3A_1406 = tpu.memref_slice %arg3[%add3A_63] : memref<327680xi32, #tpu.memory_space<hbm>> -> memref<2048xi32, #tpu.memory_space<hbm>>
        tpu.wait_dma2 semaphore(%run_scoped3A : memref<!tpu.dma_semaphore, #tpu.memory_space<semaphore_mem>>) src(%dma_wait3A_1406 : memref<2048xi32, #tpu.memory_space<hbm>>) dst(%arg6 : memref<2048xi32, #tpu.memory_space<vmem>>)
        tpu.yield
      }) : () -> ()
      "tpu.region"() ({
        %run_scoped3A = tpu.sem_alloc : memref<!tpu.dma_semaphore, #tpu.memory_space<semaphore_mem>>
        %dma_start3A_1403 = tpu.memref_slice %arg4[%add3A_63] : memref<327680xi32, #tpu.memory_space<hbm>> -> memref<2048xi32, #tpu.memory_space<hbm>>
        %dma_start3A_1404 = tpu.memref_slice %arg4[%add3A_63] : memref<327680xi32, #tpu.memory_space<hbm>> -> memref<2048xi32, #tpu.memory_space<hbm>>
        tpu.enqueue_dma source(%dma_start3A_1404 : memref<2048xi32, #tpu.memory_space<hbm>>) target(%arg7 : memref<2048xi32, #tpu.memory_space<vmem>>) target_semaphore(%run_scoped3A : memref<!tpu.dma_semaphore, #tpu.memory_space<semaphore_mem>>)
        %dma_wait3A_1405 = tpu.memref_slice %arg4[%add3A_63] : memref<327680xi32, #tpu.memory_space<hbm>> -> memref<2048xi32, #tpu.memory_space<hbm>>
        %dma_wait3A_1406 = tpu.memref_slice %arg4[%add3A_63] : memref<327680xi32, #tpu.memory_space<hbm>> -> memref<2048xi32, #tpu.memory_space<hbm>>
        tpu.wait_dma2 semaphore(%run_scoped3A : memref<!tpu.dma_semaphore, #tpu.memory_space<semaphore_mem>>) src(%dma_wait3A_1406 : memref<2048xi32, #tpu.memory_space<hbm>>) dst(%arg7 : memref<2048xi32, #tpu.memory_space<vmem>>)
        tpu.yield
      }) : () -> ()
      %mul3A_64 = arith.constant 8 : i32
      %mul3A_65 = arith.muli %scan3A_59, %mul3A_64 : i32
      %add3A_66 = arith.constant 0 : i32
      %add3A_67 = arith.addi %mul3A_65, %add3A_66 : i32
      %gt3A = arith.constant 0 : i32
      %gt3A_68 = arith.cmpi sgt, %add3A_67, %gt3A : i32
      %convert_element_type3A = arith.extui %gt3A_68 : i1 to i32
      %cond3A = arith.constant 0 : i32
      %cond3A_69 = arith.cmpi ne, %convert_element_type3A, %cond3A : i32
      scf.if %cond3A_69 {
        %dma_wait3A_1403 = arith.constant 0 : i32
        %dma_wait3A_1404 = arith.constant 0 : i32
        %dma_wait3A_1405 = tpu.memref_slice %arg12[%dma_wait3A_1403, %dma_wait3A_1404] : memref<10240x128xf32, #tpu.memory_space<vmem_shared>> -> memref<10240x128xf32, #tpu.memory_space<vmem_shared>>
        tpu.wait_indirect_dma semaphore(%arg15 : memref<!tpu.dma_semaphore, #tpu.memory_space<semaphore_mem>>) src(%arg10 : memref<128x128xf32, #tpu.memory_space<vmem>>) dst(%dma_wait3A_1405 : memref<10240x128xf32, #tpu.memory_space<vmem_shared>>)
      } else {
      }
      %get3A = arith.constant 0 : index
      %get3A_70 = tpu.vector_load %arg7[%get3A] {strides = array<i32>} : memref<2048xi32, #tpu.memory_space<vmem>>, vector<16xi32>,
      %get3A_71 = vector.shape_cast %get3A_70 : vector<16xi32> to vector<16xi32>
      %swap3A = arith.constant 0 : index
      %swap3A_72 = tpu.vector_load %arg8[%swap3A] {strides = array<i32>} : memref<128xi32, #tpu.memory_space<vmem>>, vector<16xi32>,
      %swap3A_73 = vector.shape_cast %swap3A_72 : vector<16xi32> to vector<16xi32>
      %swap3A_74 = vector.shape_cast %get3A_71 : vector<16xi32> to vector<16xi32>
      tpu.vector_store %arg8[%swap3A], %swap3A_74 {strides = array<i32>} : memref<128xi32, #tpu.memory_space<vmem>>, vector<16xi32>,
      %get3A_75 = arith.constant 16 : index
      %get3A_76 = tpu.vector_load %arg7[%get3A_75] {strides = array<i32>} : memref<2048xi32, #tpu.memory_space<vmem>>, vector<16xi32>,
      %get3A_77 = vector.shape_cast %get3A_76 : vector<16xi32> to vector<16xi32>
      %swap3A_78 = arith.constant 16 : index
      %swap3A_79 = tpu.vector_load %arg8[%swap3A_78] {strides = array<i32>} : memref<128xi32, #tpu.memory_space<vmem>>, vector<16xi32>,
      %swap3A_80 = vector.shape_cast %swap3A_79 : vector<16xi32> to vector<16xi32>
      %swap3A_81 = vector.shape_cast %get3A_77 : vector<16xi32> to vector<16xi32>
      tpu.vector_store %arg8[%swap3A_78], %swap3A_81 {strides = array<i32>} : memref<128xi32, #tpu.memory_space<vmem>>, vector<16xi32>,
      %get3A_82 = arith.constant 32 : index
      %get3A_83 = tpu.vector_load %arg7[%get3A_82] {strides = array<i32>} : memref<2048xi32, #tpu.memory_space<vmem>>, vector<16xi32>,
      %get3A_84 = vector.shape_cast %get3A_83 : vector<16xi32> to vector<16xi32>
      %swap3A_85 = arith.constant 32 : index
      %swap3A_86 = tpu.vector_load %arg8[%swap3A_85] {strides = array<i32>} : memref<128xi32, #tpu.memory_space<vmem>>, vector<16xi32>,
      %swap3A_87 = vector.shape_cast %swap3A_86 : vector<16xi32> to vector<16xi32>
      %swap3A_88 = vector.shape_cast %get3A_84 : vector<16xi32> to vector<16xi32>
      tpu.vector_store %arg8[%swap3A_85], %swap3A_88 {strides = array<i32>} : memref<128xi32, #tpu.memory_space<vmem>>, vector<16xi32>,
      %get3A_89 = arith.constant 48 : index
      %get3A_90 = tpu.vector_load %arg7[%get3A_89] {strides = array<i32>} : memref<2048xi32, #tpu.memory_space<vmem>>, vector<16xi32>,
      %get3A_91 = vector.shape_cast %get3A_90 : vector<16xi32> to vector<16xi32>
      %swap3A_92 = arith.constant 48 : index
      %swap3A_93 = tpu.vector_load %arg8[%swap3A_92] {strides = array<i32>} : memref<128xi32, #tpu.memory_space<vmem>>, vector<16xi32>,
      %swap3A_94 = vector.shape_cast %swap3A_93 : vector<16xi32> to vector<16xi32>
      %swap3A_95 = vector.shape_cast %get3A_91 : vector<16xi32> to vector<16xi32>
      tpu.vector_store %arg8[%swap3A_92], %swap3A_95 {strides = array<i32>} : memref<128xi32, #tpu.memory_space<vmem>>, vector<16xi32>,
      %get3A_96 = arith.constant 64 : index
      %get3A_97 = tpu.vector_load %arg7[%get3A_96] {strides = array<i32>} : memref<2048xi32, #tpu.memory_space<vmem>>, vector<16xi32>,
      %get3A_98 = vector.shape_cast %get3A_97 : vector<16xi32> to vector<16xi32>
      %swap3A_99 = arith.constant 64 : index
      %swap3A_100 = tpu.vector_load %arg8[%swap3A_99] {strides = array<i32>} : memref<128xi32, #tpu.memory_space<vmem>>, vector<16xi32>,
      %swap3A_101 = vector.shape_cast %swap3A_100 : vector<16xi32> to vector<16xi32>
      %swap3A_102 = vector.shape_cast %get3A_98 : vector<16xi32> to vector<16xi32>
      tpu.vector_store %arg8[%swap3A_99], %swap3A_102 {strides = array<i32>} : memref<128xi32, #tpu.memory_space<vmem>>, vector<16xi32>,
      %get3A_103 = arith.constant 80 : index
      %get3A_104 = tpu.vector_load %arg7[%get3A_103] {strides = array<i32>} : memref<2048xi32, #tpu.memory_space<vmem>>, vector<16xi32>,
      %get3A_105 = vector.shape_cast %get3A_104 : vector<16xi32> to vector<16xi32>
      %swap3A_106 = arith.constant 80 : index
      %swap3A_107 = tpu.vector_load %arg8[%swap3A_106] {strides = array<i32>} : memref<128xi32, #tpu.memory_space<vmem>>, vector<16xi32>,
      %swap3A_108 = vector.shape_cast %swap3A_107 : vector<16xi32> to vector<16xi32>
      %swap3A_109 = vector.shape_cast %get3A_105 : vector<16xi32> to vector<16xi32>
      tpu.vector_store %arg8[%swap3A_106], %swap3A_109 {strides = array<i32>} : memref<128xi32, #tpu.memory_space<vmem>>, vector<16xi32>,
      %get3A_110 = arith.constant 96 : index
      %get3A_111 = tpu.vector_load %arg7[%get3A_110] {strides = array<i32>} : memref<2048xi32, #tpu.memory_space<vmem>>, vector<16xi32>,
      %get3A_112 = vector.shape_cast %get3A_111 : vector<16xi32> to vector<16xi32>
      %swap3A_113 = arith.constant 96 : index
      %swap3A_114 = tpu.vector_load %arg8[%swap3A_113] {strides = array<i32>} : memref<128xi32, #tpu.memory_space<vmem>>, vector<16xi32>,
      %swap3A_115 = vector.shape_cast %swap3A_114 : vector<16xi32> to vector<16xi32>
      %swap3A_116 = vector.shape_cast %get3A_112 : vector<16xi32> to vector<16xi32>
      tpu.vector_store %arg8[%swap3A_113], %swap3A_116 {strides = array<i32>} : memref<128xi32, #tpu.memory_space<vmem>>, vector<16xi32>,
      %get3A_117 = arith.constant 112 : index
      %get3A_118 = tpu.vector_load %arg7[%get3A_117] {strides = array<i32>} : memref<2048xi32, #tpu.memory_space<vmem>>, vector<16xi32>,
      %get3A_119 = vector.shape_cast %get3A_118 : vector<16xi32> to vector<16xi32>
      %swap3A_120 = arith.constant 112 : index
      %swap3A_121 = tpu.vector_load %arg8[%swap3A_120] {strides = array<i32>} : memref<128xi32, #tpu.memory_space<vmem>>, vector<16xi32>,
      %swap3A_122 = vector.shape_cast %swap3A_121 : vector<16xi32> to vector<16xi32>
      %swap3A_123 = vector.shape_cast %get3A_119 : vector<16xi32> to vector<16xi32>
      tpu.vector_store %arg8[%swap3A_120], %swap3A_123 {strides = array<i32>} : memref<128xi32, #tpu.memory_space<vmem>>, vector<16xi32>,
      %dma_start3A = arith.constant 0 : i32
      %dma_start3A_124 = tpu.memref_slice %arg6[%dma_start3A] : memref<2048xi32, #tpu.memory_space<vmem>> -> memref<128xi32, #tpu.memory_space<vmem>>
      %dma_start3A_125 = arith.constant 0 : i32
      %dma_start3A_126 = arith.constant 0 : i32
      %dma_start3A_127 = tpu.memref_slice %arg2[%arg0, %dma_start3A_125, %dma_start3A_126] : memref<2x10240x128xf32, #tpu.memory_space<hbm>> -> memref<1x10240x128xf32, #tpu.memory_space<hbm>>
      %dma_start3A_128 = tpu.memref_squeeze %dma_start3A_127 : memref<1x10240x128xf32, #tpu.memory_space<hbm>> -> memref<10240x128xf32, #tpu.memory_space<hbm>>
      %dma_start3A_129 = arith.constant 0 : i32
      %dma_start3A_130 = arith.constant 0 : i32
      %dma_start3A_131 = tpu.memref_slice %dma_start3A_128[%dma_start3A_129, %dma_start3A_130] : memref<10240x128xf32, #tpu.memory_space<hbm>> -> memref<10240x128xf32, #tpu.memory_space<hbm>>
      tpu.enqueue_indirect_dma source(%dma_start3A_131 : memref<10240x128xf32, #tpu.memory_space<hbm>>) target(%arg10 : memref<128x128xf32, #tpu.memory_space<vmem>>) offsets(%dma_start3A_124 : memref<128xi32, #tpu.memory_space<vmem>>) semaphore(%arg13 : memref<!tpu.dma_semaphore, #tpu.memory_space<semaphore_mem>>)
      %gt3A_132 = arith.constant 0 : i32
      %gt3A_133 = arith.cmpi sgt, %add3A_67, %gt3A_132 : i32
      %convert_element_type3A_134 = arith.extui %gt3A_133 : i1 to i32
      %cond3A_135 = arith.constant 0 : i32
      %cond3A_136 = arith.cmpi ne, %convert_element_type3A_134, %cond3A_135 : i32
      scf.if %cond3A_136 {
        %dma_wait3A_1403 = arith.constant 0 : i32
        %dma_wait3A_1404 = arith.constant 0 : i32
        %dma_wait3A_1405 = tpu.memref_slice %arg12[%dma_wait3A_1403, %dma_wait3A_1404] : memref<10240x128xf32, #tpu.memory_space<vmem_shared>> -> memref<10240x128xf32, #tpu.memory_space<vmem_shared>>
        tpu.wait_indirect_dma semaphore(%arg16 : memref<!tpu.dma_semaphore, #tpu.memory_space<semaphore_mem>>) src(%arg11 : memref<128x128xf32, #tpu.memory_space<vmem>>) dst(%dma_wait3A_1405 : memref<10240x128xf32, #tpu.memory_space<vmem_shared>>)
      } else {
      }
      %get3A_137 = arith.constant 128 : index
      %get3A_138 = tpu.vector_load %arg7[%get3A_137] {strides = array<i32>} : memref<2048xi32, #tpu.memory_space<vmem>>, vector<16xi32>,
      %get3A_139 = vector.shape_cast %get3A_138 : vector<16xi32> to vector<16xi32>
      %swap3A_140 = arith.constant 0 : index
      %swap3A_141 = tpu.vector_load %arg9[%swap3A_140] {strides = array<i32>} : memref<128xi32, #tpu.memory_space<vmem>>, vector<16xi32>,
      %swap3A_142 = vector.shape_cast %swap3A_141 : vector<16xi32> to vector<16xi32>
      %swap3A_143 = vector.shape_cast %get3A_139 : vector<16xi32> to vector<16xi32>
      tpu.vector_store %arg9[%swap3A_140], %swap3A_143 {strides = array<i32>} : memref<128xi32, #tpu.memory_space<vmem>>, vector<16xi32>,
      %get3A_144 = arith.constant 144 : index
      %get3A_145 = tpu.vector_load %arg7[%get3A_144] {strides = array<i32>} : memref<2048xi32, #tpu.memory_space<vmem>>, vector<16xi32>,
      %get3A_146 = vector.shape_cast %get3A_145 : vector<16xi32> to vector<16xi32>
      %swap3A_147 = arith.constant 16 : index
      %swap3A_148 = tpu.vector_load %arg9[%swap3A_147] {strides = array<i32>} : memref<128xi32, #tpu.memory_space<vmem>>, vector<16xi32>,
      %swap3A_149 = vector.shape_cast %swap3A_148 : vector<16xi32> to vector<16xi32>
      %swap3A_150 = vector.shape_cast %get3A_146 : vector<16xi32> to vector<16xi32>
      tpu.vector_store %arg9[%swap3A_147], %swap3A_150 {strides = array<i32>} : memref<128xi32, #tpu.memory_space<vmem>>, vector<16xi32>,
      %get3A_151 = arith.constant 160 : index
      %get3A_152 = tpu.vector_load %arg7[%get3A_151] {strides = array<i32>} : memref<2048xi32, #tpu.memory_space<vmem>>, vector<16xi32>,
      %get3A_153 = vector.shape_cast %get3A_152 : vector<16xi32> to vector<16xi32>
      %swap3A_154 = arith.constant 32 : index
      %swap3A_155 = tpu.vector_load %arg9[%swap3A_154] {strides = array<i32>} : memref<128xi32, #tpu.memory_space<vmem>>, vector<16xi32>,
      %swap3A_156 = vector.shape_cast %swap3A_155 : vector<16xi32> to vector<16xi32>
      %swap3A_157 = vector.shape_cast %get3A_153 : vector<16xi32> to vector<16xi32>
      tpu.vector_store %arg9[%swap3A_154], %swap3A_157 {strides = array<i32>} : memref<128xi32, #tpu.memory_space<vmem>>, vector<16xi32>,
      %get3A_158 = arith.constant 176 : index
      %get3A_159 = tpu.vector_load %arg7[%get3A_158] {strides = array<i32>} : memref<2048xi32, #tpu.memory_space<vmem>>, vector<16xi32>,
      %get3A_160 = vector.shape_cast %get3A_159 : vector<16xi32> to vector<16xi32>
      %swap3A_161 = arith.constant 48 : index
      %swap3A_162 = tpu.vector_load %arg9[%swap3A_161] {strides = array<i32>} : memref<128xi32, #tpu.memory_space<vmem>>, vector<16xi32>,
      %swap3A_163 = vector.shape_cast %swap3A_162 : vector<16xi32> to vector<16xi32>
      %swap3A_164 = vector.shape_cast %get3A_160 : vector<16xi32> to vector<16xi32>
      tpu.vector_store %arg9[%swap3A_161], %swap3A_164 {strides = array<i32>} : memref<128xi32, #tpu.memory_space<vmem>>, vector<16xi32>,
      %get3A_165 = arith.constant 192 : index
      %get3A_166 = tpu.vector_load %arg7[%get3A_165] {strides = array<i32>} : memref<2048xi32, #tpu.memory_space<vmem>>, vector<16xi32>,
      %get3A_167 = vector.shape_cast %get3A_166 : vector<16xi32> to vector<16xi32>
      %swap3A_168 = arith.constant 64 : index
      %swap3A_169 = tpu.vector_load %arg9[%swap3A_168] {strides = array<i32>} : memref<128xi32, #tpu.memory_space<vmem>>, vector<16xi32>,
      %swap3A_170 = vector.shape_cast %swap3A_169 : vector<16xi32> to vector<16xi32>
      %swap3A_171 = vector.shape_cast %get3A_167 : vector<16xi32> to vector<16xi32>
      tpu.vector_store %arg9[%swap3A_168], %swap3A_171 {strides = array<i32>} : memref<128xi32, #tpu.memory_space<vmem>>, vector<16xi32>,
      %get3A_172 = arith.constant 208 : index
      %get3A_173 = tpu.vector_load %arg7[%get3A_172] {strides = array<i32>} : memref<2048xi32, #tpu.memory_space<vmem>>, vector<16xi32>,
      %get3A_174 = vector.shape_cast %get3A_173 : vector<16xi32> to vector<16xi32>
      %swap3A_175 = arith.constant 80 : index
      %swap3A_176 = tpu.vector_load %arg9[%swap3A_175] {strides = array<i32>} : memref<128xi32, #tpu.memory_space<vmem>>, vector<16xi32>,
      %swap3A_177 = vector.shape_cast %swap3A_176 : vector<16xi32> to vector<16xi32>
      %swap3A_178 = vector.shape_cast %get3A_174 : vector<16xi32> to vector<16xi32>
      tpu.vector_store %arg9[%swap3A_175], %swap3A_178 {strides = array<i32>} : memref<128xi32, #tpu.memory_space<vmem>>, vector<16xi32>,
      %get3A_179 = arith.constant 224 : index
      %get3A_180 = tpu.vector_load %arg7[%get3A_179] {strides = array<i32>} : memref<2048xi32, #tpu.memory_space<vmem>>, vector<16xi32>,
      %get3A_181 = vector.shape_cast %get3A_180 : vector<16xi32> to vector<16xi32>
      %swap3A_182 = arith.constant 96 : index
      %swap3A_183 = tpu.vector_load %arg9[%swap3A_182] {strides = array<i32>} : memref<128xi32, #tpu.memory_space<vmem>>, vector<16xi32>,
      %swap3A_184 = vector.shape_cast %swap3A_183 : vector<16xi32> to vector<16xi32>
      %swap3A_185 = vector.shape_cast %get3A_181 : vector<16xi32> to vector<16xi32>
      tpu.vector_store %arg9[%swap3A_182], %swap3A_185 {strides = array<i32>} : memref<128xi32, #tpu.memory_space<vmem>>, vector<16xi32>,
      %get3A_186 = arith.constant 240 : index
      %get3A_187 = tpu.vector_load %arg7[%get3A_186] {strides = array<i32>} : memref<2048xi32, #tpu.memory_space<vmem>>, vector<16xi32>,
      %get3A_188 = vector.shape_cast %get3A_187 : vector<16xi32> to vector<16xi32>
      %swap3A_189 = arith.constant 112 : index
      %swap3A_190 = tpu.vector_load %arg9[%swap3A_189] {strides = array<i32>} : memref<128xi32, #tpu.memory_space<vmem>>, vector<16xi32>,
      %swap3A_191 = vector.shape_cast %swap3A_190 : vector<16xi32> to vector<16xi32>
      %swap3A_192 = vector.shape_cast %get3A_188 : vector<16xi32> to vector<16xi32>
      tpu.vector_store %arg9[%swap3A_189], %swap3A_192 {strides = array<i32>} : memref<128xi32, #tpu.memory_space<vmem>>, vector<16xi32>,
      %dma_start3A_193 = arith.constant 128 : i32
      %dma_start3A_194 = tpu.memref_slice %arg6[%dma_start3A_193] : memref<2048xi32, #tpu.memory_space<vmem>> -> memref<128xi32, #tpu.memory_space<vmem>>
      %dma_start3A_195 = arith.constant 0 : i32
      %dma_start3A_196 = arith.constant 0 : i32
      %dma_start3A_197 = tpu.memref_slice %arg2[%arg0, %dma_start3A_195, %dma_start3A_196] : memref<2x10240x128xf32, #tpu.memory_space<hbm>> -> memref<1x10240x128xf32, #tpu.memory_space<hbm>>
      %dma_start3A_198 = tpu.memref_squeeze %dma_start3A_197 : memref<1x10240x128xf32, #tpu.memory_space<hbm>> -> memref<10240x128xf32, #tpu.memory_space<hbm>>
      %dma_start3A_199 = arith.constant 0 : i32
      %dma_start3A_200 = arith.constant 0 : i32
      %dma_start3A_201 = tpu.memref_slice %dma_start3A_198[%dma_start3A_199, %dma_start3A_200] : memref<10240x128xf32, #tpu.memory_space<hbm>> -> memref<10240x128xf32, #tpu.memory_space<hbm>>
      tpu.enqueue_indirect_dma source(%dma_start3A_201 : memref<10240x128xf32, #tpu.memory_space<hbm>>) target(%arg11 : memref<128x128xf32, #tpu.memory_space<vmem>>) offsets(%dma_start3A_194 : memref<128xi32, #tpu.memory_space<vmem>>) semaphore(%arg14 : memref<!tpu.dma_semaphore, #tpu.memory_space<semaphore_mem>>)
      %dma_wait3A_202 = arith.constant 0 : i32
      %dma_wait3A_203 = tpu.memref_slice %arg6[%dma_wait3A_202] : memref<2048xi32, #tpu.memory_space<vmem>> -> memref<128xi32, #tpu.memory_space<vmem>>
      %dma_wait3A_204 = arith.constant 0 : i32
      %dma_wait3A_205 = arith.constant 0 : i32
      %dma_wait3A_206 = tpu.memref_slice %arg2[%arg0, %dma_wait3A_204, %dma_wait3A_205] : memref<2x10240x128xf32, #tpu.memory_space<hbm>> -> memref<1x10240x128xf32, #tpu.memory_space<hbm>>
      %dma_wait3A_207 = tpu.memref_squeeze %dma_wait3A_206 : memref<1x10240x128xf32, #tpu.memory_space<hbm>> -> memref<10240x128xf32, #tpu.memory_space<hbm>>
      %dma_wait3A_208 = arith.constant 0 : i32
      %dma_wait3A_209 = arith.constant 0 : i32
      %dma_wait3A_210 = tpu.memref_slice %dma_wait3A_207[%dma_wait3A_208, %dma_wait3A_209] : memref<10240x128xf32, #tpu.memory_space<hbm>> -> memref<10240x128xf32, #tpu.memory_space<hbm>>
      tpu.wait_indirect_dma semaphore(%arg13 : memref<!tpu.dma_semaphore, #tpu.memory_space<semaphore_mem>>) src(%dma_wait3A_210 : memref<10240x128xf32, #tpu.memory_space<hbm>>) dst(%arg10 : memref<128x128xf32, #tpu.memory_space<vmem>>)
      %dma_start3A_211 = arith.constant 0 : i32
      %dma_start3A_212 = arith.constant 0 : i32
      %dma_start3A_213 = tpu.memref_slice %arg12[%dma_start3A_211, %dma_start3A_212] : memref<10240x128xf32, #tpu.memory_space<vmem_shared>> -> memref<10240x128xf32, #tpu.memory_space<vmem_shared>>
      tpu.enqueue_indirect_dma source(%arg10 : memref<128x128xf32, #tpu.memory_space<vmem>>) target(%dma_start3A_213 : memref<10240x128xf32, #tpu.memory_space<vmem_shared>>) offsets(%arg8 : memref<128xi32, #tpu.memory_space<vmem>>) semaphore(%arg15 : memref<!tpu.dma_semaphore, #tpu.memory_space<semaphore_mem>>) {add = true}
      %dma_wait3A_214 = arith.constant 128 : i32
      %dma_wait3A_215 = tpu.memref_slice %arg6[%dma_wait3A_214] : memref<2048xi32, #tpu.memory_space<vmem>> -> memref<128xi32, #tpu.memory_space<vmem>>
      %dma_wait3A_216 = arith.constant 0 : i32
      %dma_wait3A_217 = arith.constant 0 : i32
      %dma_wait3A_218 = tpu.memref_slice %arg2[%arg0, %dma_wait3A_216, %dma_wait3A_217] : memref<2x10240x128xf32, #tpu.memory_space<hbm>> -> memref<1x10240x128xf32, #tpu.memory_space<hbm>>
      %dma_wait3A_219 = tpu.memref_squeeze %dma_wait3A_218 : memref<1x10240x128xf32, #tpu.memory_space<hbm>> -> memref<10240x128xf32, #tpu.memory_space<hbm>>
      %dma_wait3A_220 = arith.constant 0 : i32
      %dma_wait3A_221 = arith.constant 0 : i32
      %dma_wait3A_222 = tpu.memref_slice %dma_wait3A_219[%dma_wait3A_220, %dma_wait3A_221] : memref<10240x128xf32, #tpu.memory_space<hbm>> -> memref<10240x128xf32, #tpu.memory_space<hbm>>
      tpu.wait_indirect_dma semaphore(%arg14 : memref<!tpu.dma_semaphore, #tpu.memory_space<semaphore_mem>>) src(%dma_wait3A_222 : memref<10240x128xf32, #tpu.memory_space<hbm>>) dst(%arg11 : memref<128x128xf32, #tpu.memory_space<vmem>>)
      %dma_start3A_223 = arith.constant 0 : i32
      %dma_start3A_224 = arith.constant 0 : i32
      %dma_start3A_225 = tpu.memref_slice %arg12[%dma_start3A_223, %dma_start3A_224] : memref<10240x128xf32, #tpu.memory_space<vmem_shared>> -> memref<10240x128xf32, #tpu.memory_space<vmem_shared>>
      tpu.enqueue_indirect_dma source(%arg11 : memref<128x128xf32, #tpu.memory_space<vmem>>) target(%dma_start3A_225 : memref<10240x128xf32, #tpu.memory_space<vmem_shared>>) offsets(%arg9 : memref<128xi32, #tpu.memory_space<vmem>>) semaphore(%arg16 : memref<!tpu.dma_semaphore, #tpu.memory_space<semaphore_mem>>) {add = true}
      %mul3A_226 = arith.constant 8 : i32
      %mul3A_227 = arith.muli %scan3A_59, %mul3A_226 : i32
      %add3A_228 = arith.constant 1 : i32
      %add3A_229 = arith.addi %mul3A_227, %add3A_228 : i32
      %gt3A_230 = arith.constant 0 : i32
      %gt3A_231 = arith.cmpi sgt, %add3A_229, %gt3A_230 : i32
      %convert_element_type3A_232 = arith.extui %gt3A_231 : i1 to i32
      %cond3A_233 = arith.constant 0 : i32
      %cond3A_234 = arith.cmpi ne, %convert_element_type3A_232, %cond3A_233 : i32
      scf.if %cond3A_234 {
        %dma_wait3A_1403 = arith.constant 0 : i32
        %dma_wait3A_1404 = arith.constant 0 : i32
        %dma_wait3A_1405 = tpu.memref_slice %arg12[%dma_wait3A_1403, %dma_wait3A_1404] : memref<10240x128xf32, #tpu.memory_space<vmem_shared>> -> memref<10240x128xf32, #tpu.memory_space<vmem_shared>>
        tpu.wait_indirect_dma semaphore(%arg15 : memref<!tpu.dma_semaphore, #tpu.memory_space<semaphore_mem>>) src(%arg10 : memref<128x128xf32, #tpu.memory_space<vmem>>) dst(%dma_wait3A_1405 : memref<10240x128xf32, #tpu.memory_space<vmem_shared>>)
      } else {
      }
      %get3A_235 = arith.constant 256 : index
      %get3A_236 = tpu.vector_load %arg7[%get3A_235] {strides = array<i32>} : memref<2048xi32, #tpu.memory_space<vmem>>, vector<16xi32>,
      %get3A_237 = vector.shape_cast %get3A_236 : vector<16xi32> to vector<16xi32>
      %swap3A_238 = arith.constant 0 : index
      %swap3A_239 = tpu.vector_load %arg8[%swap3A_238] {strides = array<i32>} : memref<128xi32, #tpu.memory_space<vmem>>, vector<16xi32>,
      %swap3A_240 = vector.shape_cast %swap3A_239 : vector<16xi32> to vector<16xi32>
      %swap3A_241 = vector.shape_cast %get3A_237 : vector<16xi32> to vector<16xi32>
      tpu.vector_store %arg8[%swap3A_238], %swap3A_241 {strides = array<i32>} : memref<128xi32, #tpu.memory_space<vmem>>, vector<16xi32>,
      %get3A_242 = arith.constant 272 : index
      %get3A_243 = tpu.vector_load %arg7[%get3A_242] {strides = array<i32>} : memref<2048xi32, #tpu.memory_space<vmem>>, vector<16xi32>,
      %get3A_244 = vector.shape_cast %get3A_243 : vector<16xi32> to vector<16xi32>
      %swap3A_245 = arith.constant 16 : index
      %swap3A_246 = tpu.vector_load %arg8[%swap3A_245] {strides = array<i32>} : memref<128xi32, #tpu.memory_space<vmem>>, vector<16xi32>,
      %swap3A_247 = vector.shape_cast %swap3A_246 : vector<16xi32> to vector<16xi32>
      %swap3A_248 = vector.shape_cast %get3A_244 : vector<16xi32> to vector<16xi32>
      tpu.vector_store %arg8[%swap3A_245], %swap3A_248 {strides = array<i32>} : memref<128xi32, #tpu.memory_space<vmem>>, vector<16xi32>,
      %get3A_249 = arith.constant 288 : index
      %get3A_250 = tpu.vector_load %arg7[%get3A_249] {strides = array<i32>} : memref<2048xi32, #tpu.memory_space<vmem>>, vector<16xi32>,
      %get3A_251 = vector.shape_cast %get3A_250 : vector<16xi32> to vector<16xi32>
      %swap3A_252 = arith.constant 32 : index
      %swap3A_253 = tpu.vector_load %arg8[%swap3A_252] {strides = array<i32>} : memref<128xi32, #tpu.memory_space<vmem>>, vector<16xi32>,
      %swap3A_254 = vector.shape_cast %swap3A_253 : vector<16xi32> to vector<16xi32>
      %swap3A_255 = vector.shape_cast %get3A_251 : vector<16xi32> to vector<16xi32>
      tpu.vector_store %arg8[%swap3A_252], %swap3A_255 {strides = array<i32>} : memref<128xi32, #tpu.memory_space<vmem>>, vector<16xi32>,
      %get3A_256 = arith.constant 304 : index
      %get3A_257 = tpu.vector_load %arg7[%get3A_256] {strides = array<i32>} : memref<2048xi32, #tpu.memory_space<vmem>>, vector<16xi32>,
      %get3A_258 = vector.shape_cast %get3A_257 : vector<16xi32> to vector<16xi32>
      %swap3A_259 = arith.constant 48 : index
      %swap3A_260 = tpu.vector_load %arg8[%swap3A_259] {strides = array<i32>} : memref<128xi32, #tpu.memory_space<vmem>>, vector<16xi32>,
      %swap3A_261 = vector.shape_cast %swap3A_260 : vector<16xi32> to vector<16xi32>
      %swap3A_262 = vector.shape_cast %get3A_258 : vector<16xi32> to vector<16xi32>
      tpu.vector_store %arg8[%swap3A_259], %swap3A_262 {strides = array<i32>} : memref<128xi32, #tpu.memory_space<vmem>>, vector<16xi32>,
      %get3A_263 = arith.constant 320 : index
      %get3A_264 = tpu.vector_load %arg7[%get3A_263] {strides = array<i32>} : memref<2048xi32, #tpu.memory_space<vmem>>, vector<16xi32>,
      %get3A_265 = vector.shape_cast %get3A_264 : vector<16xi32> to vector<16xi32>
      %swap3A_266 = arith.constant 64 : index
      %swap3A_267 = tpu.vector_load %arg8[%swap3A_266] {strides = array<i32>} : memref<128xi32, #tpu.memory_space<vmem>>, vector<16xi32>,
      %swap3A_268 = vector.shape_cast %swap3A_267 : vector<16xi32> to vector<16xi32>
      %swap3A_269 = vector.shape_cast %get3A_265 : vector<16xi32> to vector<16xi32>
      tpu.vector_store %arg8[%swap3A_266], %swap3A_269 {strides = array<i32>} : memref<128xi32, #tpu.memory_space<vmem>>, vector<16xi32>,
      %get3A_270 = arith.constant 336 : index
      %get3A_271 = tpu.vector_load %arg7[%get3A_270] {strides = array<i32>} : memref<2048xi32, #tpu.memory_space<vmem>>, vector<16xi32>,
      %get3A_272 = vector.shape_cast %get3A_271 : vector<16xi32> to vector<16xi32>
      %swap3A_273 = arith.constant 80 : index
      %swap3A_274 = tpu.vector_load %arg8[%swap3A_273] {strides = array<i32>} : memref<128xi32, #tpu.memory_space<vmem>>, vector<16xi32>,
      %swap3A_275 = vector.shape_cast %swap3A_274 : vector<16xi32> to vector<16xi32>
      %swap3A_276 = vector.shape_cast %get3A_272 : vector<16xi32> to vector<16xi32>
      tpu.vector_store %arg8[%swap3A_273], %swap3A_276 {strides = array<i32>} : memref<128xi32, #tpu.memory_space<vmem>>, vector<16xi32>,
      %get3A_277 = arith.constant 352 : index
      %get3A_278 = tpu.vector_load %arg7[%get3A_277] {strides = array<i32>} : memref<2048xi32, #tpu.memory_space<vmem>>, vector<16xi32>,
      %get3A_279 = vector.shape_cast %get3A_278 : vector<16xi32> to vector<16xi32>
      %swap3A_280 = arith.constant 96 : index
      %swap3A_281 = tpu.vector_load %arg8[%swap3A_280] {strides = array<i32>} : memref<128xi32, #tpu.memory_space<vmem>>, vector<16xi32>,
      %swap3A_282 = vector.shape_cast %swap3A_281 : vector<16xi32> to vector<16xi32>
      %swap3A_283 = vector.shape_cast %get3A_279 : vector<16xi32> to vector<16xi32>
      tpu.vector_store %arg8[%swap3A_280], %swap3A_283 {strides = array<i32>} : memref<128xi32, #tpu.memory_space<vmem>>, vector<16xi32>,
      %get3A_284 = arith.constant 368 : index
      %get3A_285 = tpu.vector_load %arg7[%get3A_284] {strides = array<i32>} : memref<2048xi32, #tpu.memory_space<vmem>>, vector<16xi32>,
      %get3A_286 = vector.shape_cast %get3A_285 : vector<16xi32> to vector<16xi32>
      %swap3A_287 = arith.constant 112 : index
      %swap3A_288 = tpu.vector_load %arg8[%swap3A_287] {strides = array<i32>} : memref<128xi32, #tpu.memory_space<vmem>>, vector<16xi32>,
      %swap3A_289 = vector.shape_cast %swap3A_288 : vector<16xi32> to vector<16xi32>
      %swap3A_290 = vector.shape_cast %get3A_286 : vector<16xi32> to vector<16xi32>
      tpu.vector_store %arg8[%swap3A_287], %swap3A_290 {strides = array<i32>} : memref<128xi32, #tpu.memory_space<vmem>>, vector<16xi32>,
      %dma_start3A_291 = arith.constant 256 : i32
      %dma_start3A_292 = tpu.memref_slice %arg6[%dma_start3A_291] : memref<2048xi32, #tpu.memory_space<vmem>> -> memref<128xi32, #tpu.memory_space<vmem>>
      %dma_start3A_293 = arith.constant 0 : i32
      %dma_start3A_294 = arith.constant 0 : i32
      %dma_start3A_295 = tpu.memref_slice %arg2[%arg0, %dma_start3A_293, %dma_start3A_294] : memref<2x10240x128xf32, #tpu.memory_space<hbm>> -> memref<1x10240x128xf32, #tpu.memory_space<hbm>>
      %dma_start3A_296 = tpu.memref_squeeze %dma_start3A_295 : memref<1x10240x128xf32, #tpu.memory_space<hbm>> -> memref<10240x128xf32, #tpu.memory_space<hbm>>
      %dma_start3A_297 = arith.constant 0 : i32
      %dma_start3A_298 = arith.constant 0 : i32
      %dma_start3A_299 = tpu.memref_slice %dma_start3A_296[%dma_start3A_297, %dma_start3A_298] : memref<10240x128xf32, #tpu.memory_space<hbm>> -> memref<10240x128xf32, #tpu.memory_space<hbm>>
      tpu.enqueue_indirect_dma source(%dma_start3A_299 : memref<10240x128xf32, #tpu.memory_space<hbm>>) target(%arg10 : memref<128x128xf32, #tpu.memory_space<vmem>>) offsets(%dma_start3A_292 : memref<128xi32, #tpu.memory_space<vmem>>) semaphore(%arg13 : memref<!tpu.dma_semaphore, #tpu.memory_space<semaphore_mem>>)
      %gt3A_300 = arith.constant 0 : i32
      %gt3A_301 = arith.cmpi sgt, %add3A_229, %gt3A_300 : i32
      %convert_element_type3A_302 = arith.extui %gt3A_301 : i1 to i32
      %cond3A_303 = arith.constant 0 : i32
      %cond3A_304 = arith.cmpi ne, %convert_element_type3A_302, %cond3A_303 : i32
      scf.if %cond3A_304 {
        %dma_wait3A_1403 = arith.constant 0 : i32
        %dma_wait3A_1404 = arith.constant 0 : i32
        %dma_wait3A_1405 = tpu.memref_slice %arg12[%dma_wait3A_1403, %dma_wait3A_1404] : memref<10240x128xf32, #tpu.memory_space<vmem_shared>> -> memref<10240x128xf32, #tpu.memory_space<vmem_shared>>
        tpu.wait_indirect_dma semaphore(%arg16 : memref<!tpu.dma_semaphore, #tpu.memory_space<semaphore_mem>>) src(%arg11 : memref<128x128xf32, #tpu.memory_space<vmem>>) dst(%dma_wait3A_1405 : memref<10240x128xf32, #tpu.memory_space<vmem_shared>>)
      } else {
      }
      %get3A_305 = arith.constant 384 : index
      %get3A_306 = tpu.vector_load %arg7[%get3A_305] {strides = array<i32>} : memref<2048xi32, #tpu.memory_space<vmem>>, vector<16xi32>,
      %get3A_307 = vector.shape_cast %get3A_306 : vector<16xi32> to vector<16xi32>
      %swap3A_308 = arith.constant 0 : index
      %swap3A_309 = tpu.vector_load %arg9[%swap3A_308] {strides = array<i32>} : memref<128xi32, #tpu.memory_space<vmem>>, vector<16xi32>,
      %swap3A_310 = vector.shape_cast %swap3A_309 : vector<16xi32> to vector<16xi32>
      %swap3A_311 = vector.shape_cast %get3A_307 : vector<16xi32> to vector<16xi32>
      tpu.vector_store %arg9[%swap3A_308], %swap3A_311 {strides = array<i32>} : memref<128xi32, #tpu.memory_space<vmem>>, vector<16xi32>,
      %get3A_312 = arith.constant 400 : index
      %get3A_313 = tpu.vector_load %arg7[%get3A_312] {strides = array<i32>} : memref<2048xi32, #tpu.memory_space<vmem>>, vector<16xi32>,
      %get3A_314 = vector.shape_cast %get3A_313 : vector<16xi32> to vector<16xi32>
      %swap3A_315 = arith.constant 16 : index
      %swap3A_316 = tpu.vector_load %arg9[%swap3A_315] {strides = array<i32>} : memref<128xi32, #tpu.memory_space<vmem>>, vector<16xi32>,
      %swap3A_317 = vector.shape_cast %swap3A_316 : vector<16xi32> to vector<16xi32>
      %swap3A_318 = vector.shape_cast %get3A_314 : vector<16xi32> to vector<16xi32>
      tpu.vector_store %arg9[%swap3A_315], %swap3A_318 {strides = array<i32>} : memref<128xi32, #tpu.memory_space<vmem>>, vector<16xi32>,
      %get3A_319 = arith.constant 416 : index
      %get3A_320 = tpu.vector_load %arg7[%get3A_319] {strides = array<i32>} : memref<2048xi32, #tpu.memory_space<vmem>>, vector<16xi32>,
      %get3A_321 = vector.shape_cast %get3A_320 : vector<16xi32> to vector<16xi32>
      %swap3A_322 = arith.constant 32 : index
      %swap3A_323 = tpu.vector_load %arg9[%swap3A_322] {strides = array<i32>} : memref<128xi32, #tpu.memory_space<vmem>>, vector<16xi32>,
      %swap3A_324 = vector.shape_cast %swap3A_323 : vector<16xi32> to vector<16xi32>
      %swap3A_325 = vector.shape_cast %get3A_321 : vector<16xi32> to vector<16xi32>
      tpu.vector_store %arg9[%swap3A_322], %swap3A_325 {strides = array<i32>} : memref<128xi32, #tpu.memory_space<vmem>>, vector<16xi32>,
      %get3A_326 = arith.constant 432 : index
      %get3A_327 = tpu.vector_load %arg7[%get3A_326] {strides = array<i32>} : memref<2048xi32, #tpu.memory_space<vmem>>, vector<16xi32>,
      %get3A_328 = vector.shape_cast %get3A_327 : vector<16xi32> to vector<16xi32>
      %swap3A_329 = arith.constant 48 : index
      %swap3A_330 = tpu.vector_load %arg9[%swap3A_329] {strides = array<i32>} : memref<128xi32, #tpu.memory_space<vmem>>, vector<16xi32>,
      %swap3A_331 = vector.shape_cast %swap3A_330 : vector<16xi32> to vector<16xi32>
      %swap3A_332 = vector.shape_cast %get3A_328 : vector<16xi32> to vector<16xi32>
      tpu.vector_store %arg9[%swap3A_329], %swap3A_332 {strides = array<i32>} : memref<128xi32, #tpu.memory_space<vmem>>, vector<16xi32>,
      %get3A_333 = arith.constant 448 : index
      %get3A_334 = tpu.vector_load %arg7[%get3A_333] {strides = array<i32>} : memref<2048xi32, #tpu.memory_space<vmem>>, vector<16xi32>,
      %get3A_335 = vector.shape_cast %get3A_334 : vector<16xi32> to vector<16xi32>
      %swap3A_336 = arith.constant 64 : index
      %swap3A_337 = tpu.vector_load %arg9[%swap3A_336] {strides = array<i32>} : memref<128xi32, #tpu.memory_space<vmem>>, vector<16xi32>,
      %swap3A_338 = vector.shape_cast %swap3A_337 : vector<16xi32> to vector<16xi32>
      %swap3A_339 = vector.shape_cast %get3A_335 : vector<16xi32> to vector<16xi32>
      tpu.vector_store %arg9[%swap3A_336], %swap3A_339 {strides = array<i32>} : memref<128xi32, #tpu.memory_space<vmem>>, vector<16xi32>,
      %get3A_340 = arith.constant 464 : index
      %get3A_341 = tpu.vector_load %arg7[%get3A_340] {strides = array<i32>} : memref<2048xi32, #tpu.memory_space<vmem>>, vector<16xi32>,
      %get3A_342 = vector.shape_cast %get3A_341 : vector<16xi32> to vector<16xi32>
      %swap3A_343 = arith.constant 80 : index
      %swap3A_344 = tpu.vector_load %arg9[%swap3A_343] {strides = array<i32>} : memref<128xi32, #tpu.memory_space<vmem>>, vector<16xi32>,
      %swap3A_345 = vector.shape_cast %swap3A_344 : vector<16xi32> to vector<16xi32>
      %swap3A_346 = vector.shape_cast %get3A_342 : vector<16xi32> to vector<16xi32>
      tpu.vector_store %arg9[%swap3A_343], %swap3A_346 {strides = array<i32>} : memref<128xi32, #tpu.memory_space<vmem>>, vector<16xi32>,
      %get3A_347 = arith.constant 480 : index
      %get3A_348 = tpu.vector_load %arg7[%get3A_347] {strides = array<i32>} : memref<2048xi32, #tpu.memory_space<vmem>>, vector<16xi32>,
      %get3A_349 = vector.shape_cast %get3A_348 : vector<16xi32> to vector<16xi32>
      %swap3A_350 = arith.constant 96 : index
      %swap3A_351 = tpu.vector_load %arg9[%swap3A_350] {strides = array<i32>} : memref<128xi32, #tpu.memory_space<vmem>>, vector<16xi32>,
      %swap3A_352 = vector.shape_cast %swap3A_351 : vector<16xi32> to vector<16xi32>
      %swap3A_353 = vector.shape_cast %get3A_349 : vector<16xi32> to vector<16xi32>
      tpu.vector_store %arg9[%swap3A_350], %swap3A_353 {strides = array<i32>} : memref<128xi32, #tpu.memory_space<vmem>>, vector<16xi32>,
      %get3A_354 = arith.constant 496 : index
      %get3A_355 = tpu.vector_load %arg7[%get3A_354] {strides = array<i32>} : memref<2048xi32, #tpu.memory_space<vmem>>, vector<16xi32>,
      %get3A_356 = vector.shape_cast %get3A_355 : vector<16xi32> to vector<16xi32>
      %swap3A_357 = arith.constant 112 : index
      %swap3A_358 = tpu.vector_load %arg9[%swap3A_357] {strides = array<i32>} : memref<128xi32, #tpu.memory_space<vmem>>, vector<16xi32>,
      %swap3A_359 = vector.shape_cast %swap3A_358 : vector<16xi32> to vector<16xi32>
      %swap3A_360 = vector.shape_cast %get3A_356 : vector<16xi32> to vector<16xi32>
      tpu.vector_store %arg9[%swap3A_357], %swap3A_360 {strides = array<i32>} : memref<128xi32, #tpu.memory_space<vmem>>, vector<16xi32>,
      %dma_start3A_361 = arith.constant 384 : i32
      %dma_start3A_362 = tpu.memref_slice %arg6[%dma_start3A_361] : memref<2048xi32, #tpu.memory_space<vmem>> -> memref<128xi32, #tpu.memory_space<vmem>>
      %dma_start3A_363 = arith.constant 0 : i32
      %dma_start3A_364 = arith.constant 0 : i32
      %dma_start3A_365 = tpu.memref_slice %arg2[%arg0, %dma_start3A_363, %dma_start3A_364] : memref<2x10240x128xf32, #tpu.memory_space<hbm>> -> memref<1x10240x128xf32, #tpu.memory_space<hbm>>
      %dma_start3A_366 = tpu.memref_squeeze %dma_start3A_365 : memref<1x10240x128xf32, #tpu.memory_space<hbm>> -> memref<10240x128xf32, #tpu.memory_space<hbm>>
      %dma_start3A_367 = arith.constant 0 : i32
      %dma_start3A_368 = arith.constant 0 : i32
      %dma_start3A_369 = tpu.memref_slice %dma_start3A_366[%dma_start3A_367, %dma_start3A_368] : memref<10240x128xf32, #tpu.memory_space<hbm>> -> memref<10240x128xf32, #tpu.memory_space<hbm>>
      tpu.enqueue_indirect_dma source(%dma_start3A_369 : memref<10240x128xf32, #tpu.memory_space<hbm>>) target(%arg11 : memref<128x128xf32, #tpu.memory_space<vmem>>) offsets(%dma_start3A_362 : memref<128xi32, #tpu.memory_space<vmem>>) semaphore(%arg14 : memref<!tpu.dma_semaphore, #tpu.memory_space<semaphore_mem>>)
      %dma_wait3A_370 = arith.constant 256 : i32
      %dma_wait3A_371 = tpu.memref_slice %arg6[%dma_wait3A_370] : memref<2048xi32, #tpu.memory_space<vmem>> -> memref<128xi32, #tpu.memory_space<vmem>>
      %dma_wait3A_372 = arith.constant 0 : i32
      %dma_wait3A_373 = arith.constant 0 : i32
      %dma_wait3A_374 = tpu.memref_slice %arg2[%arg0, %dma_wait3A_372, %dma_wait3A_373] : memref<2x10240x128xf32, #tpu.memory_space<hbm>> -> memref<1x10240x128xf32, #tpu.memory_space<hbm>>
      %dma_wait3A_375 = tpu.memref_squeeze %dma_wait3A_374 : memref<1x10240x128xf32, #tpu.memory_space<hbm>> -> memref<10240x128xf32, #tpu.memory_space<hbm>>
      %dma_wait3A_376 = arith.constant 0 : i32
      %dma_wait3A_377 = arith.constant 0 : i32
      %dma_wait3A_378 = tpu.memref_slice %dma_wait3A_375[%dma_wait3A_376, %dma_wait3A_377] : memref<10240x128xf32, #tpu.memory_space<hbm>> -> memref<10240x128xf32, #tpu.memory_space<hbm>>
      tpu.wait_indirect_dma semaphore(%arg13 : memref<!tpu.dma_semaphore, #tpu.memory_space<semaphore_mem>>) src(%dma_wait3A_378 : memref<10240x128xf32, #tpu.memory_space<hbm>>) dst(%arg10 : memref<128x128xf32, #tpu.memory_space<vmem>>)
      %dma_start3A_379 = arith.constant 0 : i32
      %dma_start3A_380 = arith.constant 0 : i32
      %dma_start3A_381 = tpu.memref_slice %arg12[%dma_start3A_379, %dma_start3A_380] : memref<10240x128xf32, #tpu.memory_space<vmem_shared>> -> memref<10240x128xf32, #tpu.memory_space<vmem_shared>>
      tpu.enqueue_indirect_dma source(%arg10 : memref<128x128xf32, #tpu.memory_space<vmem>>) target(%dma_start3A_381 : memref<10240x128xf32, #tpu.memory_space<vmem_shared>>) offsets(%arg8 : memref<128xi32, #tpu.memory_space<vmem>>) semaphore(%arg15 : memref<!tpu.dma_semaphore, #tpu.memory_space<semaphore_mem>>) {add = true}
      %dma_wait3A_382 = arith.constant 384 : i32
      %dma_wait3A_383 = tpu.memref_slice %arg6[%dma_wait3A_382] : memref<2048xi32, #tpu.memory_space<vmem>> -> memref<128xi32, #tpu.memory_space<vmem>>
      %dma_wait3A_384 = arith.constant 0 : i32
      %dma_wait3A_385 = arith.constant 0 : i32
      %dma_wait3A_386 = tpu.memref_slice %arg2[%arg0, %dma_wait3A_384, %dma_wait3A_385] : memref<2x10240x128xf32, #tpu.memory_space<hbm>> -> memref<1x10240x128xf32, #tpu.memory_space<hbm>>
      %dma_wait3A_387 = tpu.memref_squeeze %dma_wait3A_386 : memref<1x10240x128xf32, #tpu.memory_space<hbm>> -> memref<10240x128xf32, #tpu.memory_space<hbm>>
      %dma_wait3A_388 = arith.constant 0 : i32
      %dma_wait3A_389 = arith.constant 0 : i32
      %dma_wait3A_390 = tpu.memref_slice %dma_wait3A_387[%dma_wait3A_388, %dma_wait3A_389] : memref<10240x128xf32, #tpu.memory_space<hbm>> -> memref<10240x128xf32, #tpu.memory_space<hbm>>
      tpu.wait_indirect_dma semaphore(%arg14 : memref<!tpu.dma_semaphore, #tpu.memory_space<semaphore_mem>>) src(%dma_wait3A_390 : memref<10240x128xf32, #tpu.memory_space<hbm>>) dst(%arg11 : memref<128x128xf32, #tpu.memory_space<vmem>>)
      %dma_start3A_391 = arith.constant 0 : i32
      %dma_start3A_392 = arith.constant 0 : i32
      %dma_start3A_393 = tpu.memref_slice %arg12[%dma_start3A_391, %dma_start3A_392] : memref<10240x128xf32, #tpu.memory_space<vmem_shared>> -> memref<10240x128xf32, #tpu.memory_space<vmem_shared>>
      tpu.enqueue_indirect_dma source(%arg11 : memref<128x128xf32, #tpu.memory_space<vmem>>) target(%dma_start3A_393 : memref<10240x128xf32, #tpu.memory_space<vmem_shared>>) offsets(%arg9 : memref<128xi32, #tpu.memory_space<vmem>>) semaphore(%arg16 : memref<!tpu.dma_semaphore, #tpu.memory_space<semaphore_mem>>) {add = true}
      %mul3A_394 = arith.constant 8 : i32
      %mul3A_395 = arith.muli %scan3A_59, %mul3A_394 : i32
      %add3A_396 = arith.constant 2 : i32
      %add3A_397 = arith.addi %mul3A_395, %add3A_396 : i32
      %gt3A_398 = arith.constant 0 : i32
      %gt3A_399 = arith.cmpi sgt, %add3A_397, %gt3A_398 : i32
      %convert_element_type3A_400 = arith.extui %gt3A_399 : i1 to i32
      %cond3A_401 = arith.constant 0 : i32
      %cond3A_402 = arith.cmpi ne, %convert_element_type3A_400, %cond3A_401 : i32
      scf.if %cond3A_402 {
        %dma_wait3A_1403 = arith.constant 0 : i32
        %dma_wait3A_1404 = arith.constant 0 : i32
        %dma_wait3A_1405 = tpu.memref_slice %arg12[%dma_wait3A_1403, %dma_wait3A_1404] : memref<10240x128xf32, #tpu.memory_space<vmem_shared>> -> memref<10240x128xf32, #tpu.memory_space<vmem_shared>>
        tpu.wait_indirect_dma semaphore(%arg15 : memref<!tpu.dma_semaphore, #tpu.memory_space<semaphore_mem>>) src(%arg10 : memref<128x128xf32, #tpu.memory_space<vmem>>) dst(%dma_wait3A_1405 : memref<10240x128xf32, #tpu.memory_space<vmem_shared>>)
      } else {
      }
      %get3A_403 = arith.constant 512 : index
      %get3A_404 = tpu.vector_load %arg7[%get3A_403] {strides = array<i32>} : memref<2048xi32, #tpu.memory_space<vmem>>, vector<16xi32>,
      %get3A_405 = vector.shape_cast %get3A_404 : vector<16xi32> to vector<16xi32>
      %swap3A_406 = arith.constant 0 : index
      %swap3A_407 = tpu.vector_load %arg8[%swap3A_406] {strides = array<i32>} : memref<128xi32, #tpu.memory_space<vmem>>, vector<16xi32>,
      %swap3A_408 = vector.shape_cast %swap3A_407 : vector<16xi32> to vector<16xi32>
      %swap3A_409 = vector.shape_cast %get3A_405 : vector<16xi32> to vector<16xi32>
      tpu.vector_store %arg8[%swap3A_406], %swap3A_409 {strides = array<i32>} : memref<128xi32, #tpu.memory_space<vmem>>, vector<16xi32>,
      %get3A_410 = arith.constant 528 : index
      %get3A_411 = tpu.vector_load %arg7[%get3A_410] {strides = array<i32>} : memref<2048xi32, #tpu.memory_space<vmem>>, vector<16xi32>,
      %get3A_412 = vector.shape_cast %get3A_411 : vector<16xi32> to vector<16xi32>
      %swap3A_413 = arith.constant 16 : index
      %swap3A_414 = tpu.vector_load %arg8[%swap3A_413] {strides = array<i32>} : memref<128xi32, #tpu.memory_space<vmem>>, vector<16xi32>,
      %swap3A_415 = vector.shape_cast %swap3A_414 : vector<16xi32> to vector<16xi32>
      %swap3A_416 = vector.shape_cast %get3A_412 : vector<16xi32> to vector<16xi32>
      tpu.vector_store %arg8[%swap3A_413], %swap3A_416 {strides = array<i32>} : memref<128xi32, #tpu.memory_space<vmem>>, vector<16xi32>,
      %get3A_417 = arith.constant 544 : index
      %get3A_418 = tpu.vector_load %arg7[%get3A_417] {strides = array<i32>} : memref<2048xi32, #tpu.memory_space<vmem>>, vector<16xi32>,
      %get3A_419 = vector.shape_cast %get3A_418 : vector<16xi32> to vector<16xi32>
      %swap3A_420 = arith.constant 32 : index
      %swap3A_421 = tpu.vector_load %arg8[%swap3A_420] {strides = array<i32>} : memref<128xi32, #tpu.memory_space<vmem>>, vector<16xi32>,
      %swap3A_422 = vector.shape_cast %swap3A_421 : vector<16xi32> to vector<16xi32>
      %swap3A_423 = vector.shape_cast %get3A_419 : vector<16xi32> to vector<16xi32>
      tpu.vector_store %arg8[%swap3A_420], %swap3A_423 {strides = array<i32>} : memref<128xi32, #tpu.memory_space<vmem>>, vector<16xi32>,
      %get3A_424 = arith.constant 560 : index
      %get3A_425 = tpu.vector_load %arg7[%get3A_424] {strides = array<i32>} : memref<2048xi32, #tpu.memory_space<vmem>>, vector<16xi32>,
      %get3A_426 = vector.shape_cast %get3A_425 : vector<16xi32> to vector<16xi32>
      %swap3A_427 = arith.constant 48 : index
      %swap3A_428 = tpu.vector_load %arg8[%swap3A_427] {strides = array<i32>} : memref<128xi32, #tpu.memory_space<vmem>>, vector<16xi32>,
      %swap3A_429 = vector.shape_cast %swap3A_428 : vector<16xi32> to vector<16xi32>
      %swap3A_430 = vector.shape_cast %get3A_426 : vector<16xi32> to vector<16xi32>
      tpu.vector_store %arg8[%swap3A_427], %swap3A_430 {strides = array<i32>} : memref<128xi32, #tpu.memory_space<vmem>>, vector<16xi32>,
      %get3A_431 = arith.constant 576 : index
      %get3A_432 = tpu.vector_load %arg7[%get3A_431] {strides = array<i32>} : memref<2048xi32, #tpu.memory_space<vmem>>, vector<16xi32>,
      %get3A_433 = vector.shape_cast %get3A_432 : vector<16xi32> to vector<16xi32>
      %swap3A_434 = arith.constant 64 : index
      %swap3A_435 = tpu.vector_load %arg8[%swap3A_434] {strides = array<i32>} : memref<128xi32, #tpu.memory_space<vmem>>, vector<16xi32>,
      %swap3A_436 = vector.shape_cast %swap3A_435 : vector<16xi32> to vector<16xi32>
      %swap3A_437 = vector.shape_cast %get3A_433 : vector<16xi32> to vector<16xi32>
      tpu.vector_store %arg8[%swap3A_434], %swap3A_437 {strides = array<i32>} : memref<128xi32, #tpu.memory_space<vmem>>, vector<16xi32>,
      %get3A_438 = arith.constant 592 : index
      %get3A_439 = tpu.vector_load %arg7[%get3A_438] {strides = array<i32>} : memref<2048xi32, #tpu.memory_space<vmem>>, vector<16xi32>,
      %get3A_440 = vector.shape_cast %get3A_439 : vector<16xi32> to vector<16xi32>
      %swap3A_441 = arith.constant 80 : index
      %swap3A_442 = tpu.vector_load %arg8[%swap3A_441] {strides = array<i32>} : memref<128xi32, #tpu.memory_space<vmem>>, vector<16xi32>,
      %swap3A_443 = vector.shape_cast %swap3A_442 : vector<16xi32> to vector<16xi32>
      %swap3A_444 = vector.shape_cast %get3A_440 : vector<16xi32> to vector<16xi32>
      tpu.vector_store %arg8[%swap3A_441], %swap3A_444 {strides = array<i32>} : memref<128xi32, #tpu.memory_space<vmem>>, vector<16xi32>,
      %get3A_445 = arith.constant 608 : index
      %get3A_446 = tpu.vector_load %arg7[%get3A_445] {strides = array<i32>} : memref<2048xi32, #tpu.memory_space<vmem>>, vector<16xi32>,
      %get3A_447 = vector.shape_cast %get3A_446 : vector<16xi32> to vector<16xi32>
      %swap3A_448 = arith.constant 96 : index
      %swap3A_449 = tpu.vector_load %arg8[%swap3A_448] {strides = array<i32>} : memref<128xi32, #tpu.memory_space<vmem>>, vector<16xi32>,
      %swap3A_450 = vector.shape_cast %swap3A_449 : vector<16xi32> to vector<16xi32>
      %swap3A_451 = vector.shape_cast %get3A_447 : vector<16xi32> to vector<16xi32>
      tpu.vector_store %arg8[%swap3A_448], %swap3A_451 {strides = array<i32>} : memref<128xi32, #tpu.memory_space<vmem>>, vector<16xi32>,
      %get3A_452 = arith.constant 624 : index
      %get3A_453 = tpu.vector_load %arg7[%get3A_452] {strides = array<i32>} : memref<2048xi32, #tpu.memory_space<vmem>>, vector<16xi32>,
      %get3A_454 = vector.shape_cast %get3A_453 : vector<16xi32> to vector<16xi32>
      %swap3A_455 = arith.constant 112 : index
      %swap3A_456 = tpu.vector_load %arg8[%swap3A_455] {strides = array<i32>} : memref<128xi32, #tpu.memory_space<vmem>>, vector<16xi32>,
      %swap3A_457 = vector.shape_cast %swap3A_456 : vector<16xi32> to vector<16xi32>
      %swap3A_458 = vector.shape_cast %get3A_454 : vector<16xi32> to vector<16xi32>
      tpu.vector_store %arg8[%swap3A_455], %swap3A_458 {strides = array<i32>} : memref<128xi32, #tpu.memory_space<vmem>>, vector<16xi32>,
      %dma_start3A_459 = arith.constant 512 : i32
      %dma_start3A_460 = tpu.memref_slice %arg6[%dma_start3A_459] : memref<2048xi32, #tpu.memory_space<vmem>> -> memref<128xi32, #tpu.memory_space<vmem>>
      %dma_start3A_461 = arith.constant 0 : i32
      %dma_start3A_462 = arith.constant 0 : i32
      %dma_start3A_463 = tpu.memref_slice %arg2[%arg0, %dma_start3A_461, %dma_start3A_462] : memref<2x10240x128xf32, #tpu.memory_space<hbm>> -> memref<1x10240x128xf32, #tpu.memory_space<hbm>>
      %dma_start3A_464 = tpu.memref_squeeze %dma_start3A_463 : memref<1x10240x128xf32, #tpu.memory_space<hbm>> -> memref<10240x128xf32, #tpu.memory_space<hbm>>
      %dma_start3A_465 = arith.constant 0 : i32
      %dma_start3A_466 = arith.constant 0 : i32
      %dma_start3A_467 = tpu.memref_slice %dma_start3A_464[%dma_start3A_465, %dma_start3A_466] : memref<10240x128xf32, #tpu.memory_space<hbm>> -> memref<10240x128xf32, #tpu.memory_space<hbm>>
      tpu.enqueue_indirect_dma source(%dma_start3A_467 : memref<10240x128xf32, #tpu.memory_space<hbm>>) target(%arg10 : memref<128x128xf32, #tpu.memory_space<vmem>>) offsets(%dma_start3A_460 : memref<128xi32, #tpu.memory_space<vmem>>) semaphore(%arg13 : memref<!tpu.dma_semaphore, #tpu.memory_space<semaphore_mem>>)
      %gt3A_468 = arith.constant 0 : i32
      %gt3A_469 = arith.cmpi sgt, %add3A_397, %gt3A_468 : i32
      %convert_element_type3A_470 = arith.extui %gt3A_469 : i1 to i32
      %cond3A_471 = arith.constant 0 : i32
      %cond3A_472 = arith.cmpi ne, %convert_element_type3A_470, %cond3A_471 : i32
      scf.if %cond3A_472 {
        %dma_wait3A_1403 = arith.constant 0 : i32
        %dma_wait3A_1404 = arith.constant 0 : i32
        %dma_wait3A_1405 = tpu.memref_slice %arg12[%dma_wait3A_1403, %dma_wait3A_1404] : memref<10240x128xf32, #tpu.memory_space<vmem_shared>> -> memref<10240x128xf32, #tpu.memory_space<vmem_shared>>
        tpu.wait_indirect_dma semaphore(%arg16 : memref<!tpu.dma_semaphore, #tpu.memory_space<semaphore_mem>>) src(%arg11 : memref<128x128xf32, #tpu.memory_space<vmem>>) dst(%dma_wait3A_1405 : memref<10240x128xf32, #tpu.memory_space<vmem_shared>>)
      } else {
      }
      %get3A_473 = arith.constant 640 : index
      %get3A_474 = tpu.vector_load %arg7[%get3A_473] {strides = array<i32>} : memref<2048xi32, #tpu.memory_space<vmem>>, vector<16xi32>,
      %get3A_475 = vector.shape_cast %get3A_474 : vector<16xi32> to vector<16xi32>
      %swap3A_476 = arith.constant 0 : index
      %swap3A_477 = tpu.vector_load %arg9[%swap3A_476] {strides = array<i32>} : memref<128xi32, #tpu.memory_space<vmem>>, vector<16xi32>,
      %swap3A_478 = vector.shape_cast %swap3A_477 : vector<16xi32> to vector<16xi32>
      %swap3A_479 = vector.shape_cast %get3A_475 : vector<16xi32> to vector<16xi32>
      tpu.vector_store %arg9[%swap3A_476], %swap3A_479 {strides = array<i32>} : memref<128xi32, #tpu.memory_space<vmem>>, vector<16xi32>,
      %get3A_480 = arith.constant 656 : index
      %get3A_481 = tpu.vector_load %arg7[%get3A_480] {strides = array<i32>} : memref<2048xi32, #tpu.memory_space<vmem>>, vector<16xi32>,
      %get3A_482 = vector.shape_cast %get3A_481 : vector<16xi32> to vector<16xi32>
      %swap3A_483 = arith.constant 16 : index
      %swap3A_484 = tpu.vector_load %arg9[%swap3A_483] {strides = array<i32>} : memref<128xi32, #tpu.memory_space<vmem>>, vector<16xi32>,
      %swap3A_485 = vector.shape_cast %swap3A_484 : vector<16xi32> to vector<16xi32>
      %swap3A_486 = vector.shape_cast %get3A_482 : vector<16xi32> to vector<16xi32>
      tpu.vector_store %arg9[%swap3A_483], %swap3A_486 {strides = array<i32>} : memref<128xi32, #tpu.memory_space<vmem>>, vector<16xi32>,
      %get3A_487 = arith.constant 672 : index
      %get3A_488 = tpu.vector_load %arg7[%get3A_487] {strides = array<i32>} : memref<2048xi32, #tpu.memory_space<vmem>>, vector<16xi32>,
      %get3A_489 = vector.shape_cast %get3A_488 : vector<16xi32> to vector<16xi32>
      %swap3A_490 = arith.constant 32 : index
      %swap3A_491 = tpu.vector_load %arg9[%swap3A_490] {strides = array<i32>} : memref<128xi32, #tpu.memory_space<vmem>>, vector<16xi32>,
      %swap3A_492 = vector.shape_cast %swap3A_491 : vector<16xi32> to vector<16xi32>
      %swap3A_493 = vector.shape_cast %get3A_489 : vector<16xi32> to vector<16xi32>
      tpu.vector_store %arg9[%swap3A_490], %swap3A_493 {strides = array<i32>} : memref<128xi32, #tpu.memory_space<vmem>>, vector<16xi32>,
      %get3A_494 = arith.constant 688 : index
      %get3A_495 = tpu.vector_load %arg7[%get3A_494] {strides = array<i32>} : memref<2048xi32, #tpu.memory_space<vmem>>, vector<16xi32>,
      %get3A_496 = vector.shape_cast %get3A_495 : vector<16xi32> to vector<16xi32>
      %swap3A_497 = arith.constant 48 : index
      %swap3A_498 = tpu.vector_load %arg9[%swap3A_497] {strides = array<i32>} : memref<128xi32, #tpu.memory_space<vmem>>, vector<16xi32>,
      %swap3A_499 = vector.shape_cast %swap3A_498 : vector<16xi32> to vector<16xi32>
      %swap3A_500 = vector.shape_cast %get3A_496 : vector<16xi32> to vector<16xi32>
      tpu.vector_store %arg9[%swap3A_497], %swap3A_500 {strides = array<i32>} : memref<128xi32, #tpu.memory_space<vmem>>, vector<16xi32>,
      %get3A_501 = arith.constant 704 : index
      %get3A_502 = tpu.vector_load %arg7[%get3A_501] {strides = array<i32>} : memref<2048xi32, #tpu.memory_space<vmem>>, vector<16xi32>,
      %get3A_503 = vector.shape_cast %get3A_502 : vector<16xi32> to vector<16xi32>
      %swap3A_504 = arith.constant 64 : index
      %swap3A_505 = tpu.vector_load %arg9[%swap3A_504] {strides = array<i32>} : memref<128xi32, #tpu.memory_space<vmem>>, vector<16xi32>,
      %swap3A_506 = vector.shape_cast %swap3A_505 : vector<16xi32> to vector<16xi32>
      %swap3A_507 = vector.shape_cast %get3A_503 : vector<16xi32> to vector<16xi32>
      tpu.vector_store %arg9[%swap3A_504], %swap3A_507 {strides = array<i32>} : memref<128xi32, #tpu.memory_space<vmem>>, vector<16xi32>,
      %get3A_508 = arith.constant 720 : index
      %get3A_509 = tpu.vector_load %arg7[%get3A_508] {strides = array<i32>} : memref<2048xi32, #tpu.memory_space<vmem>>, vector<16xi32>,
      %get3A_510 = vector.shape_cast %get3A_509 : vector<16xi32> to vector<16xi32>
      %swap3A_511 = arith.constant 80 : index
      %swap3A_512 = tpu.vector_load %arg9[%swap3A_511] {strides = array<i32>} : memref<128xi32, #tpu.memory_space<vmem>>, vector<16xi32>,
      %swap3A_513 = vector.shape_cast %swap3A_512 : vector<16xi32> to vector<16xi32>
      %swap3A_514 = vector.shape_cast %get3A_510 : vector<16xi32> to vector<16xi32>
      tpu.vector_store %arg9[%swap3A_511], %swap3A_514 {strides = array<i32>} : memref<128xi32, #tpu.memory_space<vmem>>, vector<16xi32>,
      %get3A_515 = arith.constant 736 : index
      %get3A_516 = tpu.vector_load %arg7[%get3A_515] {strides = array<i32>} : memref<2048xi32, #tpu.memory_space<vmem>>, vector<16xi32>,
      %get3A_517 = vector.shape_cast %get3A_516 : vector<16xi32> to vector<16xi32>
      %swap3A_518 = arith.constant 96 : index
      %swap3A_519 = tpu.vector_load %arg9[%swap3A_518] {strides = array<i32>} : memref<128xi32, #tpu.memory_space<vmem>>, vector<16xi32>,
      %swap3A_520 = vector.shape_cast %swap3A_519 : vector<16xi32> to vector<16xi32>
      %swap3A_521 = vector.shape_cast %get3A_517 : vector<16xi32> to vector<16xi32>
      tpu.vector_store %arg9[%swap3A_518], %swap3A_521 {strides = array<i32>} : memref<128xi32, #tpu.memory_space<vmem>>, vector<16xi32>,
      %get3A_522 = arith.constant 752 : index
      %get3A_523 = tpu.vector_load %arg7[%get3A_522] {strides = array<i32>} : memref<2048xi32, #tpu.memory_space<vmem>>, vector<16xi32>,
      %get3A_524 = vector.shape_cast %get3A_523 : vector<16xi32> to vector<16xi32>
      %swap3A_525 = arith.constant 112 : index
      %swap3A_526 = tpu.vector_load %arg9[%swap3A_525] {strides = array<i32>} : memref<128xi32, #tpu.memory_space<vmem>>, vector<16xi32>,
      %swap3A_527 = vector.shape_cast %swap3A_526 : vector<16xi32> to vector<16xi32>
      %swap3A_528 = vector.shape_cast %get3A_524 : vector<16xi32> to vector<16xi32>
      tpu.vector_store %arg9[%swap3A_525], %swap3A_528 {strides = array<i32>} : memref<128xi32, #tpu.memory_space<vmem>>, vector<16xi32>,
      %dma_start3A_529 = arith.constant 640 : i32
      %dma_start3A_530 = tpu.memref_slice %arg6[%dma_start3A_529] : memref<2048xi32, #tpu.memory_space<vmem>> -> memref<128xi32, #tpu.memory_space<vmem>>
      %dma_start3A_531 = arith.constant 0 : i32
      %dma_start3A_532 = arith.constant 0 : i32
      %dma_start3A_533 = tpu.memref_slice %arg2[%arg0, %dma_start3A_531, %dma_start3A_532] : memref<2x10240x128xf32, #tpu.memory_space<hbm>> -> memref<1x10240x128xf32, #tpu.memory_space<hbm>>
      %dma_start3A_534 = tpu.memref_squeeze %dma_start3A_533 : memref<1x10240x128xf32, #tpu.memory_space<hbm>> -> memref<10240x128xf32, #tpu.memory_space<hbm>>
      %dma_start3A_535 = arith.constant 0 : i32
      %dma_start3A_536 = arith.constant 0 : i32
      %dma_start3A_537 = tpu.memref_slice %dma_start3A_534[%dma_start3A_535, %dma_start3A_536] : memref<10240x128xf32, #tpu.memory_space<hbm>> -> memref<10240x128xf32, #tpu.memory_space<hbm>>
      tpu.enqueue_indirect_dma source(%dma_start3A_537 : memref<10240x128xf32, #tpu.memory_space<hbm>>) target(%arg11 : memref<128x128xf32, #tpu.memory_space<vmem>>) offsets(%dma_start3A_530 : memref<128xi32, #tpu.memory_space<vmem>>) semaphore(%arg14 : memref<!tpu.dma_semaphore, #tpu.memory_space<semaphore_mem>>)
      %dma_wait3A_538 = arith.constant 512 : i32
      %dma_wait3A_539 = tpu.memref_slice %arg6[%dma_wait3A_538] : memref<2048xi32, #tpu.memory_space<vmem>> -> memref<128xi32, #tpu.memory_space<vmem>>
      %dma_wait3A_540 = arith.constant 0 : i32
      %dma_wait3A_541 = arith.constant 0 : i32
      %dma_wait3A_542 = tpu.memref_slice %arg2[%arg0, %dma_wait3A_540, %dma_wait3A_541] : memref<2x10240x128xf32, #tpu.memory_space<hbm>> -> memref<1x10240x128xf32, #tpu.memory_space<hbm>>
      %dma_wait3A_543 = tpu.memref_squeeze %dma_wait3A_542 : memref<1x10240x128xf32, #tpu.memory_space<hbm>> -> memref<10240x128xf32, #tpu.memory_space<hbm>>
      %dma_wait3A_544 = arith.constant 0 : i32
      %dma_wait3A_545 = arith.constant 0 : i32
      %dma_wait3A_546 = tpu.memref_slice %dma_wait3A_543[%dma_wait3A_544, %dma_wait3A_545] : memref<10240x128xf32, #tpu.memory_space<hbm>> -> memref<10240x128xf32, #tpu.memory_space<hbm>>
      tpu.wait_indirect_dma semaphore(%arg13 : memref<!tpu.dma_semaphore, #tpu.memory_space<semaphore_mem>>) src(%dma_wait3A_546 : memref<10240x128xf32, #tpu.memory_space<hbm>>) dst(%arg10 : memref<128x128xf32, #tpu.memory_space<vmem>>)
      %dma_start3A_547 = arith.constant 0 : i32
      %dma_start3A_548 = arith.constant 0 : i32
      %dma_start3A_549 = tpu.memref_slice %arg12[%dma_start3A_547, %dma_start3A_548] : memref<10240x128xf32, #tpu.memory_space<vmem_shared>> -> memref<10240x128xf32, #tpu.memory_space<vmem_shared>>
      tpu.enqueue_indirect_dma source(%arg10 : memref<128x128xf32, #tpu.memory_space<vmem>>) target(%dma_start3A_549 : memref<10240x128xf32, #tpu.memory_space<vmem_shared>>) offsets(%arg8 : memref<128xi32, #tpu.memory_space<vmem>>) semaphore(%arg15 : memref<!tpu.dma_semaphore, #tpu.memory_space<semaphore_mem>>) {add = true}
      %dma_wait3A_550 = arith.constant 640 : i32
      %dma_wait3A_551 = tpu.memref_slice %arg6[%dma_wait3A_550] : memref<2048xi32, #tpu.memory_space<vmem>> -> memref<128xi32, #tpu.memory_space<vmem>>
      %dma_wait3A_552 = arith.constant 0 : i32
      %dma_wait3A_553 = arith.constant 0 : i32
      %dma_wait3A_554 = tpu.memref_slice %arg2[%arg0, %dma_wait3A_552, %dma_wait3A_553] : memref<2x10240x128xf32, #tpu.memory_space<hbm>> -> memref<1x10240x128xf32, #tpu.memory_space<hbm>>
      %dma_wait3A_555 = tpu.memref_squeeze %dma_wait3A_554 : memref<1x10240x128xf32, #tpu.memory_space<hbm>> -> memref<10240x128xf32, #tpu.memory_space<hbm>>
      %dma_wait3A_556 = arith.constant 0 : i32
      %dma_wait3A_557 = arith.constant 0 : i32
      %dma_wait3A_558 = tpu.memref_slice %dma_wait3A_555[%dma_wait3A_556, %dma_wait3A_557] : memref<10240x128xf32, #tpu.memory_space<hbm>> -> memref<10240x128xf32, #tpu.memory_space<hbm>>
      tpu.wait_indirect_dma semaphore(%arg14 : memref<!tpu.dma_semaphore, #tpu.memory_space<semaphore_mem>>) src(%dma_wait3A_558 : memref<10240x128xf32, #tpu.memory_space<hbm>>) dst(%arg11 : memref<128x128xf32, #tpu.memory_space<vmem>>)
      %dma_start3A_559 = arith.constant 0 : i32
      %dma_start3A_560 = arith.constant 0 : i32
      %dma_start3A_561 = tpu.memref_slice %arg12[%dma_start3A_559, %dma_start3A_560] : memref<10240x128xf32, #tpu.memory_space<vmem_shared>> -> memref<10240x128xf32, #tpu.memory_space<vmem_shared>>
      tpu.enqueue_indirect_dma source(%arg11 : memref<128x128xf32, #tpu.memory_space<vmem>>) target(%dma_start3A_561 : memref<10240x128xf32, #tpu.memory_space<vmem_shared>>) offsets(%arg9 : memref<128xi32, #tpu.memory_space<vmem>>) semaphore(%arg16 : memref<!tpu.dma_semaphore, #tpu.memory_space<semaphore_mem>>) {add = true}
      %mul3A_562 = arith.constant 8 : i32
      %mul3A_563 = arith.muli %scan3A_59, %mul3A_562 : i32
      %add3A_564 = arith.constant 3 : i32
      %add3A_565 = arith.addi %mul3A_563, %add3A_564 : i32
      %gt3A_566 = arith.constant 0 : i32
      %gt3A_567 = arith.cmpi sgt, %add3A_565, %gt3A_566 : i32
      %convert_element_type3A_568 = arith.extui %gt3A_567 : i1 to i32
      %cond3A_569 = arith.constant 0 : i32
      %cond3A_570 = arith.cmpi ne, %convert_element_type3A_568, %cond3A_569 : i32
      scf.if %cond3A_570 {
        %dma_wait3A_1403 = arith.constant 0 : i32
        %dma_wait3A_1404 = arith.constant 0 : i32
        %dma_wait3A_1405 = tpu.memref_slice %arg12[%dma_wait3A_1403, %dma_wait3A_1404] : memref<10240x128xf32, #tpu.memory_space<vmem_shared>> -> memref<10240x128xf32, #tpu.memory_space<vmem_shared>>
        tpu.wait_indirect_dma semaphore(%arg15 : memref<!tpu.dma_semaphore, #tpu.memory_space<semaphore_mem>>) src(%arg10 : memref<128x128xf32, #tpu.memory_space<vmem>>) dst(%dma_wait3A_1405 : memref<10240x128xf32, #tpu.memory_space<vmem_shared>>)
      } else {
      }
      %get3A_571 = arith.constant 768 : index
      %get3A_572 = tpu.vector_load %arg7[%get3A_571] {strides = array<i32>} : memref<2048xi32, #tpu.memory_space<vmem>>, vector<16xi32>,
      %get3A_573 = vector.shape_cast %get3A_572 : vector<16xi32> to vector<16xi32>
      %swap3A_574 = arith.constant 0 : index
      %swap3A_575 = tpu.vector_load %arg8[%swap3A_574] {strides = array<i32>} : memref<128xi32, #tpu.memory_space<vmem>>, vector<16xi32>,
      %swap3A_576 = vector.shape_cast %swap3A_575 : vector<16xi32> to vector<16xi32>
      %swap3A_577 = vector.shape_cast %get3A_573 : vector<16xi32> to vector<16xi32>
      tpu.vector_store %arg8[%swap3A_574], %swap3A_577 {strides = array<i32>} : memref<128xi32, #tpu.memory_space<vmem>>, vector<16xi32>,
      %get3A_578 = arith.constant 784 : index
      %get3A_579 = tpu.vector_load %arg7[%get3A_578] {strides = array<i32>} : memref<2048xi32, #tpu.memory_space<vmem>>, vector<16xi32>,
      %get3A_580 = vector.shape_cast %get3A_579 : vector<16xi32> to vector<16xi32>
      %swap3A_581 = arith.constant 16 : index
      %swap3A_582 = tpu.vector_load %arg8[%swap3A_581] {strides = array<i32>} : memref<128xi32, #tpu.memory_space<vmem>>, vector<16xi32>,
      %swap3A_583 = vector.shape_cast %swap3A_582 : vector<16xi32> to vector<16xi32>
      %swap3A_584 = vector.shape_cast %get3A_580 : vector<16xi32> to vector<16xi32>
      tpu.vector_store %arg8[%swap3A_581], %swap3A_584 {strides = array<i32>} : memref<128xi32, #tpu.memory_space<vmem>>, vector<16xi32>,
      %get3A_585 = arith.constant 800 : index
      %get3A_586 = tpu.vector_load %arg7[%get3A_585] {strides = array<i32>} : memref<2048xi32, #tpu.memory_space<vmem>>, vector<16xi32>,
      %get3A_587 = vector.shape_cast %get3A_586 : vector<16xi32> to vector<16xi32>
      %swap3A_588 = arith.constant 32 : index
      %swap3A_589 = tpu.vector_load %arg8[%swap3A_588] {strides = array<i32>} : memref<128xi32, #tpu.memory_space<vmem>>, vector<16xi32>,
      %swap3A_590 = vector.shape_cast %swap3A_589 : vector<16xi32> to vector<16xi32>
      %swap3A_591 = vector.shape_cast %get3A_587 : vector<16xi32> to vector<16xi32>
      tpu.vector_store %arg8[%swap3A_588], %swap3A_591 {strides = array<i32>} : memref<128xi32, #tpu.memory_space<vmem>>, vector<16xi32>,
      %get3A_592 = arith.constant 816 : index
      %get3A_593 = tpu.vector_load %arg7[%get3A_592] {strides = array<i32>} : memref<2048xi32, #tpu.memory_space<vmem>>, vector<16xi32>,
      %get3A_594 = vector.shape_cast %get3A_593 : vector<16xi32> to vector<16xi32>
      %swap3A_595 = arith.constant 48 : index
      %swap3A_596 = tpu.vector_load %arg8[%swap3A_595] {strides = array<i32>} : memref<128xi32, #tpu.memory_space<vmem>>, vector<16xi32>,
      %swap3A_597 = vector.shape_cast %swap3A_596 : vector<16xi32> to vector<16xi32>
      %swap3A_598 = vector.shape_cast %get3A_594 : vector<16xi32> to vector<16xi32>
      tpu.vector_store %arg8[%swap3A_595], %swap3A_598 {strides = array<i32>} : memref<128xi32, #tpu.memory_space<vmem>>, vector<16xi32>,
      %get3A_599 = arith.constant 832 : index
      %get3A_600 = tpu.vector_load %arg7[%get3A_599] {strides = array<i32>} : memref<2048xi32, #tpu.memory_space<vmem>>, vector<16xi32>,
      %get3A_601 = vector.shape_cast %get3A_600 : vector<16xi32> to vector<16xi32>
      %swap3A_602 = arith.constant 64 : index
      %swap3A_603 = tpu.vector_load %arg8[%swap3A_602] {strides = array<i32>} : memref<128xi32, #tpu.memory_space<vmem>>, vector<16xi32>,
      %swap3A_604 = vector.shape_cast %swap3A_603 : vector<16xi32> to vector<16xi32>
      %swap3A_605 = vector.shape_cast %get3A_601 : vector<16xi32> to vector<16xi32>
      tpu.vector_store %arg8[%swap3A_602], %swap3A_605 {strides = array<i32>} : memref<128xi32, #tpu.memory_space<vmem>>, vector<16xi32>,
      %get3A_606 = arith.constant 848 : index
      %get3A_607 = tpu.vector_load %arg7[%get3A_606] {strides = array<i32>} : memref<2048xi32, #tpu.memory_space<vmem>>, vector<16xi32>,
      %get3A_608 = vector.shape_cast %get3A_607 : vector<16xi32> to vector<16xi32>
      %swap3A_609 = arith.constant 80 : index
      %swap3A_610 = tpu.vector_load %arg8[%swap3A_609] {strides = array<i32>} : memref<128xi32, #tpu.memory_space<vmem>>, vector<16xi32>,
      %swap3A_611 = vector.shape_cast %swap3A_610 : vector<16xi32> to vector<16xi32>
      %swap3A_612 = vector.shape_cast %get3A_608 : vector<16xi32> to vector<16xi32>
      tpu.vector_store %arg8[%swap3A_609], %swap3A_612 {strides = array<i32>} : memref<128xi32, #tpu.memory_space<vmem>>, vector<16xi32>,
      %get3A_613 = arith.constant 864 : index
      %get3A_614 = tpu.vector_load %arg7[%get3A_613] {strides = array<i32>} : memref<2048xi32, #tpu.memory_space<vmem>>, vector<16xi32>,
      %get3A_615 = vector.shape_cast %get3A_614 : vector<16xi32> to vector<16xi32>
      %swap3A_616 = arith.constant 96 : index
      %swap3A_617 = tpu.vector_load %arg8[%swap3A_616] {strides = array<i32>} : memref<128xi32, #tpu.memory_space<vmem>>, vector<16xi32>,
      %swap3A_618 = vector.shape_cast %swap3A_617 : vector<16xi32> to vector<16xi32>
      %swap3A_619 = vector.shape_cast %get3A_615 : vector<16xi32> to vector<16xi32>
      tpu.vector_store %arg8[%swap3A_616], %swap3A_619 {strides = array<i32>} : memref<128xi32, #tpu.memory_space<vmem>>, vector<16xi32>,
      %get3A_620 = arith.constant 880 : index
      %get3A_621 = tpu.vector_load %arg7[%get3A_620] {strides = array<i32>} : memref<2048xi32, #tpu.memory_space<vmem>>, vector<16xi32>,
      %get3A_622 = vector.shape_cast %get3A_621 : vector<16xi32> to vector<16xi32>
      %swap3A_623 = arith.constant 112 : index
      %swap3A_624 = tpu.vector_load %arg8[%swap3A_623] {strides = array<i32>} : memref<128xi32, #tpu.memory_space<vmem>>, vector<16xi32>,
      %swap3A_625 = vector.shape_cast %swap3A_624 : vector<16xi32> to vector<16xi32>
      %swap3A_626 = vector.shape_cast %get3A_622 : vector<16xi32> to vector<16xi32>
      tpu.vector_store %arg8[%swap3A_623], %swap3A_626 {strides = array<i32>} : memref<128xi32, #tpu.memory_space<vmem>>, vector<16xi32>,
      %dma_start3A_627 = arith.constant 768 : i32
      %dma_start3A_628 = tpu.memref_slice %arg6[%dma_start3A_627] : memref<2048xi32, #tpu.memory_space<vmem>> -> memref<128xi32, #tpu.memory_space<vmem>>
      %dma_start3A_629 = arith.constant 0 : i32
      %dma_start3A_630 = arith.constant 0 : i32
      %dma_start3A_631 = tpu.memref_slice %arg2[%arg0, %dma_start3A_629, %dma_start3A_630] : memref<2x10240x128xf32, #tpu.memory_space<hbm>> -> memref<1x10240x128xf32, #tpu.memory_space<hbm>>
      %dma_start3A_632 = tpu.memref_squeeze %dma_start3A_631 : memref<1x10240x128xf32, #tpu.memory_space<hbm>> -> memref<10240x128xf32, #tpu.memory_space<hbm>>
      %dma_start3A_633 = arith.constant 0 : i32
      %dma_start3A_634 = arith.constant 0 : i32
      %dma_start3A_635 = tpu.memref_slice %dma_start3A_632[%dma_start3A_633, %dma_start3A_634] : memref<10240x128xf32, #tpu.memory_space<hbm>> -> memref<10240x128xf32, #tpu.memory_space<hbm>>
      tpu.enqueue_indirect_dma source(%dma_start3A_635 : memref<10240x128xf32, #tpu.memory_space<hbm>>) target(%arg10 : memref<128x128xf32, #tpu.memory_space<vmem>>) offsets(%dma_start3A_628 : memref<128xi32, #tpu.memory_space<vmem>>) semaphore(%arg13 : memref<!tpu.dma_semaphore, #tpu.memory_space<semaphore_mem>>)
      %gt3A_636 = arith.constant 0 : i32
      %gt3A_637 = arith.cmpi sgt, %add3A_565, %gt3A_636 : i32
      %convert_element_type3A_638 = arith.extui %gt3A_637 : i1 to i32
      %cond3A_639 = arith.constant 0 : i32
      %cond3A_640 = arith.cmpi ne, %convert_element_type3A_638, %cond3A_639 : i32
      scf.if %cond3A_640 {
        %dma_wait3A_1403 = arith.constant 0 : i32
        %dma_wait3A_1404 = arith.constant 0 : i32
        %dma_wait3A_1405 = tpu.memref_slice %arg12[%dma_wait3A_1403, %dma_wait3A_1404] : memref<10240x128xf32, #tpu.memory_space<vmem_shared>> -> memref<10240x128xf32, #tpu.memory_space<vmem_shared>>
        tpu.wait_indirect_dma semaphore(%arg16 : memref<!tpu.dma_semaphore, #tpu.memory_space<semaphore_mem>>) src(%arg11 : memref<128x128xf32, #tpu.memory_space<vmem>>) dst(%dma_wait3A_1405 : memref<10240x128xf32, #tpu.memory_space<vmem_shared>>)
      } else {
      }
      %get3A_641 = arith.constant 896 : index
      %get3A_642 = tpu.vector_load %arg7[%get3A_641] {strides = array<i32>} : memref<2048xi32, #tpu.memory_space<vmem>>, vector<16xi32>,
      %get3A_643 = vector.shape_cast %get3A_642 : vector<16xi32> to vector<16xi32>
      %swap3A_644 = arith.constant 0 : index
      %swap3A_645 = tpu.vector_load %arg9[%swap3A_644] {strides = array<i32>} : memref<128xi32, #tpu.memory_space<vmem>>, vector<16xi32>,
      %swap3A_646 = vector.shape_cast %swap3A_645 : vector<16xi32> to vector<16xi32>
      %swap3A_647 = vector.shape_cast %get3A_643 : vector<16xi32> to vector<16xi32>
      tpu.vector_store %arg9[%swap3A_644], %swap3A_647 {strides = array<i32>} : memref<128xi32, #tpu.memory_space<vmem>>, vector<16xi32>,
      %get3A_648 = arith.constant 912 : index
      %get3A_649 = tpu.vector_load %arg7[%get3A_648] {strides = array<i32>} : memref<2048xi32, #tpu.memory_space<vmem>>, vector<16xi32>,
      %get3A_650 = vector.shape_cast %get3A_649 : vector<16xi32> to vector<16xi32>
      %swap3A_651 = arith.constant 16 : index
      %swap3A_652 = tpu.vector_load %arg9[%swap3A_651] {strides = array<i32>} : memref<128xi32, #tpu.memory_space<vmem>>, vector<16xi32>,
      %swap3A_653 = vector.shape_cast %swap3A_652 : vector<16xi32> to vector<16xi32>
      %swap3A_654 = vector.shape_cast %get3A_650 : vector<16xi32> to vector<16xi32>
      tpu.vector_store %arg9[%swap3A_651], %swap3A_654 {strides = array<i32>} : memref<128xi32, #tpu.memory_space<vmem>>, vector<16xi32>,
      %get3A_655 = arith.constant 928 : index
      %get3A_656 = tpu.vector_load %arg7[%get3A_655] {strides = array<i32>} : memref<2048xi32, #tpu.memory_space<vmem>>, vector<16xi32>,
      %get3A_657 = vector.shape_cast %get3A_656 : vector<16xi32> to vector<16xi32>
      %swap3A_658 = arith.constant 32 : index
      %swap3A_659 = tpu.vector_load %arg9[%swap3A_658] {strides = array<i32>} : memref<128xi32, #tpu.memory_space<vmem>>, vector<16xi32>,
      %swap3A_660 = vector.shape_cast %swap3A_659 : vector<16xi32> to vector<16xi32>
      %swap3A_661 = vector.shape_cast %get3A_657 : vector<16xi32> to vector<16xi32>
      tpu.vector_store %arg9[%swap3A_658], %swap3A_661 {strides = array<i32>} : memref<128xi32, #tpu.memory_space<vmem>>, vector<16xi32>,
      %get3A_662 = arith.constant 944 : index
      %get3A_663 = tpu.vector_load %arg7[%get3A_662] {strides = array<i32>} : memref<2048xi32, #tpu.memory_space<vmem>>, vector<16xi32>,
      %get3A_664 = vector.shape_cast %get3A_663 : vector<16xi32> to vector<16xi32>
      %swap3A_665 = arith.constant 48 : index
      %swap3A_666 = tpu.vector_load %arg9[%swap3A_665] {strides = array<i32>} : memref<128xi32, #tpu.memory_space<vmem>>, vector<16xi32>,
      %swap3A_667 = vector.shape_cast %swap3A_666 : vector<16xi32> to vector<16xi32>
      %swap3A_668 = vector.shape_cast %get3A_664 : vector<16xi32> to vector<16xi32>
      tpu.vector_store %arg9[%swap3A_665], %swap3A_668 {strides = array<i32>} : memref<128xi32, #tpu.memory_space<vmem>>, vector<16xi32>,
      %get3A_669 = arith.constant 960 : index
      %get3A_670 = tpu.vector_load %arg7[%get3A_669] {strides = array<i32>} : memref<2048xi32, #tpu.memory_space<vmem>>, vector<16xi32>,
      %get3A_671 = vector.shape_cast %get3A_670 : vector<16xi32> to vector<16xi32>
      %swap3A_672 = arith.constant 64 : index
      %swap3A_673 = tpu.vector_load %arg9[%swap3A_672] {strides = array<i32>} : memref<128xi32, #tpu.memory_space<vmem>>, vector<16xi32>,
      %swap3A_674 = vector.shape_cast %swap3A_673 : vector<16xi32> to vector<16xi32>
      %swap3A_675 = vector.shape_cast %get3A_671 : vector<16xi32> to vector<16xi32>
      tpu.vector_store %arg9[%swap3A_672], %swap3A_675 {strides = array<i32>} : memref<128xi32, #tpu.memory_space<vmem>>, vector<16xi32>,
      %get3A_676 = arith.constant 976 : index
      %get3A_677 = tpu.vector_load %arg7[%get3A_676] {strides = array<i32>} : memref<2048xi32, #tpu.memory_space<vmem>>, vector<16xi32>,
      %get3A_678 = vector.shape_cast %get3A_677 : vector<16xi32> to vector<16xi32>
      %swap3A_679 = arith.constant 80 : index
      %swap3A_680 = tpu.vector_load %arg9[%swap3A_679] {strides = array<i32>} : memref<128xi32, #tpu.memory_space<vmem>>, vector<16xi32>,
      %swap3A_681 = vector.shape_cast %swap3A_680 : vector<16xi32> to vector<16xi32>
      %swap3A_682 = vector.shape_cast %get3A_678 : vector<16xi32> to vector<16xi32>
      tpu.vector_store %arg9[%swap3A_679], %swap3A_682 {strides = array<i32>} : memref<128xi32, #tpu.memory_space<vmem>>, vector<16xi32>,
      %get3A_683 = arith.constant 992 : index
      %get3A_684 = tpu.vector_load %arg7[%get3A_683] {strides = array<i32>} : memref<2048xi32, #tpu.memory_space<vmem>>, vector<16xi32>,
      %get3A_685 = vector.shape_cast %get3A_684 : vector<16xi32> to vector<16xi32>
      %swap3A_686 = arith.constant 96 : index
      %swap3A_687 = tpu.vector_load %arg9[%swap3A_686] {strides = array<i32>} : memref<128xi32, #tpu.memory_space<vmem>>, vector<16xi32>,
      %swap3A_688 = vector.shape_cast %swap3A_687 : vector<16xi32> to vector<16xi32>
      %swap3A_689 = vector.shape_cast %get3A_685 : vector<16xi32> to vector<16xi32>
      tpu.vector_store %arg9[%swap3A_686], %swap3A_689 {strides = array<i32>} : memref<128xi32, #tpu.memory_space<vmem>>, vector<16xi32>,
      %get3A_690 = arith.constant 1008 : index
      %get3A_691 = tpu.vector_load %arg7[%get3A_690] {strides = array<i32>} : memref<2048xi32, #tpu.memory_space<vmem>>, vector<16xi32>,
      %get3A_692 = vector.shape_cast %get3A_691 : vector<16xi32> to vector<16xi32>
      %swap3A_693 = arith.constant 112 : index
      %swap3A_694 = tpu.vector_load %arg9[%swap3A_693] {strides = array<i32>} : memref<128xi32, #tpu.memory_space<vmem>>, vector<16xi32>,
      %swap3A_695 = vector.shape_cast %swap3A_694 : vector<16xi32> to vector<16xi32>
      %swap3A_696 = vector.shape_cast %get3A_692 : vector<16xi32> to vector<16xi32>
      tpu.vector_store %arg9[%swap3A_693], %swap3A_696 {strides = array<i32>} : memref<128xi32, #tpu.memory_space<vmem>>, vector<16xi32>,
      %dma_start3A_697 = arith.constant 896 : i32
      %dma_start3A_698 = tpu.memref_slice %arg6[%dma_start3A_697] : memref<2048xi32, #tpu.memory_space<vmem>> -> memref<128xi32, #tpu.memory_space<vmem>>
      %dma_start3A_699 = arith.constant 0 : i32
      %dma_start3A_700 = arith.constant 0 : i32
      %dma_start3A_701 = tpu.memref_slice %arg2[%arg0, %dma_start3A_699, %dma_start3A_700] : memref<2x10240x128xf32, #tpu.memory_space<hbm>> -> memref<1x10240x128xf32, #tpu.memory_space<hbm>>
      %dma_start3A_702 = tpu.memref_squeeze %dma_start3A_701 : memref<1x10240x128xf32, #tpu.memory_space<hbm>> -> memref<10240x128xf32, #tpu.memory_space<hbm>>
      %dma_start3A_703 = arith.constant 0 : i32
      %dma_start3A_704 = arith.constant 0 : i32
      %dma_start3A_705 = tpu.memref_slice %dma_start3A_702[%dma_start3A_703, %dma_start3A_704] : memref<10240x128xf32, #tpu.memory_space<hbm>> -> memref<10240x128xf32, #tpu.memory_space<hbm>>
      tpu.enqueue_indirect_dma source(%dma_start3A_705 : memref<10240x128xf32, #tpu.memory_space<hbm>>) target(%arg11 : memref<128x128xf32, #tpu.memory_space<vmem>>) offsets(%dma_start3A_698 : memref<128xi32, #tpu.memory_space<vmem>>) semaphore(%arg14 : memref<!tpu.dma_semaphore, #tpu.memory_space<semaphore_mem>>)
      %dma_wait3A_706 = arith.constant 768 : i32
      %dma_wait3A_707 = tpu.memref_slice %arg6[%dma_wait3A_706] : memref<2048xi32, #tpu.memory_space<vmem>> -> memref<128xi32, #tpu.memory_space<vmem>>
      %dma_wait3A_708 = arith.constant 0 : i32
      %dma_wait3A_709 = arith.constant 0 : i32
      %dma_wait3A_710 = tpu.memref_slice %arg2[%arg0, %dma_wait3A_708, %dma_wait3A_709] : memref<2x10240x128xf32, #tpu.memory_space<hbm>> -> memref<1x10240x128xf32, #tpu.memory_space<hbm>>
      %dma_wait3A_711 = tpu.memref_squeeze %dma_wait3A_710 : memref<1x10240x128xf32, #tpu.memory_space<hbm>> -> memref<10240x128xf32, #tpu.memory_space<hbm>>
      %dma_wait3A_712 = arith.constant 0 : i32
      %dma_wait3A_713 = arith.constant 0 : i32
      %dma_wait3A_714 = tpu.memref_slice %dma_wait3A_711[%dma_wait3A_712, %dma_wait3A_713] : memref<10240x128xf32, #tpu.memory_space<hbm>> -> memref<10240x128xf32, #tpu.memory_space<hbm>>
      tpu.wait_indirect_dma semaphore(%arg13 : memref<!tpu.dma_semaphore, #tpu.memory_space<semaphore_mem>>) src(%dma_wait3A_714 : memref<10240x128xf32, #tpu.memory_space<hbm>>) dst(%arg10 : memref<128x128xf32, #tpu.memory_space<vmem>>)
      %dma_start3A_715 = arith.constant 0 : i32
      %dma_start3A_716 = arith.constant 0 : i32
      %dma_start3A_717 = tpu.memref_slice %arg12[%dma_start3A_715, %dma_start3A_716] : memref<10240x128xf32, #tpu.memory_space<vmem_shared>> -> memref<10240x128xf32, #tpu.memory_space<vmem_shared>>
      tpu.enqueue_indirect_dma source(%arg10 : memref<128x128xf32, #tpu.memory_space<vmem>>) target(%dma_start3A_717 : memref<10240x128xf32, #tpu.memory_space<vmem_shared>>) offsets(%arg8 : memref<128xi32, #tpu.memory_space<vmem>>) semaphore(%arg15 : memref<!tpu.dma_semaphore, #tpu.memory_space<semaphore_mem>>) {add = true}
      %dma_wait3A_718 = arith.constant 896 : i32
      %dma_wait3A_719 = tpu.memref_slice %arg6[%dma_wait3A_718] : memref<2048xi32, #tpu.memory_space<vmem>> -> memref<128xi32, #tpu.memory_space<vmem>>
      %dma_wait3A_720 = arith.constant 0 : i32
      %dma_wait3A_721 = arith.constant 0 : i32
      %dma_wait3A_722 = tpu.memref_slice %arg2[%arg0, %dma_wait3A_720, %dma_wait3A_721] : memref<2x10240x128xf32, #tpu.memory_space<hbm>> -> memref<1x10240x128xf32, #tpu.memory_space<hbm>>
      %dma_wait3A_723 = tpu.memref_squeeze %dma_wait3A_722 : memref<1x10240x128xf32, #tpu.memory_space<hbm>> -> memref<10240x128xf32, #tpu.memory_space<hbm>>
      %dma_wait3A_724 = arith.constant 0 : i32
      %dma_wait3A_725 = arith.constant 0 : i32
      %dma_wait3A_726 = tpu.memref_slice %dma_wait3A_723[%dma_wait3A_724, %dma_wait3A_725] : memref<10240x128xf32, #tpu.memory_space<hbm>> -> memref<10240x128xf32, #tpu.memory_space<hbm>>
      tpu.wait_indirect_dma semaphore(%arg14 : memref<!tpu.dma_semaphore, #tpu.memory_space<semaphore_mem>>) src(%dma_wait3A_726 : memref<10240x128xf32, #tpu.memory_space<hbm>>) dst(%arg11 : memref<128x128xf32, #tpu.memory_space<vmem>>)
      %dma_start3A_727 = arith.constant 0 : i32
      %dma_start3A_728 = arith.constant 0 : i32
      %dma_start3A_729 = tpu.memref_slice %arg12[%dma_start3A_727, %dma_start3A_728] : memref<10240x128xf32, #tpu.memory_space<vmem_shared>> -> memref<10240x128xf32, #tpu.memory_space<vmem_shared>>
      tpu.enqueue_indirect_dma source(%arg11 : memref<128x128xf32, #tpu.memory_space<vmem>>) target(%dma_start3A_729 : memref<10240x128xf32, #tpu.memory_space<vmem_shared>>) offsets(%arg9 : memref<128xi32, #tpu.memory_space<vmem>>) semaphore(%arg16 : memref<!tpu.dma_semaphore, #tpu.memory_space<semaphore_mem>>) {add = true}
      %mul3A_730 = arith.constant 8 : i32
      %mul3A_731 = arith.muli %scan3A_59, %mul3A_730 : i32
      %add3A_732 = arith.constant 4 : i32
      %add3A_733 = arith.addi %mul3A_731, %add3A_732 : i32
      %gt3A_734 = arith.constant 0 : i32
      %gt3A_735 = arith.cmpi sgt, %add3A_733, %gt3A_734 : i32
      %convert_element_type3A_736 = arith.extui %gt3A_735 : i1 to i32
      %cond3A_737 = arith.constant 0 : i32
      %cond3A_738 = arith.cmpi ne, %convert_element_type3A_736, %cond3A_737 : i32
      scf.if %cond3A_738 {
        %dma_wait3A_1403 = arith.constant 0 : i32
        %dma_wait3A_1404 = arith.constant 0 : i32
        %dma_wait3A_1405 = tpu.memref_slice %arg12[%dma_wait3A_1403, %dma_wait3A_1404] : memref<10240x128xf32, #tpu.memory_space<vmem_shared>> -> memref<10240x128xf32, #tpu.memory_space<vmem_shared>>
        tpu.wait_indirect_dma semaphore(%arg15 : memref<!tpu.dma_semaphore, #tpu.memory_space<semaphore_mem>>) src(%arg10 : memref<128x128xf32, #tpu.memory_space<vmem>>) dst(%dma_wait3A_1405 : memref<10240x128xf32, #tpu.memory_space<vmem_shared>>)
      } else {
      }
      %get3A_739 = arith.constant 1024 : index
      %get3A_740 = tpu.vector_load %arg7[%get3A_739] {strides = array<i32>} : memref<2048xi32, #tpu.memory_space<vmem>>, vector<16xi32>,
      %get3A_741 = vector.shape_cast %get3A_740 : vector<16xi32> to vector<16xi32>
      %swap3A_742 = arith.constant 0 : index
      %swap3A_743 = tpu.vector_load %arg8[%swap3A_742] {strides = array<i32>} : memref<128xi32, #tpu.memory_space<vmem>>, vector<16xi32>,
      %swap3A_744 = vector.shape_cast %swap3A_743 : vector<16xi32> to vector<16xi32>
      %swap3A_745 = vector.shape_cast %get3A_741 : vector<16xi32> to vector<16xi32>
      tpu.vector_store %arg8[%swap3A_742], %swap3A_745 {strides = array<i32>} : memref<128xi32, #tpu.memory_space<vmem>>, vector<16xi32>,
      %get3A_746 = arith.constant 1040 : index
      %get3A_747 = tpu.vector_load %arg7[%get3A_746] {strides = array<i32>} : memref<2048xi32, #tpu.memory_space<vmem>>, vector<16xi32>,
      %get3A_748 = vector.shape_cast %get3A_747 : vector<16xi32> to vector<16xi32>
      %swap3A_749 = arith.constant 16 : index
      %swap3A_750 = tpu.vector_load %arg8[%swap3A_749] {strides = array<i32>} : memref<128xi32, #tpu.memory_space<vmem>>, vector<16xi32>,
      %swap3A_751 = vector.shape_cast %swap3A_750 : vector<16xi32> to vector<16xi32>
      %swap3A_752 = vector.shape_cast %get3A_748 : vector<16xi32> to vector<16xi32>
      tpu.vector_store %arg8[%swap3A_749], %swap3A_752 {strides = array<i32>} : memref<128xi32, #tpu.memory_space<vmem>>, vector<16xi32>,
      %get3A_753 = arith.constant 1056 : index
      %get3A_754 = tpu.vector_load %arg7[%get3A_753] {strides = array<i32>} : memref<2048xi32, #tpu.memory_space<vmem>>, vector<16xi32>,
      %get3A_755 = vector.shape_cast %get3A_754 : vector<16xi32> to vector<16xi32>
      %swap3A_756 = arith.constant 32 : index
      %swap3A_757 = tpu.vector_load %arg8[%swap3A_756] {strides = array<i32>} : memref<128xi32, #tpu.memory_space<vmem>>, vector<16xi32>,
      %swap3A_758 = vector.shape_cast %swap3A_757 : vector<16xi32> to vector<16xi32>
      %swap3A_759 = vector.shape_cast %get3A_755 : vector<16xi32> to vector<16xi32>
      tpu.vector_store %arg8[%swap3A_756], %swap3A_759 {strides = array<i32>} : memref<128xi32, #tpu.memory_space<vmem>>, vector<16xi32>,
      %get3A_760 = arith.constant 1072 : index
      %get3A_761 = tpu.vector_load %arg7[%get3A_760] {strides = array<i32>} : memref<2048xi32, #tpu.memory_space<vmem>>, vector<16xi32>,
      %get3A_762 = vector.shape_cast %get3A_761 : vector<16xi32> to vector<16xi32>
      %swap3A_763 = arith.constant 48 : index
      %swap3A_764 = tpu.vector_load %arg8[%swap3A_763] {strides = array<i32>} : memref<128xi32, #tpu.memory_space<vmem>>, vector<16xi32>,
      %swap3A_765 = vector.shape_cast %swap3A_764 : vector<16xi32> to vector<16xi32>
      %swap3A_766 = vector.shape_cast %get3A_762 : vector<16xi32> to vector<16xi32>
      tpu.vector_store %arg8[%swap3A_763], %swap3A_766 {strides = array<i32>} : memref<128xi32, #tpu.memory_space<vmem>>, vector<16xi32>,
      %get3A_767 = arith.constant 1088 : index
      %get3A_768 = tpu.vector_load %arg7[%get3A_767] {strides = array<i32>} : memref<2048xi32, #tpu.memory_space<vmem>>, vector<16xi32>,
      %get3A_769 = vector.shape_cast %get3A_768 : vector<16xi32> to vector<16xi32>
      %swap3A_770 = arith.constant 64 : index
      %swap3A_771 = tpu.vector_load %arg8[%swap3A_770] {strides = array<i32>} : memref<128xi32, #tpu.memory_space<vmem>>, vector<16xi32>,
      %swap3A_772 = vector.shape_cast %swap3A_771 : vector<16xi32> to vector<16xi32>
      %swap3A_773 = vector.shape_cast %get3A_769 : vector<16xi32> to vector<16xi32>
      tpu.vector_store %arg8[%swap3A_770], %swap3A_773 {strides = array<i32>} : memref<128xi32, #tpu.memory_space<vmem>>, vector<16xi32>,
      %get3A_774 = arith.constant 1104 : index
      %get3A_775 = tpu.vector_load %arg7[%get3A_774] {strides = array<i32>} : memref<2048xi32, #tpu.memory_space<vmem>>, vector<16xi32>,
      %get3A_776 = vector.shape_cast %get3A_775 : vector<16xi32> to vector<16xi32>
      %swap3A_777 = arith.constant 80 : index
      %swap3A_778 = tpu.vector_load %arg8[%swap3A_777] {strides = array<i32>} : memref<128xi32, #tpu.memory_space<vmem>>, vector<16xi32>,
      %swap3A_779 = vector.shape_cast %swap3A_778 : vector<16xi32> to vector<16xi32>
      %swap3A_780 = vector.shape_cast %get3A_776 : vector<16xi32> to vector<16xi32>
      tpu.vector_store %arg8[%swap3A_777], %swap3A_780 {strides = array<i32>} : memref<128xi32, #tpu.memory_space<vmem>>, vector<16xi32>,
      %get3A_781 = arith.constant 1120 : index
      %get3A_782 = tpu.vector_load %arg7[%get3A_781] {strides = array<i32>} : memref<2048xi32, #tpu.memory_space<vmem>>, vector<16xi32>,
      %get3A_783 = vector.shape_cast %get3A_782 : vector<16xi32> to vector<16xi32>
      %swap3A_784 = arith.constant 96 : index
      %swap3A_785 = tpu.vector_load %arg8[%swap3A_784] {strides = array<i32>} : memref<128xi32, #tpu.memory_space<vmem>>, vector<16xi32>,
      %swap3A_786 = vector.shape_cast %swap3A_785 : vector<16xi32> to vector<16xi32>
      %swap3A_787 = vector.shape_cast %get3A_783 : vector<16xi32> to vector<16xi32>
      tpu.vector_store %arg8[%swap3A_784], %swap3A_787 {strides = array<i32>} : memref<128xi32, #tpu.memory_space<vmem>>, vector<16xi32>,
      %get3A_788 = arith.constant 1136 : index
      %get3A_789 = tpu.vector_load %arg7[%get3A_788] {strides = array<i32>} : memref<2048xi32, #tpu.memory_space<vmem>>, vector<16xi32>,
      %get3A_790 = vector.shape_cast %get3A_789 : vector<16xi32> to vector<16xi32>
      %swap3A_791 = arith.constant 112 : index
      %swap3A_792 = tpu.vector_load %arg8[%swap3A_791] {strides = array<i32>} : memref<128xi32, #tpu.memory_space<vmem>>, vector<16xi32>,
      %swap3A_793 = vector.shape_cast %swap3A_792 : vector<16xi32> to vector<16xi32>
      %swap3A_794 = vector.shape_cast %get3A_790 : vector<16xi32> to vector<16xi32>
      tpu.vector_store %arg8[%swap3A_791], %swap3A_794 {strides = array<i32>} : memref<128xi32, #tpu.memory_space<vmem>>, vector<16xi32>,
      %dma_start3A_795 = arith.constant 1024 : i32
      %dma_start3A_796 = tpu.memref_slice %arg6[%dma_start3A_795] : memref<2048xi32, #tpu.memory_space<vmem>> -> memref<128xi32, #tpu.memory_space<vmem>>
      %dma_start3A_797 = arith.constant 0 : i32
      %dma_start3A_798 = arith.constant 0 : i32
      %dma_start3A_799 = tpu.memref_slice %arg2[%arg0, %dma_start3A_797, %dma_start3A_798] : memref<2x10240x128xf32, #tpu.memory_space<hbm>> -> memref<1x10240x128xf32, #tpu.memory_space<hbm>>
      %dma_start3A_800 = tpu.memref_squeeze %dma_start3A_799 : memref<1x10240x128xf32, #tpu.memory_space<hbm>> -> memref<10240x128xf32, #tpu.memory_space<hbm>>
      %dma_start3A_801 = arith.constant 0 : i32
      %dma_start3A_802 = arith.constant 0 : i32
      %dma_start3A_803 = tpu.memref_slice %dma_start3A_800[%dma_start3A_801, %dma_start3A_802] : memref<10240x128xf32, #tpu.memory_space<hbm>> -> memref<10240x128xf32, #tpu.memory_space<hbm>>
      tpu.enqueue_indirect_dma source(%dma_start3A_803 : memref<10240x128xf32, #tpu.memory_space<hbm>>) target(%arg10 : memref<128x128xf32, #tpu.memory_space<vmem>>) offsets(%dma_start3A_796 : memref<128xi32, #tpu.memory_space<vmem>>) semaphore(%arg13 : memref<!tpu.dma_semaphore, #tpu.memory_space<semaphore_mem>>)
      %gt3A_804 = arith.constant 0 : i32
      %gt3A_805 = arith.cmpi sgt, %add3A_733, %gt3A_804 : i32
      %convert_element_type3A_806 = arith.extui %gt3A_805 : i1 to i32
      %cond3A_807 = arith.constant 0 : i32
      %cond3A_808 = arith.cmpi ne, %convert_element_type3A_806, %cond3A_807 : i32
      scf.if %cond3A_808 {
        %dma_wait3A_1403 = arith.constant 0 : i32
        %dma_wait3A_1404 = arith.constant 0 : i32
        %dma_wait3A_1405 = tpu.memref_slice %arg12[%dma_wait3A_1403, %dma_wait3A_1404] : memref<10240x128xf32, #tpu.memory_space<vmem_shared>> -> memref<10240x128xf32, #tpu.memory_space<vmem_shared>>
        tpu.wait_indirect_dma semaphore(%arg16 : memref<!tpu.dma_semaphore, #tpu.memory_space<semaphore_mem>>) src(%arg11 : memref<128x128xf32, #tpu.memory_space<vmem>>) dst(%dma_wait3A_1405 : memref<10240x128xf32, #tpu.memory_space<vmem_shared>>)
      } else {
      }
      %get3A_809 = arith.constant 1152 : index
      %get3A_810 = tpu.vector_load %arg7[%get3A_809] {strides = array<i32>} : memref<2048xi32, #tpu.memory_space<vmem>>, vector<16xi32>,
      %get3A_811 = vector.shape_cast %get3A_810 : vector<16xi32> to vector<16xi32>
      %swap3A_812 = arith.constant 0 : index
      %swap3A_813 = tpu.vector_load %arg9[%swap3A_812] {strides = array<i32>} : memref<128xi32, #tpu.memory_space<vmem>>, vector<16xi32>,
      %swap3A_814 = vector.shape_cast %swap3A_813 : vector<16xi32> to vector<16xi32>
      %swap3A_815 = vector.shape_cast %get3A_811 : vector<16xi32> to vector<16xi32>
      tpu.vector_store %arg9[%swap3A_812], %swap3A_815 {strides = array<i32>} : memref<128xi32, #tpu.memory_space<vmem>>, vector<16xi32>,
      %get3A_816 = arith.constant 1168 : index
      %get3A_817 = tpu.vector_load %arg7[%get3A_816] {strides = array<i32>} : memref<2048xi32, #tpu.memory_space<vmem>>, vector<16xi32>,
      %get3A_818 = vector.shape_cast %get3A_817 : vector<16xi32> to vector<16xi32>
      %swap3A_819 = arith.constant 16 : index
      %swap3A_820 = tpu.vector_load %arg9[%swap3A_819] {strides = array<i32>} : memref<128xi32, #tpu.memory_space<vmem>>, vector<16xi32>,
      %swap3A_821 = vector.shape_cast %swap3A_820 : vector<16xi32> to vector<16xi32>
      %swap3A_822 = vector.shape_cast %get3A_818 : vector<16xi32> to vector<16xi32>
      tpu.vector_store %arg9[%swap3A_819], %swap3A_822 {strides = array<i32>} : memref<128xi32, #tpu.memory_space<vmem>>, vector<16xi32>,
      %get3A_823 = arith.constant 1184 : index
      %get3A_824 = tpu.vector_load %arg7[%get3A_823] {strides = array<i32>} : memref<2048xi32, #tpu.memory_space<vmem>>, vector<16xi32>,
      %get3A_825 = vector.shape_cast %get3A_824 : vector<16xi32> to vector<16xi32>
      %swap3A_826 = arith.constant 32 : index
      %swap3A_827 = tpu.vector_load %arg9[%swap3A_826] {strides = array<i32>} : memref<128xi32, #tpu.memory_space<vmem>>, vector<16xi32>,
      %swap3A_828 = vector.shape_cast %swap3A_827 : vector<16xi32> to vector<16xi32>
      %swap3A_829 = vector.shape_cast %get3A_825 : vector<16xi32> to vector<16xi32>
      tpu.vector_store %arg9[%swap3A_826], %swap3A_829 {strides = array<i32>} : memref<128xi32, #tpu.memory_space<vmem>>, vector<16xi32>,
      %get3A_830 = arith.constant 1200 : index
      %get3A_831 = tpu.vector_load %arg7[%get3A_830] {strides = array<i32>} : memref<2048xi32, #tpu.memory_space<vmem>>, vector<16xi32>,
      %get3A_832 = vector.shape_cast %get3A_831 : vector<16xi32> to vector<16xi32>
      %swap3A_833 = arith.constant 48 : index
      %swap3A_834 = tpu.vector_load %arg9[%swap3A_833] {strides = array<i32>} : memref<128xi32, #tpu.memory_space<vmem>>, vector<16xi32>,
      %swap3A_835 = vector.shape_cast %swap3A_834 : vector<16xi32> to vector<16xi32>
      %swap3A_836 = vector.shape_cast %get3A_832 : vector<16xi32> to vector<16xi32>
      tpu.vector_store %arg9[%swap3A_833], %swap3A_836 {strides = array<i32>} : memref<128xi32, #tpu.memory_space<vmem>>, vector<16xi32>,
      %get3A_837 = arith.constant 1216 : index
      %get3A_838 = tpu.vector_load %arg7[%get3A_837] {strides = array<i32>} : memref<2048xi32, #tpu.memory_space<vmem>>, vector<16xi32>,
      %get3A_839 = vector.shape_cast %get3A_838 : vector<16xi32> to vector<16xi32>
      %swap3A_840 = arith.constant 64 : index
      %swap3A_841 = tpu.vector_load %arg9[%swap3A_840] {strides = array<i32>} : memref<128xi32, #tpu.memory_space<vmem>>, vector<16xi32>,
      %swap3A_842 = vector.shape_cast %swap3A_841 : vector<16xi32> to vector<16xi32>
      %swap3A_843 = vector.shape_cast %get3A_839 : vector<16xi32> to vector<16xi32>
      tpu.vector_store %arg9[%swap3A_840], %swap3A_843 {strides = array<i32>} : memref<128xi32, #tpu.memory_space<vmem>>, vector<16xi32>,
      %get3A_844 = arith.constant 1232 : index
      %get3A_845 = tpu.vector_load %arg7[%get3A_844] {strides = array<i32>} : memref<2048xi32, #tpu.memory_space<vmem>>, vector<16xi32>,
      %get3A_846 = vector.shape_cast %get3A_845 : vector<16xi32> to vector<16xi32>
      %swap3A_847 = arith.constant 80 : index
      %swap3A_848 = tpu.vector_load %arg9[%swap3A_847] {strides = array<i32>} : memref<128xi32, #tpu.memory_space<vmem>>, vector<16xi32>,
      %swap3A_849 = vector.shape_cast %swap3A_848 : vector<16xi32> to vector<16xi32>
      %swap3A_850 = vector.shape_cast %get3A_846 : vector<16xi32> to vector<16xi32>
      tpu.vector_store %arg9[%swap3A_847], %swap3A_850 {strides = array<i32>} : memref<128xi32, #tpu.memory_space<vmem>>, vector<16xi32>,
      %get3A_851 = arith.constant 1248 : index
      %get3A_852 = tpu.vector_load %arg7[%get3A_851] {strides = array<i32>} : memref<2048xi32, #tpu.memory_space<vmem>>, vector<16xi32>,
      %get3A_853 = vector.shape_cast %get3A_852 : vector<16xi32> to vector<16xi32>
      %swap3A_854 = arith.constant 96 : index
      %swap3A_855 = tpu.vector_load %arg9[%swap3A_854] {strides = array<i32>} : memref<128xi32, #tpu.memory_space<vmem>>, vector<16xi32>,
      %swap3A_856 = vector.shape_cast %swap3A_855 : vector<16xi32> to vector<16xi32>
      %swap3A_857 = vector.shape_cast %get3A_853 : vector<16xi32> to vector<16xi32>
      tpu.vector_store %arg9[%swap3A_854], %swap3A_857 {strides = array<i32>} : memref<128xi32, #tpu.memory_space<vmem>>, vector<16xi32>,
      %get3A_858 = arith.constant 1264 : index
      %get3A_859 = tpu.vector_load %arg7[%get3A_858] {strides = array<i32>} : memref<2048xi32, #tpu.memory_space<vmem>>, vector<16xi32>,
      %get3A_860 = vector.shape_cast %get3A_859 : vector<16xi32> to vector<16xi32>
      %swap3A_861 = arith.constant 112 : index
      %swap3A_862 = tpu.vector_load %arg9[%swap3A_861] {strides = array<i32>} : memref<128xi32, #tpu.memory_space<vmem>>, vector<16xi32>,
      %swap3A_863 = vector.shape_cast %swap3A_862 : vector<16xi32> to vector<16xi32>
      %swap3A_864 = vector.shape_cast %get3A_860 : vector<16xi32> to vector<16xi32>
      tpu.vector_store %arg9[%swap3A_861], %swap3A_864 {strides = array<i32>} : memref<128xi32, #tpu.memory_space<vmem>>, vector<16xi32>,
      %dma_start3A_865 = arith.constant 1152 : i32
      %dma_start3A_866 = tpu.memref_slice %arg6[%dma_start3A_865] : memref<2048xi32, #tpu.memory_space<vmem>> -> memref<128xi32, #tpu.memory_space<vmem>>
      %dma_start3A_867 = arith.constant 0 : i32
      %dma_start3A_868 = arith.constant 0 : i32
      %dma_start3A_869 = tpu.memref_slice %arg2[%arg0, %dma_start3A_867, %dma_start3A_868] : memref<2x10240x128xf32, #tpu.memory_space<hbm>> -> memref<1x10240x128xf32, #tpu.memory_space<hbm>>
      %dma_start3A_870 = tpu.memref_squeeze %dma_start3A_869 : memref<1x10240x128xf32, #tpu.memory_space<hbm>> -> memref<10240x128xf32, #tpu.memory_space<hbm>>
      %dma_start3A_871 = arith.constant 0 : i32
      %dma_start3A_872 = arith.constant 0 : i32
      %dma_start3A_873 = tpu.memref_slice %dma_start3A_870[%dma_start3A_871, %dma_start3A_872] : memref<10240x128xf32, #tpu.memory_space<hbm>> -> memref<10240x128xf32, #tpu.memory_space<hbm>>
      tpu.enqueue_indirect_dma source(%dma_start3A_873 : memref<10240x128xf32, #tpu.memory_space<hbm>>) target(%arg11 : memref<128x128xf32, #tpu.memory_space<vmem>>) offsets(%dma_start3A_866 : memref<128xi32, #tpu.memory_space<vmem>>) semaphore(%arg14 : memref<!tpu.dma_semaphore, #tpu.memory_space<semaphore_mem>>)
      %dma_wait3A_874 = arith.constant 1024 : i32
      %dma_wait3A_875 = tpu.memref_slice %arg6[%dma_wait3A_874] : memref<2048xi32, #tpu.memory_space<vmem>> -> memref<128xi32, #tpu.memory_space<vmem>>
      %dma_wait3A_876 = arith.constant 0 : i32
      %dma_wait3A_877 = arith.constant 0 : i32
      %dma_wait3A_878 = tpu.memref_slice %arg2[%arg0, %dma_wait3A_876, %dma_wait3A_877] : memref<2x10240x128xf32, #tpu.memory_space<hbm>> -> memref<1x10240x128xf32, #tpu.memory_space<hbm>>
      %dma_wait3A_879 = tpu.memref_squeeze %dma_wait3A_878 : memref<1x10240x128xf32, #tpu.memory_space<hbm>> -> memref<10240x128xf32, #tpu.memory_space<hbm>>
      %dma_wait3A_880 = arith.constant 0 : i32
      %dma_wait3A_881 = arith.constant 0 : i32
      %dma_wait3A_882 = tpu.memref_slice %dma_wait3A_879[%dma_wait3A_880, %dma_wait3A_881] : memref<10240x128xf32, #tpu.memory_space<hbm>> -> memref<10240x128xf32, #tpu.memory_space<hbm>>
      tpu.wait_indirect_dma semaphore(%arg13 : memref<!tpu.dma_semaphore, #tpu.memory_space<semaphore_mem>>) src(%dma_wait3A_882 : memref<10240x128xf32, #tpu.memory_space<hbm>>) dst(%arg10 : memref<128x128xf32, #tpu.memory_space<vmem>>)
      %dma_start3A_883 = arith.constant 0 : i32
      %dma_start3A_884 = arith.constant 0 : i32
      %dma_start3A_885 = tpu.memref_slice %arg12[%dma_start3A_883, %dma_start3A_884] : memref<10240x128xf32, #tpu.memory_space<vmem_shared>> -> memref<10240x128xf32, #tpu.memory_space<vmem_shared>>
      tpu.enqueue_indirect_dma source(%arg10 : memref<128x128xf32, #tpu.memory_space<vmem>>) target(%dma_start3A_885 : memref<10240x128xf32, #tpu.memory_space<vmem_shared>>) offsets(%arg8 : memref<128xi32, #tpu.memory_space<vmem>>) semaphore(%arg15 : memref<!tpu.dma_semaphore, #tpu.memory_space<semaphore_mem>>) {add = true}
      %dma_wait3A_886 = arith.constant 1152 : i32
      %dma_wait3A_887 = tpu.memref_slice %arg6[%dma_wait3A_886] : memref<2048xi32, #tpu.memory_space<vmem>> -> memref<128xi32, #tpu.memory_space<vmem>>
      %dma_wait3A_888 = arith.constant 0 : i32
      %dma_wait3A_889 = arith.constant 0 : i32
      %dma_wait3A_890 = tpu.memref_slice %arg2[%arg0, %dma_wait3A_888, %dma_wait3A_889] : memref<2x10240x128xf32, #tpu.memory_space<hbm>> -> memref<1x10240x128xf32, #tpu.memory_space<hbm>>
      %dma_wait3A_891 = tpu.memref_squeeze %dma_wait3A_890 : memref<1x10240x128xf32, #tpu.memory_space<hbm>> -> memref<10240x128xf32, #tpu.memory_space<hbm>>
      %dma_wait3A_892 = arith.constant 0 : i32
      %dma_wait3A_893 = arith.constant 0 : i32
      %dma_wait3A_894 = tpu.memref_slice %dma_wait3A_891[%dma_wait3A_892, %dma_wait3A_893] : memref<10240x128xf32, #tpu.memory_space<hbm>> -> memref<10240x128xf32, #tpu.memory_space<hbm>>
      tpu.wait_indirect_dma semaphore(%arg14 : memref<!tpu.dma_semaphore, #tpu.memory_space<semaphore_mem>>) src(%dma_wait3A_894 : memref<10240x128xf32, #tpu.memory_space<hbm>>) dst(%arg11 : memref<128x128xf32, #tpu.memory_space<vmem>>)
      %dma_start3A_895 = arith.constant 0 : i32
      %dma_start3A_896 = arith.constant 0 : i32
      %dma_start3A_897 = tpu.memref_slice %arg12[%dma_start3A_895, %dma_start3A_896] : memref<10240x128xf32, #tpu.memory_space<vmem_shared>> -> memref<10240x128xf32, #tpu.memory_space<vmem_shared>>
      tpu.enqueue_indirect_dma source(%arg11 : memref<128x128xf32, #tpu.memory_space<vmem>>) target(%dma_start3A_897 : memref<10240x128xf32, #tpu.memory_space<vmem_shared>>) offsets(%arg9 : memref<128xi32, #tpu.memory_space<vmem>>) semaphore(%arg16 : memref<!tpu.dma_semaphore, #tpu.memory_space<semaphore_mem>>) {add = true}
      %mul3A_898 = arith.constant 8 : i32
      %mul3A_899 = arith.muli %scan3A_59, %mul3A_898 : i32
      %add3A_900 = arith.constant 5 : i32
      %add3A_901 = arith.addi %mul3A_899, %add3A_900 : i32
      %gt3A_902 = arith.constant 0 : i32
      %gt3A_903 = arith.cmpi sgt, %add3A_901, %gt3A_902 : i32
      %convert_element_type3A_904 = arith.extui %gt3A_903 : i1 to i32
      %cond3A_905 = arith.constant 0 : i32
      %cond3A_906 = arith.cmpi ne, %convert_element_type3A_904, %cond3A_905 : i32
      scf.if %cond3A_906 {
        %dma_wait3A_1403 = arith.constant 0 : i32
        %dma_wait3A_1404 = arith.constant 0 : i32
        %dma_wait3A_1405 = tpu.memref_slice %arg12[%dma_wait3A_1403, %dma_wait3A_1404] : memref<10240x128xf32, #tpu.memory_space<vmem_shared>> -> memref<10240x128xf32, #tpu.memory_space<vmem_shared>>
        tpu.wait_indirect_dma semaphore(%arg15 : memref<!tpu.dma_semaphore, #tpu.memory_space<semaphore_mem>>) src(%arg10 : memref<128x128xf32, #tpu.memory_space<vmem>>) dst(%dma_wait3A_1405 : memref<10240x128xf32, #tpu.memory_space<vmem_shared>>)
      } else {
      }
      %get3A_907 = arith.constant 1280 : index
      %get3A_908 = tpu.vector_load %arg7[%get3A_907] {strides = array<i32>} : memref<2048xi32, #tpu.memory_space<vmem>>, vector<16xi32>,
      %get3A_909 = vector.shape_cast %get3A_908 : vector<16xi32> to vector<16xi32>
      %swap3A_910 = arith.constant 0 : index
      %swap3A_911 = tpu.vector_load %arg8[%swap3A_910] {strides = array<i32>} : memref<128xi32, #tpu.memory_space<vmem>>, vector<16xi32>,
      %swap3A_912 = vector.shape_cast %swap3A_911 : vector<16xi32> to vector<16xi32>
      %swap3A_913 = vector.shape_cast %get3A_909 : vector<16xi32> to vector<16xi32>
      tpu.vector_store %arg8[%swap3A_910], %swap3A_913 {strides = array<i32>} : memref<128xi32, #tpu.memory_space<vmem>>, vector<16xi32>,
      %get3A_914 = arith.constant 1296 : index
      %get3A_915 = tpu.vector_load %arg7[%get3A_914] {strides = array<i32>} : memref<2048xi32, #tpu.memory_space<vmem>>, vector<16xi32>,
      %get3A_916 = vector.shape_cast %get3A_915 : vector<16xi32> to vector<16xi32>
      %swap3A_917 = arith.constant 16 : index
      %swap3A_918 = tpu.vector_load %arg8[%swap3A_917] {strides = array<i32>} : memref<128xi32, #tpu.memory_space<vmem>>, vector<16xi32>,
      %swap3A_919 = vector.shape_cast %swap3A_918 : vector<16xi32> to vector<16xi32>
      %swap3A_920 = vector.shape_cast %get3A_916 : vector<16xi32> to vector<16xi32>
      tpu.vector_store %arg8[%swap3A_917], %swap3A_920 {strides = array<i32>} : memref<128xi32, #tpu.memory_space<vmem>>, vector<16xi32>,
      %get3A_921 = arith.constant 1312 : index
      %get3A_922 = tpu.vector_load %arg7[%get3A_921] {strides = array<i32>} : memref<2048xi32, #tpu.memory_space<vmem>>, vector<16xi32>,
      %get3A_923 = vector.shape_cast %get3A_922 : vector<16xi32> to vector<16xi32>
      %swap3A_924 = arith.constant 32 : index
      %swap3A_925 = tpu.vector_load %arg8[%swap3A_924] {strides = array<i32>} : memref<128xi32, #tpu.memory_space<vmem>>, vector<16xi32>,
      %swap3A_926 = vector.shape_cast %swap3A_925 : vector<16xi32> to vector<16xi32>
      %swap3A_927 = vector.shape_cast %get3A_923 : vector<16xi32> to vector<16xi32>
      tpu.vector_store %arg8[%swap3A_924], %swap3A_927 {strides = array<i32>} : memref<128xi32, #tpu.memory_space<vmem>>, vector<16xi32>,
      %get3A_928 = arith.constant 1328 : index
      %get3A_929 = tpu.vector_load %arg7[%get3A_928] {strides = array<i32>} : memref<2048xi32, #tpu.memory_space<vmem>>, vector<16xi32>,
      %get3A_930 = vector.shape_cast %get3A_929 : vector<16xi32> to vector<16xi32>
      %swap3A_931 = arith.constant 48 : index
      %swap3A_932 = tpu.vector_load %arg8[%swap3A_931] {strides = array<i32>} : memref<128xi32, #tpu.memory_space<vmem>>, vector<16xi32>,
      %swap3A_933 = vector.shape_cast %swap3A_932 : vector<16xi32> to vector<16xi32>
      %swap3A_934 = vector.shape_cast %get3A_930 : vector<16xi32> to vector<16xi32>
      tpu.vector_store %arg8[%swap3A_931], %swap3A_934 {strides = array<i32>} : memref<128xi32, #tpu.memory_space<vmem>>, vector<16xi32>,
      %get3A_935 = arith.constant 1344 : index
      %get3A_936 = tpu.vector_load %arg7[%get3A_935] {strides = array<i32>} : memref<2048xi32, #tpu.memory_space<vmem>>, vector<16xi32>,
      %get3A_937 = vector.shape_cast %get3A_936 : vector<16xi32> to vector<16xi32>
      %swap3A_938 = arith.constant 64 : index
      %swap3A_939 = tpu.vector_load %arg8[%swap3A_938] {strides = array<i32>} : memref<128xi32, #tpu.memory_space<vmem>>, vector<16xi32>,
      %swap3A_940 = vector.shape_cast %swap3A_939 : vector<16xi32> to vector<16xi32>
      %swap3A_941 = vector.shape_cast %get3A_937 : vector<16xi32> to vector<16xi32>
      tpu.vector_store %arg8[%swap3A_938], %swap3A_941 {strides = array<i32>} : memref<128xi32, #tpu.memory_space<vmem>>, vector<16xi32>,
      %get3A_942 = arith.constant 1360 : index
      %get3A_943 = tpu.vector_load %arg7[%get3A_942] {strides = array<i32>} : memref<2048xi32, #tpu.memory_space<vmem>>, vector<16xi32>,
      %get3A_944 = vector.shape_cast %get3A_943 : vector<16xi32> to vector<16xi32>
      %swap3A_945 = arith.constant 80 : index
      %swap3A_946 = tpu.vector_load %arg8[%swap3A_945] {strides = array<i32>} : memref<128xi32, #tpu.memory_space<vmem>>, vector<16xi32>,
      %swap3A_947 = vector.shape_cast %swap3A_946 : vector<16xi32> to vector<16xi32>
      %swap3A_948 = vector.shape_cast %get3A_944 : vector<16xi32> to vector<16xi32>
      tpu.vector_store %arg8[%swap3A_945], %swap3A_948 {strides = array<i32>} : memref<128xi32, #tpu.memory_space<vmem>>, vector<16xi32>,
      %get3A_949 = arith.constant 1376 : index
      %get3A_950 = tpu.vector_load %arg7[%get3A_949] {strides = array<i32>} : memref<2048xi32, #tpu.memory_space<vmem>>, vector<16xi32>,
      %get3A_951 = vector.shape_cast %get3A_950 : vector<16xi32> to vector<16xi32>
      %swap3A_952 = arith.constant 96 : index
      %swap3A_953 = tpu.vector_load %arg8[%swap3A_952] {strides = array<i32>} : memref<128xi32, #tpu.memory_space<vmem>>, vector<16xi32>,
      %swap3A_954 = vector.shape_cast %swap3A_953 : vector<16xi32> to vector<16xi32>
      %swap3A_955 = vector.shape_cast %get3A_951 : vector<16xi32> to vector<16xi32>
      tpu.vector_store %arg8[%swap3A_952], %swap3A_955 {strides = array<i32>} : memref<128xi32, #tpu.memory_space<vmem>>, vector<16xi32>,
      %get3A_956 = arith.constant 1392 : index
      %get3A_957 = tpu.vector_load %arg7[%get3A_956] {strides = array<i32>} : memref<2048xi32, #tpu.memory_space<vmem>>, vector<16xi32>,
      %get3A_958 = vector.shape_cast %get3A_957 : vector<16xi32> to vector<16xi32>
      %swap3A_959 = arith.constant 112 : index
      %swap3A_960 = tpu.vector_load %arg8[%swap3A_959] {strides = array<i32>} : memref<128xi32, #tpu.memory_space<vmem>>, vector<16xi32>,
      %swap3A_961 = vector.shape_cast %swap3A_960 : vector<16xi32> to vector<16xi32>
      %swap3A_962 = vector.shape_cast %get3A_958 : vector<16xi32> to vector<16xi32>
      tpu.vector_store %arg8[%swap3A_959], %swap3A_962 {strides = array<i32>} : memref<128xi32, #tpu.memory_space<vmem>>, vector<16xi32>,
      %dma_start3A_963 = arith.constant 1280 : i32
      %dma_start3A_964 = tpu.memref_slice %arg6[%dma_start3A_963] : memref<2048xi32, #tpu.memory_space<vmem>> -> memref<128xi32, #tpu.memory_space<vmem>>
      %dma_start3A_965 = arith.constant 0 : i32
      %dma_start3A_966 = arith.constant 0 : i32
      %dma_start3A_967 = tpu.memref_slice %arg2[%arg0, %dma_start3A_965, %dma_start3A_966] : memref<2x10240x128xf32, #tpu.memory_space<hbm>> -> memref<1x10240x128xf32, #tpu.memory_space<hbm>>
      %dma_start3A_968 = tpu.memref_squeeze %dma_start3A_967 : memref<1x10240x128xf32, #tpu.memory_space<hbm>> -> memref<10240x128xf32, #tpu.memory_space<hbm>>
      %dma_start3A_969 = arith.constant 0 : i32
      %dma_start3A_970 = arith.constant 0 : i32
      %dma_start3A_971 = tpu.memref_slice %dma_start3A_968[%dma_start3A_969, %dma_start3A_970] : memref<10240x128xf32, #tpu.memory_space<hbm>> -> memref<10240x128xf32, #tpu.memory_space<hbm>>
      tpu.enqueue_indirect_dma source(%dma_start3A_971 : memref<10240x128xf32, #tpu.memory_space<hbm>>) target(%arg10 : memref<128x128xf32, #tpu.memory_space<vmem>>) offsets(%dma_start3A_964 : memref<128xi32, #tpu.memory_space<vmem>>) semaphore(%arg13 : memref<!tpu.dma_semaphore, #tpu.memory_space<semaphore_mem>>)
      %gt3A_972 = arith.constant 0 : i32
      %gt3A_973 = arith.cmpi sgt, %add3A_901, %gt3A_972 : i32
      %convert_element_type3A_974 = arith.extui %gt3A_973 : i1 to i32
      %cond3A_975 = arith.constant 0 : i32
      %cond3A_976 = arith.cmpi ne, %convert_element_type3A_974, %cond3A_975 : i32
      scf.if %cond3A_976 {
        %dma_wait3A_1403 = arith.constant 0 : i32
        %dma_wait3A_1404 = arith.constant 0 : i32
        %dma_wait3A_1405 = tpu.memref_slice %arg12[%dma_wait3A_1403, %dma_wait3A_1404] : memref<10240x128xf32, #tpu.memory_space<vmem_shared>> -> memref<10240x128xf32, #tpu.memory_space<vmem_shared>>
        tpu.wait_indirect_dma semaphore(%arg16 : memref<!tpu.dma_semaphore, #tpu.memory_space<semaphore_mem>>) src(%arg11 : memref<128x128xf32, #tpu.memory_space<vmem>>) dst(%dma_wait3A_1405 : memref<10240x128xf32, #tpu.memory_space<vmem_shared>>)
      } else {
      }
      %get3A_977 = arith.constant 1408 : index
      %get3A_978 = tpu.vector_load %arg7[%get3A_977] {strides = array<i32>} : memref<2048xi32, #tpu.memory_space<vmem>>, vector<16xi32>,
      %get3A_979 = vector.shape_cast %get3A_978 : vector<16xi32> to vector<16xi32>
      %swap3A_980 = arith.constant 0 : index
      %swap3A_981 = tpu.vector_load %arg9[%swap3A_980] {strides = array<i32>} : memref<128xi32, #tpu.memory_space<vmem>>, vector<16xi32>,
      %swap3A_982 = vector.shape_cast %swap3A_981 : vector<16xi32> to vector<16xi32>
      %swap3A_983 = vector.shape_cast %get3A_979 : vector<16xi32> to vector<16xi32>
      tpu.vector_store %arg9[%swap3A_980], %swap3A_983 {strides = array<i32>} : memref<128xi32, #tpu.memory_space<vmem>>, vector<16xi32>,
      %get3A_984 = arith.constant 1424 : index
      %get3A_985 = tpu.vector_load %arg7[%get3A_984] {strides = array<i32>} : memref<2048xi32, #tpu.memory_space<vmem>>, vector<16xi32>,
      %get3A_986 = vector.shape_cast %get3A_985 : vector<16xi32> to vector<16xi32>
      %swap3A_987 = arith.constant 16 : index
      %swap3A_988 = tpu.vector_load %arg9[%swap3A_987] {strides = array<i32>} : memref<128xi32, #tpu.memory_space<vmem>>, vector<16xi32>,
      %swap3A_989 = vector.shape_cast %swap3A_988 : vector<16xi32> to vector<16xi32>
      %swap3A_990 = vector.shape_cast %get3A_986 : vector<16xi32> to vector<16xi32>
      tpu.vector_store %arg9[%swap3A_987], %swap3A_990 {strides = array<i32>} : memref<128xi32, #tpu.memory_space<vmem>>, vector<16xi32>,
      %get3A_991 = arith.constant 1440 : index
      %get3A_992 = tpu.vector_load %arg7[%get3A_991] {strides = array<i32>} : memref<2048xi32, #tpu.memory_space<vmem>>, vector<16xi32>,
      %get3A_993 = vector.shape_cast %get3A_992 : vector<16xi32> to vector<16xi32>
      %swap3A_994 = arith.constant 32 : index
      %swap3A_995 = tpu.vector_load %arg9[%swap3A_994] {strides = array<i32>} : memref<128xi32, #tpu.memory_space<vmem>>, vector<16xi32>,
      %swap3A_996 = vector.shape_cast %swap3A_995 : vector<16xi32> to vector<16xi32>
      %swap3A_997 = vector.shape_cast %get3A_993 : vector<16xi32> to vector<16xi32>
      tpu.vector_store %arg9[%swap3A_994], %swap3A_997 {strides = array<i32>} : memref<128xi32, #tpu.memory_space<vmem>>, vector<16xi32>,
      %get3A_998 = arith.constant 1456 : index
      %get3A_999 = tpu.vector_load %arg7[%get3A_998] {strides = array<i32>} : memref<2048xi32, #tpu.memory_space<vmem>>, vector<16xi32>,
      %get3A_1000 = vector.shape_cast %get3A_999 : vector<16xi32> to vector<16xi32>
      %swap3A_1001 = arith.constant 48 : index
      %swap3A_1002 = tpu.vector_load %arg9[%swap3A_1001] {strides = array<i32>} : memref<128xi32, #tpu.memory_space<vmem>>, vector<16xi32>,
      %swap3A_1003 = vector.shape_cast %swap3A_1002 : vector<16xi32> to vector<16xi32>
      %swap3A_1004 = vector.shape_cast %get3A_1000 : vector<16xi32> to vector<16xi32>
      tpu.vector_store %arg9[%swap3A_1001], %swap3A_1004 {strides = array<i32>} : memref<128xi32, #tpu.memory_space<vmem>>, vector<16xi32>,
      %get3A_1005 = arith.constant 1472 : index
      %get3A_1006 = tpu.vector_load %arg7[%get3A_1005] {strides = array<i32>} : memref<2048xi32, #tpu.memory_space<vmem>>, vector<16xi32>,
      %get3A_1007 = vector.shape_cast %get3A_1006 : vector<16xi32> to vector<16xi32>
      %swap3A_1008 = arith.constant 64 : index
      %swap3A_1009 = tpu.vector_load %arg9[%swap3A_1008] {strides = array<i32>} : memref<128xi32, #tpu.memory_space<vmem>>, vector<16xi32>,
      %swap3A_1010 = vector.shape_cast %swap3A_1009 : vector<16xi32> to vector<16xi32>
      %swap3A_1011 = vector.shape_cast %get3A_1007 : vector<16xi32> to vector<16xi32>
      tpu.vector_store %arg9[%swap3A_1008], %swap3A_1011 {strides = array<i32>} : memref<128xi32, #tpu.memory_space<vmem>>, vector<16xi32>,
      %get3A_1012 = arith.constant 1488 : index
      %get3A_1013 = tpu.vector_load %arg7[%get3A_1012] {strides = array<i32>} : memref<2048xi32, #tpu.memory_space<vmem>>, vector<16xi32>,
      %get3A_1014 = vector.shape_cast %get3A_1013 : vector<16xi32> to vector<16xi32>
      %swap3A_1015 = arith.constant 80 : index
      %swap3A_1016 = tpu.vector_load %arg9[%swap3A_1015] {strides = array<i32>} : memref<128xi32, #tpu.memory_space<vmem>>, vector<16xi32>,
      %swap3A_1017 = vector.shape_cast %swap3A_1016 : vector<16xi32> to vector<16xi32>
      %swap3A_1018 = vector.shape_cast %get3A_1014 : vector<16xi32> to vector<16xi32>
      tpu.vector_store %arg9[%swap3A_1015], %swap3A_1018 {strides = array<i32>} : memref<128xi32, #tpu.memory_space<vmem>>, vector<16xi32>,
      %get3A_1019 = arith.constant 1504 : index
      %get3A_1020 = tpu.vector_load %arg7[%get3A_1019] {strides = array<i32>} : memref<2048xi32, #tpu.memory_space<vmem>>, vector<16xi32>,
      %get3A_1021 = vector.shape_cast %get3A_1020 : vector<16xi32> to vector<16xi32>
      %swap3A_1022 = arith.constant 96 : index
      %swap3A_1023 = tpu.vector_load %arg9[%swap3A_1022] {strides = array<i32>} : memref<128xi32, #tpu.memory_space<vmem>>, vector<16xi32>,
      %swap3A_1024 = vector.shape_cast %swap3A_1023 : vector<16xi32> to vector<16xi32>
      %swap3A_1025 = vector.shape_cast %get3A_1021 : vector<16xi32> to vector<16xi32>
      tpu.vector_store %arg9[%swap3A_1022], %swap3A_1025 {strides = array<i32>} : memref<128xi32, #tpu.memory_space<vmem>>, vector<16xi32>,
      %get3A_1026 = arith.constant 1520 : index
      %get3A_1027 = tpu.vector_load %arg7[%get3A_1026] {strides = array<i32>} : memref<2048xi32, #tpu.memory_space<vmem>>, vector<16xi32>,
      %get3A_1028 = vector.shape_cast %get3A_1027 : vector<16xi32> to vector<16xi32>
      %swap3A_1029 = arith.constant 112 : index
      %swap3A_1030 = tpu.vector_load %arg9[%swap3A_1029] {strides = array<i32>} : memref<128xi32, #tpu.memory_space<vmem>>, vector<16xi32>,
      %swap3A_1031 = vector.shape_cast %swap3A_1030 : vector<16xi32> to vector<16xi32>
      %swap3A_1032 = vector.shape_cast %get3A_1028 : vector<16xi32> to vector<16xi32>
      tpu.vector_store %arg9[%swap3A_1029], %swap3A_1032 {strides = array<i32>} : memref<128xi32, #tpu.memory_space<vmem>>, vector<16xi32>,
      %dma_start3A_1033 = arith.constant 1408 : i32
      %dma_start3A_1034 = tpu.memref_slice %arg6[%dma_start3A_1033] : memref<2048xi32, #tpu.memory_space<vmem>> -> memref<128xi32, #tpu.memory_space<vmem>>
      %dma_start3A_1035 = arith.constant 0 : i32
      %dma_start3A_1036 = arith.constant 0 : i32
      %dma_start3A_1037 = tpu.memref_slice %arg2[%arg0, %dma_start3A_1035, %dma_start3A_1036] : memref<2x10240x128xf32, #tpu.memory_space<hbm>> -> memref<1x10240x128xf32, #tpu.memory_space<hbm>>
      %dma_start3A_1038 = tpu.memref_squeeze %dma_start3A_1037 : memref<1x10240x128xf32, #tpu.memory_space<hbm>> -> memref<10240x128xf32, #tpu.memory_space<hbm>>
      %dma_start3A_1039 = arith.constant 0 : i32
      %dma_start3A_1040 = arith.constant 0 : i32
      %dma_start3A_1041 = tpu.memref_slice %dma_start3A_1038[%dma_start3A_1039, %dma_start3A_1040] : memref<10240x128xf32, #tpu.memory_space<hbm>> -> memref<10240x128xf32, #tpu.memory_space<hbm>>
      tpu.enqueue_indirect_dma source(%dma_start3A_1041 : memref<10240x128xf32, #tpu.memory_space<hbm>>) target(%arg11 : memref<128x128xf32, #tpu.memory_space<vmem>>) offsets(%dma_start3A_1034 : memref<128xi32, #tpu.memory_space<vmem>>) semaphore(%arg14 : memref<!tpu.dma_semaphore, #tpu.memory_space<semaphore_mem>>)
      %dma_wait3A_1042 = arith.constant 1280 : i32
      %dma_wait3A_1043 = tpu.memref_slice %arg6[%dma_wait3A_1042] : memref<2048xi32, #tpu.memory_space<vmem>> -> memref<128xi32, #tpu.memory_space<vmem>>
      %dma_wait3A_1044 = arith.constant 0 : i32
      %dma_wait3A_1045 = arith.constant 0 : i32
      %dma_wait3A_1046 = tpu.memref_slice %arg2[%arg0, %dma_wait3A_1044, %dma_wait3A_1045] : memref<2x10240x128xf32, #tpu.memory_space<hbm>> -> memref<1x10240x128xf32, #tpu.memory_space<hbm>>
      %dma_wait3A_1047 = tpu.memref_squeeze %dma_wait3A_1046 : memref<1x10240x128xf32, #tpu.memory_space<hbm>> -> memref<10240x128xf32, #tpu.memory_space<hbm>>
      %dma_wait3A_1048 = arith.constant 0 : i32
      %dma_wait3A_1049 = arith.constant 0 : i32
      %dma_wait3A_1050 = tpu.memref_slice %dma_wait3A_1047[%dma_wait3A_1048, %dma_wait3A_1049] : memref<10240x128xf32, #tpu.memory_space<hbm>> -> memref<10240x128xf32, #tpu.memory_space<hbm>>
      tpu.wait_indirect_dma semaphore(%arg13 : memref<!tpu.dma_semaphore, #tpu.memory_space<semaphore_mem>>) src(%dma_wait3A_1050 : memref<10240x128xf32, #tpu.memory_space<hbm>>) dst(%arg10 : memref<128x128xf32, #tpu.memory_space<vmem>>)
      %dma_start3A_1051 = arith.constant 0 : i32
      %dma_start3A_1052 = arith.constant 0 : i32
      %dma_start3A_1053 = tpu.memref_slice %arg12[%dma_start3A_1051, %dma_start3A_1052] : memref<10240x128xf32, #tpu.memory_space<vmem_shared>> -> memref<10240x128xf32, #tpu.memory_space<vmem_shared>>
      tpu.enqueue_indirect_dma source(%arg10 : memref<128x128xf32, #tpu.memory_space<vmem>>) target(%dma_start3A_1053 : memref<10240x128xf32, #tpu.memory_space<vmem_shared>>) offsets(%arg8 : memref<128xi32, #tpu.memory_space<vmem>>) semaphore(%arg15 : memref<!tpu.dma_semaphore, #tpu.memory_space<semaphore_mem>>) {add = true}
      %dma_wait3A_1054 = arith.constant 1408 : i32
      %dma_wait3A_1055 = tpu.memref_slice %arg6[%dma_wait3A_1054] : memref<2048xi32, #tpu.memory_space<vmem>> -> memref<128xi32, #tpu.memory_space<vmem>>
      %dma_wait3A_1056 = arith.constant 0 : i32
      %dma_wait3A_1057 = arith.constant 0 : i32
      %dma_wait3A_1058 = tpu.memref_slice %arg2[%arg0, %dma_wait3A_1056, %dma_wait3A_1057] : memref<2x10240x128xf32, #tpu.memory_space<hbm>> -> memref<1x10240x128xf32, #tpu.memory_space<hbm>>
      %dma_wait3A_1059 = tpu.memref_squeeze %dma_wait3A_1058 : memref<1x10240x128xf32, #tpu.memory_space<hbm>> -> memref<10240x128xf32, #tpu.memory_space<hbm>>
      %dma_wait3A_1060 = arith.constant 0 : i32
      %dma_wait3A_1061 = arith.constant 0 : i32
      %dma_wait3A_1062 = tpu.memref_slice %dma_wait3A_1059[%dma_wait3A_1060, %dma_wait3A_1061] : memref<10240x128xf32, #tpu.memory_space<hbm>> -> memref<10240x128xf32, #tpu.memory_space<hbm>>
      tpu.wait_indirect_dma semaphore(%arg14 : memref<!tpu.dma_semaphore, #tpu.memory_space<semaphore_mem>>) src(%dma_wait3A_1062 : memref<10240x128xf32, #tpu.memory_space<hbm>>) dst(%arg11 : memref<128x128xf32, #tpu.memory_space<vmem>>)
      %dma_start3A_1063 = arith.constant 0 : i32
      %dma_start3A_1064 = arith.constant 0 : i32
      %dma_start3A_1065 = tpu.memref_slice %arg12[%dma_start3A_1063, %dma_start3A_1064] : memref<10240x128xf32, #tpu.memory_space<vmem_shared>> -> memref<10240x128xf32, #tpu.memory_space<vmem_shared>>
      tpu.enqueue_indirect_dma source(%arg11 : memref<128x128xf32, #tpu.memory_space<vmem>>) target(%dma_start3A_1065 : memref<10240x128xf32, #tpu.memory_space<vmem_shared>>) offsets(%arg9 : memref<128xi32, #tpu.memory_space<vmem>>) semaphore(%arg16 : memref<!tpu.dma_semaphore, #tpu.memory_space<semaphore_mem>>) {add = true}
      %mul3A_1066 = arith.constant 8 : i32
      %mul3A_1067 = arith.muli %scan3A_59, %mul3A_1066 : i32
      %add3A_1068 = arith.constant 6 : i32
      %add3A_1069 = arith.addi %mul3A_1067, %add3A_1068 : i32
      %gt3A_1070 = arith.constant 0 : i32
      %gt3A_1071 = arith.cmpi sgt, %add3A_1069, %gt3A_1070 : i32
      %convert_element_type3A_1072 = arith.extui %gt3A_1071 : i1 to i32
      %cond3A_1073 = arith.constant 0 : i32
      %cond3A_1074 = arith.cmpi ne, %convert_element_type3A_1072, %cond3A_1073 : i32
      scf.if %cond3A_1074 {
        %dma_wait3A_1403 = arith.constant 0 : i32
        %dma_wait3A_1404 = arith.constant 0 : i32
        %dma_wait3A_1405 = tpu.memref_slice %arg12[%dma_wait3A_1403, %dma_wait3A_1404] : memref<10240x128xf32, #tpu.memory_space<vmem_shared>> -> memref<10240x128xf32, #tpu.memory_space<vmem_shared>>
        tpu.wait_indirect_dma semaphore(%arg15 : memref<!tpu.dma_semaphore, #tpu.memory_space<semaphore_mem>>) src(%arg10 : memref<128x128xf32, #tpu.memory_space<vmem>>) dst(%dma_wait3A_1405 : memref<10240x128xf32, #tpu.memory_space<vmem_shared>>)
      } else {
      }
      %get3A_1075 = arith.constant 1536 : index
      %get3A_1076 = tpu.vector_load %arg7[%get3A_1075] {strides = array<i32>} : memref<2048xi32, #tpu.memory_space<vmem>>, vector<16xi32>,
      %get3A_1077 = vector.shape_cast %get3A_1076 : vector<16xi32> to vector<16xi32>
      %swap3A_1078 = arith.constant 0 : index
      %swap3A_1079 = tpu.vector_load %arg8[%swap3A_1078] {strides = array<i32>} : memref<128xi32, #tpu.memory_space<vmem>>, vector<16xi32>,
      %swap3A_1080 = vector.shape_cast %swap3A_1079 : vector<16xi32> to vector<16xi32>
      %swap3A_1081 = vector.shape_cast %get3A_1077 : vector<16xi32> to vector<16xi32>
      tpu.vector_store %arg8[%swap3A_1078], %swap3A_1081 {strides = array<i32>} : memref<128xi32, #tpu.memory_space<vmem>>, vector<16xi32>,
      %get3A_1082 = arith.constant 1552 : index
      %get3A_1083 = tpu.vector_load %arg7[%get3A_1082] {strides = array<i32>} : memref<2048xi32, #tpu.memory_space<vmem>>, vector<16xi32>,
      %get3A_1084 = vector.shape_cast %get3A_1083 : vector<16xi32> to vector<16xi32>
      %swap3A_1085 = arith.constant 16 : index
      %swap3A_1086 = tpu.vector_load %arg8[%swap3A_1085] {strides = array<i32>} : memref<128xi32, #tpu.memory_space<vmem>>, vector<16xi32>,
      %swap3A_1087 = vector.shape_cast %swap3A_1086 : vector<16xi32> to vector<16xi32>
      %swap3A_1088 = vector.shape_cast %get3A_1084 : vector<16xi32> to vector<16xi32>
      tpu.vector_store %arg8[%swap3A_1085], %swap3A_1088 {strides = array<i32>} : memref<128xi32, #tpu.memory_space<vmem>>, vector<16xi32>,
      %get3A_1089 = arith.constant 1568 : index
      %get3A_1090 = tpu.vector_load %arg7[%get3A_1089] {strides = array<i32>} : memref<2048xi32, #tpu.memory_space<vmem>>, vector<16xi32>,
      %get3A_1091 = vector.shape_cast %get3A_1090 : vector<16xi32> to vector<16xi32>
      %swap3A_1092 = arith.constant 32 : index
      %swap3A_1093 = tpu.vector_load %arg8[%swap3A_1092] {strides = array<i32>} : memref<128xi32, #tpu.memory_space<vmem>>, vector<16xi32>,
      %swap3A_1094 = vector.shape_cast %swap3A_1093 : vector<16xi32> to vector<16xi32>
      %swap3A_1095 = vector.shape_cast %get3A_1091 : vector<16xi32> to vector<16xi32>
      tpu.vector_store %arg8[%swap3A_1092], %swap3A_1095 {strides = array<i32>} : memref<128xi32, #tpu.memory_space<vmem>>, vector<16xi32>,
      %get3A_1096 = arith.constant 1584 : index
      %get3A_1097 = tpu.vector_load %arg7[%get3A_1096] {strides = array<i32>} : memref<2048xi32, #tpu.memory_space<vmem>>, vector<16xi32>,
      %get3A_1098 = vector.shape_cast %get3A_1097 : vector<16xi32> to vector<16xi32>
      %swap3A_1099 = arith.constant 48 : index
      %swap3A_1100 = tpu.vector_load %arg8[%swap3A_1099] {strides = array<i32>} : memref<128xi32, #tpu.memory_space<vmem>>, vector<16xi32>,
      %swap3A_1101 = vector.shape_cast %swap3A_1100 : vector<16xi32> to vector<16xi32>
      %swap3A_1102 = vector.shape_cast %get3A_1098 : vector<16xi32> to vector<16xi32>
      tpu.vector_store %arg8[%swap3A_1099], %swap3A_1102 {strides = array<i32>} : memref<128xi32, #tpu.memory_space<vmem>>, vector<16xi32>,
      %get3A_1103 = arith.constant 1600 : index
      %get3A_1104 = tpu.vector_load %arg7[%get3A_1103] {strides = array<i32>} : memref<2048xi32, #tpu.memory_space<vmem>>, vector<16xi32>,
      %get3A_1105 = vector.shape_cast %get3A_1104 : vector<16xi32> to vector<16xi32>
      %swap3A_1106 = arith.constant 64 : index
      %swap3A_1107 = tpu.vector_load %arg8[%swap3A_1106] {strides = array<i32>} : memref<128xi32, #tpu.memory_space<vmem>>, vector<16xi32>,
      %swap3A_1108 = vector.shape_cast %swap3A_1107 : vector<16xi32> to vector<16xi32>
      %swap3A_1109 = vector.shape_cast %get3A_1105 : vector<16xi32> to vector<16xi32>
      tpu.vector_store %arg8[%swap3A_1106], %swap3A_1109 {strides = array<i32>} : memref<128xi32, #tpu.memory_space<vmem>>, vector<16xi32>,
      %get3A_1110 = arith.constant 1616 : index
      %get3A_1111 = tpu.vector_load %arg7[%get3A_1110] {strides = array<i32>} : memref<2048xi32, #tpu.memory_space<vmem>>, vector<16xi32>,
      %get3A_1112 = vector.shape_cast %get3A_1111 : vector<16xi32> to vector<16xi32>
      %swap3A_1113 = arith.constant 80 : index
      %swap3A_1114 = tpu.vector_load %arg8[%swap3A_1113] {strides = array<i32>} : memref<128xi32, #tpu.memory_space<vmem>>, vector<16xi32>,
      %swap3A_1115 = vector.shape_cast %swap3A_1114 : vector<16xi32> to vector<16xi32>
      %swap3A_1116 = vector.shape_cast %get3A_1112 : vector<16xi32> to vector<16xi32>
      tpu.vector_store %arg8[%swap3A_1113], %swap3A_1116 {strides = array<i32>} : memref<128xi32, #tpu.memory_space<vmem>>, vector<16xi32>,
      %get3A_1117 = arith.constant 1632 : index
      %get3A_1118 = tpu.vector_load %arg7[%get3A_1117] {strides = array<i32>} : memref<2048xi32, #tpu.memory_space<vmem>>, vector<16xi32>,
      %get3A_1119 = vector.shape_cast %get3A_1118 : vector<16xi32> to vector<16xi32>
      %swap3A_1120 = arith.constant 96 : index
      %swap3A_1121 = tpu.vector_load %arg8[%swap3A_1120] {strides = array<i32>} : memref<128xi32, #tpu.memory_space<vmem>>, vector<16xi32>,
      %swap3A_1122 = vector.shape_cast %swap3A_1121 : vector<16xi32> to vector<16xi32>
      %swap3A_1123 = vector.shape_cast %get3A_1119 : vector<16xi32> to vector<16xi32>
      tpu.vector_store %arg8[%swap3A_1120], %swap3A_1123 {strides = array<i32>} : memref<128xi32, #tpu.memory_space<vmem>>, vector<16xi32>,
      %get3A_1124 = arith.constant 1648 : index
      %get3A_1125 = tpu.vector_load %arg7[%get3A_1124] {strides = array<i32>} : memref<2048xi32, #tpu.memory_space<vmem>>, vector<16xi32>,
      %get3A_1126 = vector.shape_cast %get3A_1125 : vector<16xi32> to vector<16xi32>
      %swap3A_1127 = arith.constant 112 : index
      %swap3A_1128 = tpu.vector_load %arg8[%swap3A_1127] {strides = array<i32>} : memref<128xi32, #tpu.memory_space<vmem>>, vector<16xi32>,
      %swap3A_1129 = vector.shape_cast %swap3A_1128 : vector<16xi32> to vector<16xi32>
      %swap3A_1130 = vector.shape_cast %get3A_1126 : vector<16xi32> to vector<16xi32>
      tpu.vector_store %arg8[%swap3A_1127], %swap3A_1130 {strides = array<i32>} : memref<128xi32, #tpu.memory_space<vmem>>, vector<16xi32>,
      %dma_start3A_1131 = arith.constant 1536 : i32
      %dma_start3A_1132 = tpu.memref_slice %arg6[%dma_start3A_1131] : memref<2048xi32, #tpu.memory_space<vmem>> -> memref<128xi32, #tpu.memory_space<vmem>>
      %dma_start3A_1133 = arith.constant 0 : i32
      %dma_start3A_1134 = arith.constant 0 : i32
      %dma_start3A_1135 = tpu.memref_slice %arg2[%arg0, %dma_start3A_1133, %dma_start3A_1134] : memref<2x10240x128xf32, #tpu.memory_space<hbm>> -> memref<1x10240x128xf32, #tpu.memory_space<hbm>>
      %dma_start3A_1136 = tpu.memref_squeeze %dma_start3A_1135 : memref<1x10240x128xf32, #tpu.memory_space<hbm>> -> memref<10240x128xf32, #tpu.memory_space<hbm>>
      %dma_start3A_1137 = arith.constant 0 : i32
      %dma_start3A_1138 = arith.constant 0 : i32
      %dma_start3A_1139 = tpu.memref_slice %dma_start3A_1136[%dma_start3A_1137, %dma_start3A_1138] : memref<10240x128xf32, #tpu.memory_space<hbm>> -> memref<10240x128xf32, #tpu.memory_space<hbm>>
      tpu.enqueue_indirect_dma source(%dma_start3A_1139 : memref<10240x128xf32, #tpu.memory_space<hbm>>) target(%arg10 : memref<128x128xf32, #tpu.memory_space<vmem>>) offsets(%dma_start3A_1132 : memref<128xi32, #tpu.memory_space<vmem>>) semaphore(%arg13 : memref<!tpu.dma_semaphore, #tpu.memory_space<semaphore_mem>>)
      %gt3A_1140 = arith.constant 0 : i32
      %gt3A_1141 = arith.cmpi sgt, %add3A_1069, %gt3A_1140 : i32
      %convert_element_type3A_1142 = arith.extui %gt3A_1141 : i1 to i32
      %cond3A_1143 = arith.constant 0 : i32
      %cond3A_1144 = arith.cmpi ne, %convert_element_type3A_1142, %cond3A_1143 : i32
      scf.if %cond3A_1144 {
        %dma_wait3A_1403 = arith.constant 0 : i32
        %dma_wait3A_1404 = arith.constant 0 : i32
        %dma_wait3A_1405 = tpu.memref_slice %arg12[%dma_wait3A_1403, %dma_wait3A_1404] : memref<10240x128xf32, #tpu.memory_space<vmem_shared>> -> memref<10240x128xf32, #tpu.memory_space<vmem_shared>>
        tpu.wait_indirect_dma semaphore(%arg16 : memref<!tpu.dma_semaphore, #tpu.memory_space<semaphore_mem>>) src(%arg11 : memref<128x128xf32, #tpu.memory_space<vmem>>) dst(%dma_wait3A_1405 : memref<10240x128xf32, #tpu.memory_space<vmem_shared>>)
      } else {
      }
      %get3A_1145 = arith.constant 1664 : index
      %get3A_1146 = tpu.vector_load %arg7[%get3A_1145] {strides = array<i32>} : memref<2048xi32, #tpu.memory_space<vmem>>, vector<16xi32>,
      %get3A_1147 = vector.shape_cast %get3A_1146 : vector<16xi32> to vector<16xi32>
      %swap3A_1148 = arith.constant 0 : index
      %swap3A_1149 = tpu.vector_load %arg9[%swap3A_1148] {strides = array<i32>} : memref<128xi32, #tpu.memory_space<vmem>>, vector<16xi32>,
      %swap3A_1150 = vector.shape_cast %swap3A_1149 : vector<16xi32> to vector<16xi32>
      %swap3A_1151 = vector.shape_cast %get3A_1147 : vector<16xi32> to vector<16xi32>
      tpu.vector_store %arg9[%swap3A_1148], %swap3A_1151 {strides = array<i32>} : memref<128xi32, #tpu.memory_space<vmem>>, vector<16xi32>,
      %get3A_1152 = arith.constant 1680 : index
      %get3A_1153 = tpu.vector_load %arg7[%get3A_1152] {strides = array<i32>} : memref<2048xi32, #tpu.memory_space<vmem>>, vector<16xi32>,
      %get3A_1154 = vector.shape_cast %get3A_1153 : vector<16xi32> to vector<16xi32>
      %swap3A_1155 = arith.constant 16 : index
      %swap3A_1156 = tpu.vector_load %arg9[%swap3A_1155] {strides = array<i32>} : memref<128xi32, #tpu.memory_space<vmem>>, vector<16xi32>,
      %swap3A_1157 = vector.shape_cast %swap3A_1156 : vector<16xi32> to vector<16xi32>
      %swap3A_1158 = vector.shape_cast %get3A_1154 : vector<16xi32> to vector<16xi32>
      tpu.vector_store %arg9[%swap3A_1155], %swap3A_1158 {strides = array<i32>} : memref<128xi32, #tpu.memory_space<vmem>>, vector<16xi32>,
      %get3A_1159 = arith.constant 1696 : index
      %get3A_1160 = tpu.vector_load %arg7[%get3A_1159] {strides = array<i32>} : memref<2048xi32, #tpu.memory_space<vmem>>, vector<16xi32>,
      %get3A_1161 = vector.shape_cast %get3A_1160 : vector<16xi32> to vector<16xi32>
      %swap3A_1162 = arith.constant 32 : index
      %swap3A_1163 = tpu.vector_load %arg9[%swap3A_1162] {strides = array<i32>} : memref<128xi32, #tpu.memory_space<vmem>>, vector<16xi32>,
      %swap3A_1164 = vector.shape_cast %swap3A_1163 : vector<16xi32> to vector<16xi32>
      %swap3A_1165 = vector.shape_cast %get3A_1161 : vector<16xi32> to vector<16xi32>
      tpu.vector_store %arg9[%swap3A_1162], %swap3A_1165 {strides = array<i32>} : memref<128xi32, #tpu.memory_space<vmem>>, vector<16xi32>,
      %get3A_1166 = arith.constant 1712 : index
      %get3A_1167 = tpu.vector_load %arg7[%get3A_1166] {strides = array<i32>} : memref<2048xi32, #tpu.memory_space<vmem>>, vector<16xi32>,
      %get3A_1168 = vector.shape_cast %get3A_1167 : vector<16xi32> to vector<16xi32>
      %swap3A_1169 = arith.constant 48 : index
      %swap3A_1170 = tpu.vector_load %arg9[%swap3A_1169] {strides = array<i32>} : memref<128xi32, #tpu.memory_space<vmem>>, vector<16xi32>,
      %swap3A_1171 = vector.shape_cast %swap3A_1170 : vector<16xi32> to vector<16xi32>
      %swap3A_1172 = vector.shape_cast %get3A_1168 : vector<16xi32> to vector<16xi32>
      tpu.vector_store %arg9[%swap3A_1169], %swap3A_1172 {strides = array<i32>} : memref<128xi32, #tpu.memory_space<vmem>>, vector<16xi32>,
      %get3A_1173 = arith.constant 1728 : index
      %get3A_1174 = tpu.vector_load %arg7[%get3A_1173] {strides = array<i32>} : memref<2048xi32, #tpu.memory_space<vmem>>, vector<16xi32>,
      %get3A_1175 = vector.shape_cast %get3A_1174 : vector<16xi32> to vector<16xi32>
      %swap3A_1176 = arith.constant 64 : index
      %swap3A_1177 = tpu.vector_load %arg9[%swap3A_1176] {strides = array<i32>} : memref<128xi32, #tpu.memory_space<vmem>>, vector<16xi32>,
      %swap3A_1178 = vector.shape_cast %swap3A_1177 : vector<16xi32> to vector<16xi32>
      %swap3A_1179 = vector.shape_cast %get3A_1175 : vector<16xi32> to vector<16xi32>
      tpu.vector_store %arg9[%swap3A_1176], %swap3A_1179 {strides = array<i32>} : memref<128xi32, #tpu.memory_space<vmem>>, vector<16xi32>,
      %get3A_1180 = arith.constant 1744 : index
      %get3A_1181 = tpu.vector_load %arg7[%get3A_1180] {strides = array<i32>} : memref<2048xi32, #tpu.memory_space<vmem>>, vector<16xi32>,
      %get3A_1182 = vector.shape_cast %get3A_1181 : vector<16xi32> to vector<16xi32>
      %swap3A_1183 = arith.constant 80 : index
      %swap3A_1184 = tpu.vector_load %arg9[%swap3A_1183] {strides = array<i32>} : memref<128xi32, #tpu.memory_space<vmem>>, vector<16xi32>,
      %swap3A_1185 = vector.shape_cast %swap3A_1184 : vector<16xi32> to vector<16xi32>
      %swap3A_1186 = vector.shape_cast %get3A_1182 : vector<16xi32> to vector<16xi32>
      tpu.vector_store %arg9[%swap3A_1183], %swap3A_1186 {strides = array<i32>} : memref<128xi32, #tpu.memory_space<vmem>>, vector<16xi32>,
      %get3A_1187 = arith.constant 1760 : index
      %get3A_1188 = tpu.vector_load %arg7[%get3A_1187] {strides = array<i32>} : memref<2048xi32, #tpu.memory_space<vmem>>, vector<16xi32>,
      %get3A_1189 = vector.shape_cast %get3A_1188 : vector<16xi32> to vector<16xi32>
      %swap3A_1190 = arith.constant 96 : index
      %swap3A_1191 = tpu.vector_load %arg9[%swap3A_1190] {strides = array<i32>} : memref<128xi32, #tpu.memory_space<vmem>>, vector<16xi32>,
      %swap3A_1192 = vector.shape_cast %swap3A_1191 : vector<16xi32> to vector<16xi32>
      %swap3A_1193 = vector.shape_cast %get3A_1189 : vector<16xi32> to vector<16xi32>
      tpu.vector_store %arg9[%swap3A_1190], %swap3A_1193 {strides = array<i32>} : memref<128xi32, #tpu.memory_space<vmem>>, vector<16xi32>,
      %get3A_1194 = arith.constant 1776 : index
      %get3A_1195 = tpu.vector_load %arg7[%get3A_1194] {strides = array<i32>} : memref<2048xi32, #tpu.memory_space<vmem>>, vector<16xi32>,
      %get3A_1196 = vector.shape_cast %get3A_1195 : vector<16xi32> to vector<16xi32>
      %swap3A_1197 = arith.constant 112 : index
      %swap3A_1198 = tpu.vector_load %arg9[%swap3A_1197] {strides = array<i32>} : memref<128xi32, #tpu.memory_space<vmem>>, vector<16xi32>,
      %swap3A_1199 = vector.shape_cast %swap3A_1198 : vector<16xi32> to vector<16xi32>
      %swap3A_1200 = vector.shape_cast %get3A_1196 : vector<16xi32> to vector<16xi32>
      tpu.vector_store %arg9[%swap3A_1197], %swap3A_1200 {strides = array<i32>} : memref<128xi32, #tpu.memory_space<vmem>>, vector<16xi32>,
      %dma_start3A_1201 = arith.constant 1664 : i32
      %dma_start3A_1202 = tpu.memref_slice %arg6[%dma_start3A_1201] : memref<2048xi32, #tpu.memory_space<vmem>> -> memref<128xi32, #tpu.memory_space<vmem>>
      %dma_start3A_1203 = arith.constant 0 : i32
      %dma_start3A_1204 = arith.constant 0 : i32
      %dma_start3A_1205 = tpu.memref_slice %arg2[%arg0, %dma_start3A_1203, %dma_start3A_1204] : memref<2x10240x128xf32, #tpu.memory_space<hbm>> -> memref<1x10240x128xf32, #tpu.memory_space<hbm>>
      %dma_start3A_1206 = tpu.memref_squeeze %dma_start3A_1205 : memref<1x10240x128xf32, #tpu.memory_space<hbm>> -> memref<10240x128xf32, #tpu.memory_space<hbm>>
      %dma_start3A_1207 = arith.constant 0 : i32
      %dma_start3A_1208 = arith.constant 0 : i32
      %dma_start3A_1209 = tpu.memref_slice %dma_start3A_1206[%dma_start3A_1207, %dma_start3A_1208] : memref<10240x128xf32, #tpu.memory_space<hbm>> -> memref<10240x128xf32, #tpu.memory_space<hbm>>
      tpu.enqueue_indirect_dma source(%dma_start3A_1209 : memref<10240x128xf32, #tpu.memory_space<hbm>>) target(%arg11 : memref<128x128xf32, #tpu.memory_space<vmem>>) offsets(%dma_start3A_1202 : memref<128xi32, #tpu.memory_space<vmem>>) semaphore(%arg14 : memref<!tpu.dma_semaphore, #tpu.memory_space<semaphore_mem>>)
      %dma_wait3A_1210 = arith.constant 1536 : i32
      %dma_wait3A_1211 = tpu.memref_slice %arg6[%dma_wait3A_1210] : memref<2048xi32, #tpu.memory_space<vmem>> -> memref<128xi32, #tpu.memory_space<vmem>>
      %dma_wait3A_1212 = arith.constant 0 : i32
      %dma_wait3A_1213 = arith.constant 0 : i32
      %dma_wait3A_1214 = tpu.memref_slice %arg2[%arg0, %dma_wait3A_1212, %dma_wait3A_1213] : memref<2x10240x128xf32, #tpu.memory_space<hbm>> -> memref<1x10240x128xf32, #tpu.memory_space<hbm>>
      %dma_wait3A_1215 = tpu.memref_squeeze %dma_wait3A_1214 : memref<1x10240x128xf32, #tpu.memory_space<hbm>> -> memref<10240x128xf32, #tpu.memory_space<hbm>>
      %dma_wait3A_1216 = arith.constant 0 : i32
      %dma_wait3A_1217 = arith.constant 0 : i32
      %dma_wait3A_1218 = tpu.memref_slice %dma_wait3A_1215[%dma_wait3A_1216, %dma_wait3A_1217] : memref<10240x128xf32, #tpu.memory_space<hbm>> -> memref<10240x128xf32, #tpu.memory_space<hbm>>
      tpu.wait_indirect_dma semaphore(%arg13 : memref<!tpu.dma_semaphore, #tpu.memory_space<semaphore_mem>>) src(%dma_wait3A_1218 : memref<10240x128xf32, #tpu.memory_space<hbm>>) dst(%arg10 : memref<128x128xf32, #tpu.memory_space<vmem>>)
      %dma_start3A_1219 = arith.constant 0 : i32
      %dma_start3A_1220 = arith.constant 0 : i32
      %dma_start3A_1221 = tpu.memref_slice %arg12[%dma_start3A_1219, %dma_start3A_1220] : memref<10240x128xf32, #tpu.memory_space<vmem_shared>> -> memref<10240x128xf32, #tpu.memory_space<vmem_shared>>
      tpu.enqueue_indirect_dma source(%arg10 : memref<128x128xf32, #tpu.memory_space<vmem>>) target(%dma_start3A_1221 : memref<10240x128xf32, #tpu.memory_space<vmem_shared>>) offsets(%arg8 : memref<128xi32, #tpu.memory_space<vmem>>) semaphore(%arg15 : memref<!tpu.dma_semaphore, #tpu.memory_space<semaphore_mem>>) {add = true}
      %dma_wait3A_1222 = arith.constant 1664 : i32
      %dma_wait3A_1223 = tpu.memref_slice %arg6[%dma_wait3A_1222] : memref<2048xi32, #tpu.memory_space<vmem>> -> memref<128xi32, #tpu.memory_space<vmem>>
      %dma_wait3A_1224 = arith.constant 0 : i32
      %dma_wait3A_1225 = arith.constant 0 : i32
      %dma_wait3A_1226 = tpu.memref_slice %arg2[%arg0, %dma_wait3A_1224, %dma_wait3A_1225] : memref<2x10240x128xf32, #tpu.memory_space<hbm>> -> memref<1x10240x128xf32, #tpu.memory_space<hbm>>
      %dma_wait3A_1227 = tpu.memref_squeeze %dma_wait3A_1226 : memref<1x10240x128xf32, #tpu.memory_space<hbm>> -> memref<10240x128xf32, #tpu.memory_space<hbm>>
      %dma_wait3A_1228 = arith.constant 0 : i32
      %dma_wait3A_1229 = arith.constant 0 : i32
      %dma_wait3A_1230 = tpu.memref_slice %dma_wait3A_1227[%dma_wait3A_1228, %dma_wait3A_1229] : memref<10240x128xf32, #tpu.memory_space<hbm>> -> memref<10240x128xf32, #tpu.memory_space<hbm>>
      tpu.wait_indirect_dma semaphore(%arg14 : memref<!tpu.dma_semaphore, #tpu.memory_space<semaphore_mem>>) src(%dma_wait3A_1230 : memref<10240x128xf32, #tpu.memory_space<hbm>>) dst(%arg11 : memref<128x128xf32, #tpu.memory_space<vmem>>)
      %dma_start3A_1231 = arith.constant 0 : i32
      %dma_start3A_1232 = arith.constant 0 : i32
      %dma_start3A_1233 = tpu.memref_slice %arg12[%dma_start3A_1231, %dma_start3A_1232] : memref<10240x128xf32, #tpu.memory_space<vmem_shared>> -> memref<10240x128xf32, #tpu.memory_space<vmem_shared>>
      tpu.enqueue_indirect_dma source(%arg11 : memref<128x128xf32, #tpu.memory_space<vmem>>) target(%dma_start3A_1233 : memref<10240x128xf32, #tpu.memory_space<vmem_shared>>) offsets(%arg9 : memref<128xi32, #tpu.memory_space<vmem>>) semaphore(%arg16 : memref<!tpu.dma_semaphore, #tpu.memory_space<semaphore_mem>>) {add = true}
      %mul3A_1234 = arith.constant 8 : i32
      %mul3A_1235 = arith.muli %scan3A_59, %mul3A_1234 : i32
      %add3A_1236 = arith.constant 7 : i32
      %add3A_1237 = arith.addi %mul3A_1235, %add3A_1236 : i32
      %gt3A_1238 = arith.constant 0 : i32
      %gt3A_1239 = arith.cmpi sgt, %add3A_1237, %gt3A_1238 : i32
      %convert_element_type3A_1240 = arith.extui %gt3A_1239 : i1 to i32
      %cond3A_1241 = arith.constant 0 : i32
      %cond3A_1242 = arith.cmpi ne, %convert_element_type3A_1240, %cond3A_1241 : i32
      scf.if %cond3A_1242 {
        %dma_wait3A_1403 = arith.constant 0 : i32
        %dma_wait3A_1404 = arith.constant 0 : i32
        %dma_wait3A_1405 = tpu.memref_slice %arg12[%dma_wait3A_1403, %dma_wait3A_1404] : memref<10240x128xf32, #tpu.memory_space<vmem_shared>> -> memref<10240x128xf32, #tpu.memory_space<vmem_shared>>
        tpu.wait_indirect_dma semaphore(%arg15 : memref<!tpu.dma_semaphore, #tpu.memory_space<semaphore_mem>>) src(%arg10 : memref<128x128xf32, #tpu.memory_space<vmem>>) dst(%dma_wait3A_1405 : memref<10240x128xf32, #tpu.memory_space<vmem_shared>>)
      } else {
      }
      %get3A_1243 = arith.constant 1792 : index
      %get3A_1244 = tpu.vector_load %arg7[%get3A_1243] {strides = array<i32>} : memref<2048xi32, #tpu.memory_space<vmem>>, vector<16xi32>,
      %get3A_1245 = vector.shape_cast %get3A_1244 : vector<16xi32> to vector<16xi32>
      %swap3A_1246 = arith.constant 0 : index
      %swap3A_1247 = tpu.vector_load %arg8[%swap3A_1246] {strides = array<i32>} : memref<128xi32, #tpu.memory_space<vmem>>, vector<16xi32>,
      %swap3A_1248 = vector.shape_cast %swap3A_1247 : vector<16xi32> to vector<16xi32>
      %swap3A_1249 = vector.shape_cast %get3A_1245 : vector<16xi32> to vector<16xi32>
      tpu.vector_store %arg8[%swap3A_1246], %swap3A_1249 {strides = array<i32>} : memref<128xi32, #tpu.memory_space<vmem>>, vector<16xi32>,
      %get3A_1250 = arith.constant 1808 : index
      %get3A_1251 = tpu.vector_load %arg7[%get3A_1250] {strides = array<i32>} : memref<2048xi32, #tpu.memory_space<vmem>>, vector<16xi32>,
      %get3A_1252 = vector.shape_cast %get3A_1251 : vector<16xi32> to vector<16xi32>
      %swap3A_1253 = arith.constant 16 : index
      %swap3A_1254 = tpu.vector_load %arg8[%swap3A_1253] {strides = array<i32>} : memref<128xi32, #tpu.memory_space<vmem>>, vector<16xi32>,
      %swap3A_1255 = vector.shape_cast %swap3A_1254 : vector<16xi32> to vector<16xi32>
      %swap3A_1256 = vector.shape_cast %get3A_1252 : vector<16xi32> to vector<16xi32>
      tpu.vector_store %arg8[%swap3A_1253], %swap3A_1256 {strides = array<i32>} : memref<128xi32, #tpu.memory_space<vmem>>, vector<16xi32>,
      %get3A_1257 = arith.constant 1824 : index
      %get3A_1258 = tpu.vector_load %arg7[%get3A_1257] {strides = array<i32>} : memref<2048xi32, #tpu.memory_space<vmem>>, vector<16xi32>,
      %get3A_1259 = vector.shape_cast %get3A_1258 : vector<16xi32> to vector<16xi32>
      %swap3A_1260 = arith.constant 32 : index
      %swap3A_1261 = tpu.vector_load %arg8[%swap3A_1260] {strides = array<i32>} : memref<128xi32, #tpu.memory_space<vmem>>, vector<16xi32>,
      %swap3A_1262 = vector.shape_cast %swap3A_1261 : vector<16xi32> to vector<16xi32>
      %swap3A_1263 = vector.shape_cast %get3A_1259 : vector<16xi32> to vector<16xi32>
      tpu.vector_store %arg8[%swap3A_1260], %swap3A_1263 {strides = array<i32>} : memref<128xi32, #tpu.memory_space<vmem>>, vector<16xi32>,
      %get3A_1264 = arith.constant 1840 : index
      %get3A_1265 = tpu.vector_load %arg7[%get3A_1264] {strides = array<i32>} : memref<2048xi32, #tpu.memory_space<vmem>>, vector<16xi32>,
      %get3A_1266 = vector.shape_cast %get3A_1265 : vector<16xi32> to vector<16xi32>
      %swap3A_1267 = arith.constant 48 : index
      %swap3A_1268 = tpu.vector_load %arg8[%swap3A_1267] {strides = array<i32>} : memref<128xi32, #tpu.memory_space<vmem>>, vector<16xi32>,
      %swap3A_1269 = vector.shape_cast %swap3A_1268 : vector<16xi32> to vector<16xi32>
      %swap3A_1270 = vector.shape_cast %get3A_1266 : vector<16xi32> to vector<16xi32>
      tpu.vector_store %arg8[%swap3A_1267], %swap3A_1270 {strides = array<i32>} : memref<128xi32, #tpu.memory_space<vmem>>, vector<16xi32>,
      %get3A_1271 = arith.constant 1856 : index
      %get3A_1272 = tpu.vector_load %arg7[%get3A_1271] {strides = array<i32>} : memref<2048xi32, #tpu.memory_space<vmem>>, vector<16xi32>,
      %get3A_1273 = vector.shape_cast %get3A_1272 : vector<16xi32> to vector<16xi32>
      %swap3A_1274 = arith.constant 64 : index
      %swap3A_1275 = tpu.vector_load %arg8[%swap3A_1274] {strides = array<i32>} : memref<128xi32, #tpu.memory_space<vmem>>, vector<16xi32>,
      %swap3A_1276 = vector.shape_cast %swap3A_1275 : vector<16xi32> to vector<16xi32>
      %swap3A_1277 = vector.shape_cast %get3A_1273 : vector<16xi32> to vector<16xi32>
      tpu.vector_store %arg8[%swap3A_1274], %swap3A_1277 {strides = array<i32>} : memref<128xi32, #tpu.memory_space<vmem>>, vector<16xi32>,
      %get3A_1278 = arith.constant 1872 : index
      %get3A_1279 = tpu.vector_load %arg7[%get3A_1278] {strides = array<i32>} : memref<2048xi32, #tpu.memory_space<vmem>>, vector<16xi32>,
      %get3A_1280 = vector.shape_cast %get3A_1279 : vector<16xi32> to vector<16xi32>
      %swap3A_1281 = arith.constant 80 : index
      %swap3A_1282 = tpu.vector_load %arg8[%swap3A_1281] {strides = array<i32>} : memref<128xi32, #tpu.memory_space<vmem>>, vector<16xi32>,
      %swap3A_1283 = vector.shape_cast %swap3A_1282 : vector<16xi32> to vector<16xi32>
      %swap3A_1284 = vector.shape_cast %get3A_1280 : vector<16xi32> to vector<16xi32>
      tpu.vector_store %arg8[%swap3A_1281], %swap3A_1284 {strides = array<i32>} : memref<128xi32, #tpu.memory_space<vmem>>, vector<16xi32>,
      %get3A_1285 = arith.constant 1888 : index
      %get3A_1286 = tpu.vector_load %arg7[%get3A_1285] {strides = array<i32>} : memref<2048xi32, #tpu.memory_space<vmem>>, vector<16xi32>,
      %get3A_1287 = vector.shape_cast %get3A_1286 : vector<16xi32> to vector<16xi32>
      %swap3A_1288 = arith.constant 96 : index
      %swap3A_1289 = tpu.vector_load %arg8[%swap3A_1288] {strides = array<i32>} : memref<128xi32, #tpu.memory_space<vmem>>, vector<16xi32>,
      %swap3A_1290 = vector.shape_cast %swap3A_1289 : vector<16xi32> to vector<16xi32>
      %swap3A_1291 = vector.shape_cast %get3A_1287 : vector<16xi32> to vector<16xi32>
      tpu.vector_store %arg8[%swap3A_1288], %swap3A_1291 {strides = array<i32>} : memref<128xi32, #tpu.memory_space<vmem>>, vector<16xi32>,
      %get3A_1292 = arith.constant 1904 : index
      %get3A_1293 = tpu.vector_load %arg7[%get3A_1292] {strides = array<i32>} : memref<2048xi32, #tpu.memory_space<vmem>>, vector<16xi32>,
      %get3A_1294 = vector.shape_cast %get3A_1293 : vector<16xi32> to vector<16xi32>
      %swap3A_1295 = arith.constant 112 : index
      %swap3A_1296 = tpu.vector_load %arg8[%swap3A_1295] {strides = array<i32>} : memref<128xi32, #tpu.memory_space<vmem>>, vector<16xi32>,
      %swap3A_1297 = vector.shape_cast %swap3A_1296 : vector<16xi32> to vector<16xi32>
      %swap3A_1298 = vector.shape_cast %get3A_1294 : vector<16xi32> to vector<16xi32>
      tpu.vector_store %arg8[%swap3A_1295], %swap3A_1298 {strides = array<i32>} : memref<128xi32, #tpu.memory_space<vmem>>, vector<16xi32>,
      %dma_start3A_1299 = arith.constant 1792 : i32
      %dma_start3A_1300 = tpu.memref_slice %arg6[%dma_start3A_1299] : memref<2048xi32, #tpu.memory_space<vmem>> -> memref<128xi32, #tpu.memory_space<vmem>>
      %dma_start3A_1301 = arith.constant 0 : i32
      %dma_start3A_1302 = arith.constant 0 : i32
      %dma_start3A_1303 = tpu.memref_slice %arg2[%arg0, %dma_start3A_1301, %dma_start3A_1302] : memref<2x10240x128xf32, #tpu.memory_space<hbm>> -> memref<1x10240x128xf32, #tpu.memory_space<hbm>>
      %dma_start3A_1304 = tpu.memref_squeeze %dma_start3A_1303 : memref<1x10240x128xf32, #tpu.memory_space<hbm>> -> memref<10240x128xf32, #tpu.memory_space<hbm>>
      %dma_start3A_1305 = arith.constant 0 : i32
      %dma_start3A_1306 = arith.constant 0 : i32
      %dma_start3A_1307 = tpu.memref_slice %dma_start3A_1304[%dma_start3A_1305, %dma_start3A_1306] : memref<10240x128xf32, #tpu.memory_space<hbm>> -> memref<10240x128xf32, #tpu.memory_space<hbm>>
      tpu.enqueue_indirect_dma source(%dma_start3A_1307 : memref<10240x128xf32, #tpu.memory_space<hbm>>) target(%arg10 : memref<128x128xf32, #tpu.memory_space<vmem>>) offsets(%dma_start3A_1300 : memref<128xi32, #tpu.memory_space<vmem>>) semaphore(%arg13 : memref<!tpu.dma_semaphore, #tpu.memory_space<semaphore_mem>>)
      %gt3A_1308 = arith.constant 0 : i32
      %gt3A_1309 = arith.cmpi sgt, %add3A_1237, %gt3A_1308 : i32
      %convert_element_type3A_1310 = arith.extui %gt3A_1309 : i1 to i32
      %cond3A_1311 = arith.constant 0 : i32
      %cond3A_1312 = arith.cmpi ne, %convert_element_type3A_1310, %cond3A_1311 : i32
      scf.if %cond3A_1312 {
        %dma_wait3A_1403 = arith.constant 0 : i32
        %dma_wait3A_1404 = arith.constant 0 : i32
        %dma_wait3A_1405 = tpu.memref_slice %arg12[%dma_wait3A_1403, %dma_wait3A_1404] : memref<10240x128xf32, #tpu.memory_space<vmem_shared>> -> memref<10240x128xf32, #tpu.memory_space<vmem_shared>>
        tpu.wait_indirect_dma semaphore(%arg16 : memref<!tpu.dma_semaphore, #tpu.memory_space<semaphore_mem>>) src(%arg11 : memref<128x128xf32, #tpu.memory_space<vmem>>) dst(%dma_wait3A_1405 : memref<10240x128xf32, #tpu.memory_space<vmem_shared>>)
      } else {
      }
      %get3A_1313 = arith.constant 1920 : index
      %get3A_1314 = tpu.vector_load %arg7[%get3A_1313] {strides = array<i32>} : memref<2048xi32, #tpu.memory_space<vmem>>, vector<16xi32>,
      %get3A_1315 = vector.shape_cast %get3A_1314 : vector<16xi32> to vector<16xi32>
      %swap3A_1316 = arith.constant 0 : index
      %swap3A_1317 = tpu.vector_load %arg9[%swap3A_1316] {strides = array<i32>} : memref<128xi32, #tpu.memory_space<vmem>>, vector<16xi32>,
      %swap3A_1318 = vector.shape_cast %swap3A_1317 : vector<16xi32> to vector<16xi32>
      %swap3A_1319 = vector.shape_cast %get3A_1315 : vector<16xi32> to vector<16xi32>
      tpu.vector_store %arg9[%swap3A_1316], %swap3A_1319 {strides = array<i32>} : memref<128xi32, #tpu.memory_space<vmem>>, vector<16xi32>,
      %get3A_1320 = arith.constant 1936 : index
      %get3A_1321 = tpu.vector_load %arg7[%get3A_1320] {strides = array<i32>} : memref<2048xi32, #tpu.memory_space<vmem>>, vector<16xi32>,
      %get3A_1322 = vector.shape_cast %get3A_1321 : vector<16xi32> to vector<16xi32>
      %swap3A_1323 = arith.constant 16 : index
      %swap3A_1324 = tpu.vector_load %arg9[%swap3A_1323] {strides = array<i32>} : memref<128xi32, #tpu.memory_space<vmem>>, vector<16xi32>,
      %swap3A_1325 = vector.shape_cast %swap3A_1324 : vector<16xi32> to vector<16xi32>
      %swap3A_1326 = vector.shape_cast %get3A_1322 : vector<16xi32> to vector<16xi32>
      tpu.vector_store %arg9[%swap3A_1323], %swap3A_1326 {strides = array<i32>} : memref<128xi32, #tpu.memory_space<vmem>>, vector<16xi32>,
      %get3A_1327 = arith.constant 1952 : index
      %get3A_1328 = tpu.vector_load %arg7[%get3A_1327] {strides = array<i32>} : memref<2048xi32, #tpu.memory_space<vmem>>, vector<16xi32>,
      %get3A_1329 = vector.shape_cast %get3A_1328 : vector<16xi32> to vector<16xi32>
      %swap3A_1330 = arith.constant 32 : index
      %swap3A_1331 = tpu.vector_load %arg9[%swap3A_1330] {strides = array<i32>} : memref<128xi32, #tpu.memory_space<vmem>>, vector<16xi32>,
      %swap3A_1332 = vector.shape_cast %swap3A_1331 : vector<16xi32> to vector<16xi32>
      %swap3A_1333 = vector.shape_cast %get3A_1329 : vector<16xi32> to vector<16xi32>
      tpu.vector_store %arg9[%swap3A_1330], %swap3A_1333 {strides = array<i32>} : memref<128xi32, #tpu.memory_space<vmem>>, vector<16xi32>,
      %get3A_1334 = arith.constant 1968 : index
      %get3A_1335 = tpu.vector_load %arg7[%get3A_1334] {strides = array<i32>} : memref<2048xi32, #tpu.memory_space<vmem>>, vector<16xi32>,
      %get3A_1336 = vector.shape_cast %get3A_1335 : vector<16xi32> to vector<16xi32>
      %swap3A_1337 = arith.constant 48 : index
      %swap3A_1338 = tpu.vector_load %arg9[%swap3A_1337] {strides = array<i32>} : memref<128xi32, #tpu.memory_space<vmem>>, vector<16xi32>,
      %swap3A_1339 = vector.shape_cast %swap3A_1338 : vector<16xi32> to vector<16xi32>
      %swap3A_1340 = vector.shape_cast %get3A_1336 : vector<16xi32> to vector<16xi32>
      tpu.vector_store %arg9[%swap3A_1337], %swap3A_1340 {strides = array<i32>} : memref<128xi32, #tpu.memory_space<vmem>>, vector<16xi32>,
      %get3A_1341 = arith.constant 1984 : index
      %get3A_1342 = tpu.vector_load %arg7[%get3A_1341] {strides = array<i32>} : memref<2048xi32, #tpu.memory_space<vmem>>, vector<16xi32>,
      %get3A_1343 = vector.shape_cast %get3A_1342 : vector<16xi32> to vector<16xi32>
      %swap3A_1344 = arith.constant 64 : index
      %swap3A_1345 = tpu.vector_load %arg9[%swap3A_1344] {strides = array<i32>} : memref<128xi32, #tpu.memory_space<vmem>>, vector<16xi32>,
      %swap3A_1346 = vector.shape_cast %swap3A_1345 : vector<16xi32> to vector<16xi32>
      %swap3A_1347 = vector.shape_cast %get3A_1343 : vector<16xi32> to vector<16xi32>
      tpu.vector_store %arg9[%swap3A_1344], %swap3A_1347 {strides = array<i32>} : memref<128xi32, #tpu.memory_space<vmem>>, vector<16xi32>,
      %get3A_1348 = arith.constant 2000 : index
      %get3A_1349 = tpu.vector_load %arg7[%get3A_1348] {strides = array<i32>} : memref<2048xi32, #tpu.memory_space<vmem>>, vector<16xi32>,
      %get3A_1350 = vector.shape_cast %get3A_1349 : vector<16xi32> to vector<16xi32>
      %swap3A_1351 = arith.constant 80 : index
      %swap3A_1352 = tpu.vector_load %arg9[%swap3A_1351] {strides = array<i32>} : memref<128xi32, #tpu.memory_space<vmem>>, vector<16xi32>,
      %swap3A_1353 = vector.shape_cast %swap3A_1352 : vector<16xi32> to vector<16xi32>
      %swap3A_1354 = vector.shape_cast %get3A_1350 : vector<16xi32> to vector<16xi32>
      tpu.vector_store %arg9[%swap3A_1351], %swap3A_1354 {strides = array<i32>} : memref<128xi32, #tpu.memory_space<vmem>>, vector<16xi32>,
      %get3A_1355 = arith.constant 2016 : index
      %get3A_1356 = tpu.vector_load %arg7[%get3A_1355] {strides = array<i32>} : memref<2048xi32, #tpu.memory_space<vmem>>, vector<16xi32>,
      %get3A_1357 = vector.shape_cast %get3A_1356 : vector<16xi32> to vector<16xi32>
      %swap3A_1358 = arith.constant 96 : index
      %swap3A_1359 = tpu.vector_load %arg9[%swap3A_1358] {strides = array<i32>} : memref<128xi32, #tpu.memory_space<vmem>>, vector<16xi32>,
      %swap3A_1360 = vector.shape_cast %swap3A_1359 : vector<16xi32> to vector<16xi32>
      %swap3A_1361 = vector.shape_cast %get3A_1357 : vector<16xi32> to vector<16xi32>
      tpu.vector_store %arg9[%swap3A_1358], %swap3A_1361 {strides = array<i32>} : memref<128xi32, #tpu.memory_space<vmem>>, vector<16xi32>,
      %get3A_1362 = arith.constant 2032 : index
      %get3A_1363 = tpu.vector_load %arg7[%get3A_1362] {strides = array<i32>} : memref<2048xi32, #tpu.memory_space<vmem>>, vector<16xi32>,
      %get3A_1364 = vector.shape_cast %get3A_1363 : vector<16xi32> to vector<16xi32>
      %swap3A_1365 = arith.constant 112 : index
      %swap3A_1366 = tpu.vector_load %arg9[%swap3A_1365] {strides = array<i32>} : memref<128xi32, #tpu.memory_space<vmem>>, vector<16xi32>,
      %swap3A_1367 = vector.shape_cast %swap3A_1366 : vector<16xi32> to vector<16xi32>
      %swap3A_1368 = vector.shape_cast %get3A_1364 : vector<16xi32> to vector<16xi32>
      tpu.vector_store %arg9[%swap3A_1365], %swap3A_1368 {strides = array<i32>} : memref<128xi32, #tpu.memory_space<vmem>>, vector<16xi32>,
      %dma_start3A_1369 = arith.constant 1920 : i32
      %dma_start3A_1370 = tpu.memref_slice %arg6[%dma_start3A_1369] : memref<2048xi32, #tpu.memory_space<vmem>> -> memref<128xi32, #tpu.memory_space<vmem>>
      %dma_start3A_1371 = arith.constant 0 : i32
      %dma_start3A_1372 = arith.constant 0 : i32
      %dma_start3A_1373 = tpu.memref_slice %arg2[%arg0, %dma_start3A_1371, %dma_start3A_1372] : memref<2x10240x128xf32, #tpu.memory_space<hbm>> -> memref<1x10240x128xf32, #tpu.memory_space<hbm>>
      %dma_start3A_1374 = tpu.memref_squeeze %dma_start3A_1373 : memref<1x10240x128xf32, #tpu.memory_space<hbm>> -> memref<10240x128xf32, #tpu.memory_space<hbm>>
      %dma_start3A_1375 = arith.constant 0 : i32
      %dma_start3A_1376 = arith.constant 0 : i32
      %dma_start3A_1377 = tpu.memref_slice %dma_start3A_1374[%dma_start3A_1375, %dma_start3A_1376] : memref<10240x128xf32, #tpu.memory_space<hbm>> -> memref<10240x128xf32, #tpu.memory_space<hbm>>
      tpu.enqueue_indirect_dma source(%dma_start3A_1377 : memref<10240x128xf32, #tpu.memory_space<hbm>>) target(%arg11 : memref<128x128xf32, #tpu.memory_space<vmem>>) offsets(%dma_start3A_1370 : memref<128xi32, #tpu.memory_space<vmem>>) semaphore(%arg14 : memref<!tpu.dma_semaphore, #tpu.memory_space<semaphore_mem>>)
      %dma_wait3A_1378 = arith.constant 1792 : i32
      %dma_wait3A_1379 = tpu.memref_slice %arg6[%dma_wait3A_1378] : memref<2048xi32, #tpu.memory_space<vmem>> -> memref<128xi32, #tpu.memory_space<vmem>>
      %dma_wait3A_1380 = arith.constant 0 : i32
      %dma_wait3A_1381 = arith.constant 0 : i32
      %dma_wait3A_1382 = tpu.memref_slice %arg2[%arg0, %dma_wait3A_1380, %dma_wait3A_1381] : memref<2x10240x128xf32, #tpu.memory_space<hbm>> -> memref<1x10240x128xf32, #tpu.memory_space<hbm>>
      %dma_wait3A_1383 = tpu.memref_squeeze %dma_wait3A_1382 : memref<1x10240x128xf32, #tpu.memory_space<hbm>> -> memref<10240x128xf32, #tpu.memory_space<hbm>>
      %dma_wait3A_1384 = arith.constant 0 : i32
      %dma_wait3A_1385 = arith.constant 0 : i32
      %dma_wait3A_1386 = tpu.memref_slice %dma_wait3A_1383[%dma_wait3A_1384, %dma_wait3A_1385] : memref<10240x128xf32, #tpu.memory_space<hbm>> -> memref<10240x128xf32, #tpu.memory_space<hbm>>
      tpu.wait_indirect_dma semaphore(%arg13 : memref<!tpu.dma_semaphore, #tpu.memory_space<semaphore_mem>>) src(%dma_wait3A_1386 : memref<10240x128xf32, #tpu.memory_space<hbm>>) dst(%arg10 : memref<128x128xf32, #tpu.memory_space<vmem>>)
      %dma_start3A_1387 = arith.constant 0 : i32
      %dma_start3A_1388 = arith.constant 0 : i32
      %dma_start3A_1389 = tpu.memref_slice %arg12[%dma_start3A_1387, %dma_start3A_1388] : memref<10240x128xf32, #tpu.memory_space<vmem_shared>> -> memref<10240x128xf32, #tpu.memory_space<vmem_shared>>
      tpu.enqueue_indirect_dma source(%arg10 : memref<128x128xf32, #tpu.memory_space<vmem>>) target(%dma_start3A_1389 : memref<10240x128xf32, #tpu.memory_space<vmem_shared>>) offsets(%arg8 : memref<128xi32, #tpu.memory_space<vmem>>) semaphore(%arg15 : memref<!tpu.dma_semaphore, #tpu.memory_space<semaphore_mem>>) {add = true}
      %dma_wait3A_1390 = arith.constant 1920 : i32
      %dma_wait3A_1391 = tpu.memref_slice %arg6[%dma_wait3A_1390] : memref<2048xi32, #tpu.memory_space<vmem>> -> memref<128xi32, #tpu.memory_space<vmem>>
      %dma_wait3A_1392 = arith.constant 0 : i32
      %dma_wait3A_1393 = arith.constant 0 : i32
      %dma_wait3A_1394 = tpu.memref_slice %arg2[%arg0, %dma_wait3A_1392, %dma_wait3A_1393] : memref<2x10240x128xf32, #tpu.memory_space<hbm>> -> memref<1x10240x128xf32, #tpu.memory_space<hbm>>
      %dma_wait3A_1395 = tpu.memref_squeeze %dma_wait3A_1394 : memref<1x10240x128xf32, #tpu.memory_space<hbm>> -> memref<10240x128xf32, #tpu.memory_space<hbm>>
      %dma_wait3A_1396 = arith.constant 0 : i32
      %dma_wait3A_1397 = arith.constant 0 : i32
      %dma_wait3A_1398 = tpu.memref_slice %dma_wait3A_1395[%dma_wait3A_1396, %dma_wait3A_1397] : memref<10240x128xf32, #tpu.memory_space<hbm>> -> memref<10240x128xf32, #tpu.memory_space<hbm>>
      tpu.wait_indirect_dma semaphore(%arg14 : memref<!tpu.dma_semaphore, #tpu.memory_space<semaphore_mem>>) src(%dma_wait3A_1398 : memref<10240x128xf32, #tpu.memory_space<hbm>>) dst(%arg11 : memref<128x128xf32, #tpu.memory_space<vmem>>)
      %dma_start3A_1399 = arith.constant 0 : i32
      %dma_start3A_1400 = arith.constant 0 : i32
      %dma_start3A_1401 = tpu.memref_slice %arg12[%dma_start3A_1399, %dma_start3A_1400] : memref<10240x128xf32, #tpu.memory_space<vmem_shared>> -> memref<10240x128xf32, #tpu.memory_space<vmem_shared>>
      tpu.enqueue_indirect_dma source(%arg11 : memref<128x128xf32, #tpu.memory_space<vmem>>) target(%dma_start3A_1401 : memref<10240x128xf32, #tpu.memory_space<vmem_shared>>) offsets(%arg9 : memref<128xi32, #tpu.memory_space<vmem>>) semaphore(%arg16 : memref<!tpu.dma_semaphore, #tpu.memory_space<semaphore_mem>>) {add = true}
      %scan3A_1402 = arith.constant 0 : i32
      scf.yield %scan3A_1402 : i32
    }
    %scan3A_32 = arith.constant 10 : i32
    %dma_wait3A = arith.constant 0 : i32
    %dma_wait3A_33 = arith.constant 0 : i32
    %dma_wait3A_34 = tpu.memref_slice %arg12[%dma_wait3A, %dma_wait3A_33] : memref<10240x128xf32, #tpu.memory_space<vmem_shared>> -> memref<10240x128xf32, #tpu.memory_space<vmem_shared>>
    tpu.wait_indirect_dma semaphore(%arg15 : memref<!tpu.dma_semaphore, #tpu.memory_space<semaphore_mem>>) src(%arg10 : memref<128x128xf32, #tpu.memory_space<vmem>>) dst(%dma_wait3A_34 : memref<10240x128xf32, #tpu.memory_space<vmem_shared>>)
    %dma_wait3A_35 = arith.constant 0 : i32
    %dma_wait3A_36 = arith.constant 0 : i32
    %dma_wait3A_37 = tpu.memref_slice %arg12[%dma_wait3A_35, %dma_wait3A_36] : memref<10240x128xf32, #tpu.memory_space<vmem_shared>> -> memref<10240x128xf32, #tpu.memory_space<vmem_shared>>
    tpu.wait_indirect_dma semaphore(%arg16 : memref<!tpu.dma_semaphore, #tpu.memory_space<semaphore_mem>>) src(%arg11 : memref<128x128xf32, #tpu.memory_space<vmem>>) dst(%dma_wait3A_37 : memref<10240x128xf32, #tpu.memory_space<vmem_shared>>)
    %barrier3A_38 = arith.constant 0 : index
    tpu.barrier barrier_id(%barrier3A_38)
    %mul3A_39 = arith.constant 640 : i32
    %mul3A_40 = arith.muli %arg1, %mul3A_39 : i32
    %add3A_41 = arith.constant 0 : i32
    %add3A_42 = arith.addi %mul3A_40, %add3A_41 : i32
    "tpu.region"() ({
      %run_scoped3A = tpu.sem_alloc : memref<!tpu.dma_semaphore, #tpu.memory_space<semaphore_mem>>
      %dma_start3A = arith.constant 0 : i32
      %dma_start3A_59 = tpu.memref_slice %arg12[%add3A_42, %dma_start3A] : memref<10240x128xf32, #tpu.memory_space<vmem_shared>> -> memref<128x128xf32, #tpu.memory_space<vmem_shared>>
      %dma_start3A_60 = arith.constant 0 : i32
      %dma_start3A_61 = tpu.memref_slice %arg12[%add3A_42, %dma_start3A_60] : memref<10240x128xf32, #tpu.memory_space<vmem_shared>> -> memref<128x128xf32, #tpu.memory_space<vmem_shared>>
      tpu.enqueue_dma source(%dma_start3A_61 : memref<128x128xf32, #tpu.memory_space<vmem_shared>>) target(%arg10 : memref<128x128xf32, #tpu.memory_space<vmem>>) target_semaphore(%run_scoped3A : memref<!tpu.dma_semaphore, #tpu.memory_space<semaphore_mem>>)
      %dma_wait3A_62 = arith.constant 0 : i32
      %dma_wait3A_63 = tpu.memref_slice %arg12[%add3A_42, %dma_wait3A_62] : memref<10240x128xf32, #tpu.memory_space<vmem_shared>> -> memref<128x128xf32, #tpu.memory_space<vmem_shared>>
      %dma_wait3A_64 = arith.constant 0 : i32
      %dma_wait3A_65 = tpu.memref_slice %arg12[%add3A_42, %dma_wait3A_64] : memref<10240x128xf32, #tpu.memory_space<vmem_shared>> -> memref<128x128xf32, #tpu.memory_space<vmem_shared>>
      tpu.wait_dma2 semaphore(%run_scoped3A : memref<!tpu.dma_semaphore, #tpu.memory_space<semaphore_mem>>) src(%dma_wait3A_65 : memref<128x128xf32, #tpu.memory_space<vmem_shared>>) dst(%arg10 : memref<128x128xf32, #tpu.memory_space<vmem>>)
      tpu.yield
    }) : () -> ()
    "tpu.region"() ({
      %run_scoped3A = tpu.sem_alloc : memref<!tpu.dma_semaphore, #tpu.memory_space<semaphore_mem>>
      %dma_start3A = arith.constant 0 : i32
      %dma_start3A_59 = arith.constant 0 : i32
      %dma_start3A_60 = tpu.memref_slice %arg5[%arg0, %dma_start3A, %dma_start3A_59] : memref<2x10240x128xf32, #tpu.memory_space<hbm>> -> memref<1x10240x128xf32, #tpu.memory_space<hbm>>
      %dma_start3A_61 = tpu.memref_squeeze %dma_start3A_60 : memref<1x10240x128xf32, #tpu.memory_space<hbm>> -> memref<10240x128xf32, #tpu.memory_space<hbm>>
      %dma_start3A_62 = arith.constant 0 : i32
      %dma_start3A_63 = tpu.memref_slice %dma_start3A_61[%add3A_42, %dma_start3A_62] : memref<10240x128xf32, #tpu.memory_space<hbm>> -> memref<128x128xf32, #tpu.memory_space<hbm>>
      %dma_start3A_64 = arith.constant 0 : i32
      %dma_start3A_65 = arith.constant 0 : i32
      %dma_start3A_66 = tpu.memref_slice %arg5[%arg0, %dma_start3A_64, %dma_start3A_65] : memref<2x10240x128xf32, #tpu.memory_space<hbm>> -> memref<1x10240x128xf32, #tpu.memory_space<hbm>>
      %dma_start3A_67 = tpu.memref_squeeze %dma_start3A_66 : memref<1x10240x128xf32, #tpu.memory_space<hbm>> -> memref<10240x128xf32, #tpu.memory_space<hbm>>
      %dma_start3A_68 = arith.constant 0 : i32
      %dma_start3A_69 = tpu.memref_slice %dma_start3A_67[%add3A_42, %dma_start3A_68] : memref<10240x128xf32, #tpu.memory_space<hbm>> -> memref<128x128xf32, #tpu.memory_space<hbm>>
      tpu.enqueue_dma source(%arg10 : memref<128x128xf32, #tpu.memory_space<vmem>>) target(%dma_start3A_69 : memref<128x128xf32, #tpu.memory_space<hbm>>) target_semaphore(%run_scoped3A : memref<!tpu.dma_semaphore, #tpu.memory_space<semaphore_mem>>)
      %dma_wait3A_70 = arith.constant 0 : i32
      %dma_wait3A_71 = arith.constant 0 : i32
      %dma_wait3A_72 = tpu.memref_slice %arg5[%arg0, %dma_wait3A_70, %dma_wait3A_71] : memref<2x10240x128xf32, #tpu.memory_space<hbm>> -> memref<1x10240x128xf32, #tpu.memory_space<hbm>>
      %dma_wait3A_73 = tpu.memref_squeeze %dma_wait3A_72 : memref<1x10240x128xf32, #tpu.memory_space<hbm>> -> memref<10240x128xf32, #tpu.memory_space<hbm>>
      %dma_wait3A_74 = arith.constant 0 : i32
      %dma_wait3A_75 = tpu.memref_slice %dma_wait3A_73[%add3A_42, %dma_wait3A_74] : memref<10240x128xf32, #tpu.memory_space<hbm>> -> memref<128x128xf32, #tpu.memory_space<hbm>>
      %dma_wait3A_76 = arith.constant 0 : i32
      %dma_wait3A_77 = arith.constant 0 : i32
      %dma_wait3A_78 = tpu.memref_slice %arg5[%arg0, %dma_wait3A_76, %dma_wait3A_77] : memref<2x10240x128xf32, #tpu.memory_space<hbm>> -> memref<1x10240x128xf32, #tpu.memory_space<hbm>>
      %dma_wait3A_79 = tpu.memref_squeeze %dma_wait3A_78 : memref<1x10240x128xf32, #tpu.memory_space<hbm>> -> memref<10240x128xf32, #tpu.memory_space<hbm>>
      %dma_wait3A_80 = arith.constant 0 : i32
      %dma_wait3A_81 = tpu.memref_slice %dma_wait3A_79[%add3A_42, %dma_wait3A_80] : memref<10240x128xf32, #tpu.memory_space<hbm>> -> memref<128x128xf32, #tpu.memory_space<hbm>>
      tpu.wait_dma2 semaphore(%run_scoped3A : memref<!tpu.dma_semaphore, #tpu.memory_space<semaphore_mem>>) src(%arg10 : memref<128x128xf32, #tpu.memory_space<vmem>>) dst(%dma_wait3A_81 : memref<128x128xf32, #tpu.memory_space<hbm>>)
      tpu.yield
    }) : () -> ()
    %mul3A_43 = arith.constant 640 : i32
    %mul3A_44 = arith.muli %arg1, %mul3A_43 : i32
    %add3A_45 = arith.constant 128 : i32
    %add3A_46 = arith.addi %mul3A_44, %add3A_45 : i32
    "tpu.region"() ({
      %run_scoped3A = tpu.sem_alloc : memref<!tpu.dma_semaphore, #tpu.memory_space<semaphore_mem>>
      %dma_start3A = arith.constant 0 : i32
      %dma_start3A_59 = tpu.memref_slice %arg12[%add3A_46, %dma_start3A] : memref<10240x128xf32, #tpu.memory_space<vmem_shared>> -> memref<128x128xf32, #tpu.memory_space<vmem_shared>>
      %dma_start3A_60 = arith.constant 0 : i32
      %dma_start3A_61 = tpu.memref_slice %arg12[%add3A_46, %dma_start3A_60] : memref<10240x128xf32, #tpu.memory_space<vmem_shared>> -> memref<128x128xf32, #tpu.memory_space<vmem_shared>>
      tpu.enqueue_dma source(%dma_start3A_61 : memref<128x128xf32, #tpu.memory_space<vmem_shared>>) target(%arg10 : memref<128x128xf32, #tpu.memory_space<vmem>>) target_semaphore(%run_scoped3A : memref<!tpu.dma_semaphore, #tpu.memory_space<semaphore_mem>>)
      %dma_wait3A_62 = arith.constant 0 : i32
      %dma_wait3A_63 = tpu.memref_slice %arg12[%add3A_46, %dma_wait3A_62] : memref<10240x128xf32, #tpu.memory_space<vmem_shared>> -> memref<128x128xf32, #tpu.memory_space<vmem_shared>>
      %dma_wait3A_64 = arith.constant 0 : i32
      %dma_wait3A_65 = tpu.memref_slice %arg12[%add3A_46, %dma_wait3A_64] : memref<10240x128xf32, #tpu.memory_space<vmem_shared>> -> memref<128x128xf32, #tpu.memory_space<vmem_shared>>
      tpu.wait_dma2 semaphore(%run_scoped3A : memref<!tpu.dma_semaphore, #tpu.memory_space<semaphore_mem>>) src(%dma_wait3A_65 : memref<128x128xf32, #tpu.memory_space<vmem_shared>>) dst(%arg10 : memref<128x128xf32, #tpu.memory_space<vmem>>)
      tpu.yield
    }) : () -> ()
    "tpu.region"() ({
      %run_scoped3A = tpu.sem_alloc : memref<!tpu.dma_semaphore, #tpu.memory_space<semaphore_mem>>
      %dma_start3A = arith.constant 0 : i32
      %dma_start3A_59 = arith.constant 0 : i32
      %dma_start3A_60 = tpu.memref_slice %arg5[%arg0, %dma_start3A, %dma_start3A_59] : memref<2x10240x128xf32, #tpu.memory_space<hbm>> -> memref<1x10240x128xf32, #tpu.memory_space<hbm>>
      %dma_start3A_61 = tpu.memref_squeeze %dma_start3A_60 : memref<1x10240x128xf32, #tpu.memory_space<hbm>> -> memref<10240x128xf32, #tpu.memory_space<hbm>>
      %dma_start3A_62 = arith.constant 0 : i32
      %dma_start3A_63 = tpu.memref_slice %dma_start3A_61[%add3A_46, %dma_start3A_62] : memref<10240x128xf32, #tpu.memory_space<hbm>> -> memref<128x128xf32, #tpu.memory_space<hbm>>
      %dma_start3A_64 = arith.constant 0 : i32
      %dma_start3A_65 = arith.constant 0 : i32
      %dma_start3A_66 = tpu.memref_slice %arg5[%arg0, %dma_start3A_64, %dma_start3A_65] : memref<2x10240x128xf32, #tpu.memory_space<hbm>> -> memref<1x10240x128xf32, #tpu.memory_space<hbm>>
      %dma_start3A_67 = tpu.memref_squeeze %dma_start3A_66 : memref<1x10240x128xf32, #tpu.memory_space<hbm>> -> memref<10240x128xf32, #tpu.memory_space<hbm>>
      %dma_start3A_68 = arith.constant 0 : i32
      %dma_start3A_69 = tpu.memref_slice %dma_start3A_67[%add3A_46, %dma_start3A_68] : memref<10240x128xf32, #tpu.memory_space<hbm>> -> memref<128x128xf32, #tpu.memory_space<hbm>>
      tpu.enqueue_dma source(%arg10 : memref<128x128xf32, #tpu.memory_space<vmem>>) target(%dma_start3A_69 : memref<128x128xf32, #tpu.memory_space<hbm>>) target_semaphore(%run_scoped3A : memref<!tpu.dma_semaphore, #tpu.memory_space<semaphore_mem>>)
      %dma_wait3A_70 = arith.constant 0 : i32
      %dma_wait3A_71 = arith.constant 0 : i32
      %dma_wait3A_72 = tpu.memref_slice %arg5[%arg0, %dma_wait3A_70, %dma_wait3A_71] : memref<2x10240x128xf32, #tpu.memory_space<hbm>> -> memref<1x10240x128xf32, #tpu.memory_space<hbm>>
      %dma_wait3A_73 = tpu.memref_squeeze %dma_wait3A_72 : memref<1x10240x128xf32, #tpu.memory_space<hbm>> -> memref<10240x128xf32, #tpu.memory_space<hbm>>
      %dma_wait3A_74 = arith.constant 0 : i32
      %dma_wait3A_75 = tpu.memref_slice %dma_wait3A_73[%add3A_46, %dma_wait3A_74] : memref<10240x128xf32, #tpu.memory_space<hbm>> -> memref<128x128xf32, #tpu.memory_space<hbm>>
      %dma_wait3A_76 = arith.constant 0 : i32
      %dma_wait3A_77 = arith.constant 0 : i32
      %dma_wait3A_78 = tpu.memref_slice %arg5[%arg0, %dma_wait3A_76, %dma_wait3A_77] : memref<2x10240x128xf32, #tpu.memory_space<hbm>> -> memref<1x10240x128xf32, #tpu.memory_space<hbm>>
      %dma_wait3A_79 = tpu.memref_squeeze %dma_wait3A_78 : memref<1x10240x128xf32, #tpu.memory_space<hbm>> -> memref<10240x128xf32, #tpu.memory_space<hbm>>
      %dma_wait3A_80 = arith.constant 0 : i32
      %dma_wait3A_81 = tpu.memref_slice %dma_wait3A_79[%add3A_46, %dma_wait3A_80] : memref<10240x128xf32, #tpu.memory_space<hbm>> -> memref<128x128xf32, #tpu.memory_space<hbm>>
      tpu.wait_dma2 semaphore(%run_scoped3A : memref<!tpu.dma_semaphore, #tpu.memory_space<semaphore_mem>>) src(%arg10 : memref<128x128xf32, #tpu.memory_space<vmem>>) dst(%dma_wait3A_81 : memref<128x128xf32, #tpu.memory_space<hbm>>)
      tpu.yield
    }) : () -> ()
    %mul3A_47 = arith.constant 640 : i32
    %mul3A_48 = arith.muli %arg1, %mul3A_47 : i32
    %add3A_49 = arith.constant 256 : i32
    %add3A_50 = arith.addi %mul3A_48, %add3A_49 : i32
    "tpu.region"() ({
      %run_scoped3A = tpu.sem_alloc : memref<!tpu.dma_semaphore, #tpu.memory_space<semaphore_mem>>
      %dma_start3A = arith.constant 0 : i32
      %dma_start3A_59 = tpu.memref_slice %arg12[%add3A_50, %dma_start3A] : memref<10240x128xf32, #tpu.memory_space<vmem_shared>> -> memref<128x128xf32, #tpu.memory_space<vmem_shared>>
      %dma_start3A_60 = arith.constant 0 : i32
      %dma_start3A_61 = tpu.memref_slice %arg12[%add3A_50, %dma_start3A_60] : memref<10240x128xf32, #tpu.memory_space<vmem_shared>> -> memref<128x128xf32, #tpu.memory_space<vmem_shared>>
      tpu.enqueue_dma source(%dma_start3A_61 : memref<128x128xf32, #tpu.memory_space<vmem_shared>>) target(%arg10 : memref<128x128xf32, #tpu.memory_space<vmem>>) target_semaphore(%run_scoped3A : memref<!tpu.dma_semaphore, #tpu.memory_space<semaphore_mem>>)
      %dma_wait3A_62 = arith.constant 0 : i32
      %dma_wait3A_63 = tpu.memref_slice %arg12[%add3A_50, %dma_wait3A_62] : memref<10240x128xf32, #tpu.memory_space<vmem_shared>> -> memref<128x128xf32, #tpu.memory_space<vmem_shared>>
      %dma_wait3A_64 = arith.constant 0 : i32
      %dma_wait3A_65 = tpu.memref_slice %arg12[%add3A_50, %dma_wait3A_64] : memref<10240x128xf32, #tpu.memory_space<vmem_shared>> -> memref<128x128xf32, #tpu.memory_space<vmem_shared>>
      tpu.wait_dma2 semaphore(%run_scoped3A : memref<!tpu.dma_semaphore, #tpu.memory_space<semaphore_mem>>) src(%dma_wait3A_65 : memref<128x128xf32, #tpu.memory_space<vmem_shared>>) dst(%arg10 : memref<128x128xf32, #tpu.memory_space<vmem>>)
      tpu.yield
    }) : () -> ()
    "tpu.region"() ({
      %run_scoped3A = tpu.sem_alloc : memref<!tpu.dma_semaphore, #tpu.memory_space<semaphore_mem>>
      %dma_start3A = arith.constant 0 : i32
      %dma_start3A_59 = arith.constant 0 : i32
      %dma_start3A_60 = tpu.memref_slice %arg5[%arg0, %dma_start3A, %dma_start3A_59] : memref<2x10240x128xf32, #tpu.memory_space<hbm>> -> memref<1x10240x128xf32, #tpu.memory_space<hbm>>
      %dma_start3A_61 = tpu.memref_squeeze %dma_start3A_60 : memref<1x10240x128xf32, #tpu.memory_space<hbm>> -> memref<10240x128xf32, #tpu.memory_space<hbm>>
      %dma_start3A_62 = arith.constant 0 : i32
      %dma_start3A_63 = tpu.memref_slice %dma_start3A_61[%add3A_50, %dma_start3A_62] : memref<10240x128xf32, #tpu.memory_space<hbm>> -> memref<128x128xf32, #tpu.memory_space<hbm>>
      %dma_start3A_64 = arith.constant 0 : i32
      %dma_start3A_65 = arith.constant 0 : i32
      %dma_start3A_66 = tpu.memref_slice %arg5[%arg0, %dma_start3A_64, %dma_start3A_65] : memref<2x10240x128xf32, #tpu.memory_space<hbm>> -> memref<1x10240x128xf32, #tpu.memory_space<hbm>>
      %dma_start3A_67 = tpu.memref_squeeze %dma_start3A_66 : memref<1x10240x128xf32, #tpu.memory_space<hbm>> -> memref<10240x128xf32, #tpu.memory_space<hbm>>
      %dma_start3A_68 = arith.constant 0 : i32
      %dma_start3A_69 = tpu.memref_slice %dma_start3A_67[%add3A_50, %dma_start3A_68] : memref<10240x128xf32, #tpu.memory_space<hbm>> -> memref<128x128xf32, #tpu.memory_space<hbm>>
      tpu.enqueue_dma source(%arg10 : memref<128x128xf32, #tpu.memory_space<vmem>>) target(%dma_start3A_69 : memref<128x128xf32, #tpu.memory_space<hbm>>) target_semaphore(%run_scoped3A : memref<!tpu.dma_semaphore, #tpu.memory_space<semaphore_mem>>)
      %dma_wait3A_70 = arith.constant 0 : i32
      %dma_wait3A_71 = arith.constant 0 : i32
      %dma_wait3A_72 = tpu.memref_slice %arg5[%arg0, %dma_wait3A_70, %dma_wait3A_71] : memref<2x10240x128xf32, #tpu.memory_space<hbm>> -> memref<1x10240x128xf32, #tpu.memory_space<hbm>>
      %dma_wait3A_73 = tpu.memref_squeeze %dma_wait3A_72 : memref<1x10240x128xf32, #tpu.memory_space<hbm>> -> memref<10240x128xf32, #tpu.memory_space<hbm>>
      %dma_wait3A_74 = arith.constant 0 : i32
      %dma_wait3A_75 = tpu.memref_slice %dma_wait3A_73[%add3A_50, %dma_wait3A_74] : memref<10240x128xf32, #tpu.memory_space<hbm>> -> memref<128x128xf32, #tpu.memory_space<hbm>>
      %dma_wait3A_76 = arith.constant 0 : i32
      %dma_wait3A_77 = arith.constant 0 : i32
      %dma_wait3A_78 = tpu.memref_slice %arg5[%arg0, %dma_wait3A_76, %dma_wait3A_77] : memref<2x10240x128xf32, #tpu.memory_space<hbm>> -> memref<1x10240x128xf32, #tpu.memory_space<hbm>>
      %dma_wait3A_79 = tpu.memref_squeeze %dma_wait3A_78 : memref<1x10240x128xf32, #tpu.memory_space<hbm>> -> memref<10240x128xf32, #tpu.memory_space<hbm>>
      %dma_wait3A_80 = arith.constant 0 : i32
      %dma_wait3A_81 = tpu.memref_slice %dma_wait3A_79[%add3A_50, %dma_wait3A_80] : memref<10240x128xf32, #tpu.memory_space<hbm>> -> memref<128x128xf32, #tpu.memory_space<hbm>>
      tpu.wait_dma2 semaphore(%run_scoped3A : memref<!tpu.dma_semaphore, #tpu.memory_space<semaphore_mem>>) src(%arg10 : memref<128x128xf32, #tpu.memory_space<vmem>>) dst(%dma_wait3A_81 : memref<128x128xf32, #tpu.memory_space<hbm>>)
      tpu.yield
    }) : () -> ()
    %mul3A_51 = arith.constant 640 : i32
    %mul3A_52 = arith.muli %arg1, %mul3A_51 : i32
    %add3A_53 = arith.constant 384 : i32
    %add3A_54 = arith.addi %mul3A_52, %add3A_53 : i32
    "tpu.region"() ({
      %run_scoped3A = tpu.sem_alloc : memref<!tpu.dma_semaphore, #tpu.memory_space<semaphore_mem>>
      %dma_start3A = arith.constant 0 : i32
      %dma_start3A_59 = tpu.memref_slice %arg12[%add3A_54, %dma_start3A] : memref<10240x128xf32, #tpu.memory_space<vmem_shared>> -> memref<128x128xf32, #tpu.memory_space<vmem_shared>>
      %dma_start3A_60 = arith.constant 0 : i32
      %dma_start3A_61 = tpu.memref_slice %arg12[%add3A_54, %dma_start3A_60] : memref<10240x128xf32, #tpu.memory_space<vmem_shared>> -> memref<128x128xf32, #tpu.memory_space<vmem_shared>>
      tpu.enqueue_dma source(%dma_start3A_61 : memref<128x128xf32, #tpu.memory_space<vmem_shared>>) target(%arg10 : memref<128x128xf32, #tpu.memory_space<vmem>>) target_semaphore(%run_scoped3A : memref<!tpu.dma_semaphore, #tpu.memory_space<semaphore_mem>>)
      %dma_wait3A_62 = arith.constant 0 : i32
      %dma_wait3A_63 = tpu.memref_slice %arg12[%add3A_54, %dma_wait3A_62] : memref<10240x128xf32, #tpu.memory_space<vmem_shared>> -> memref<128x128xf32, #tpu.memory_space<vmem_shared>>
      %dma_wait3A_64 = arith.constant 0 : i32
      %dma_wait3A_65 = tpu.memref_slice %arg12[%add3A_54, %dma_wait3A_64] : memref<10240x128xf32, #tpu.memory_space<vmem_shared>> -> memref<128x128xf32, #tpu.memory_space<vmem_shared>>
      tpu.wait_dma2 semaphore(%run_scoped3A : memref<!tpu.dma_semaphore, #tpu.memory_space<semaphore_mem>>) src(%dma_wait3A_65 : memref<128x128xf32, #tpu.memory_space<vmem_shared>>) dst(%arg10 : memref<128x128xf32, #tpu.memory_space<vmem>>)
      tpu.yield
    }) : () -> ()
    "tpu.region"() ({
      %run_scoped3A = tpu.sem_alloc : memref<!tpu.dma_semaphore, #tpu.memory_space<semaphore_mem>>
      %dma_start3A = arith.constant 0 : i32
      %dma_start3A_59 = arith.constant 0 : i32
      %dma_start3A_60 = tpu.memref_slice %arg5[%arg0, %dma_start3A, %dma_start3A_59] : memref<2x10240x128xf32, #tpu.memory_space<hbm>> -> memref<1x10240x128xf32, #tpu.memory_space<hbm>>
      %dma_start3A_61 = tpu.memref_squeeze %dma_start3A_60 : memref<1x10240x128xf32, #tpu.memory_space<hbm>> -> memref<10240x128xf32, #tpu.memory_space<hbm>>
      %dma_start3A_62 = arith.constant 0 : i32
      %dma_start3A_63 = tpu.memref_slice %dma_start3A_61[%add3A_54, %dma_start3A_62] : memref<10240x128xf32, #tpu.memory_space<hbm>> -> memref<128x128xf32, #tpu.memory_space<hbm>>
      %dma_start3A_64 = arith.constant 0 : i32
      %dma_start3A_65 = arith.constant 0 : i32
      %dma_start3A_66 = tpu.memref_slice %arg5[%arg0, %dma_start3A_64, %dma_start3A_65] : memref<2x10240x128xf32, #tpu.memory_space<hbm>> -> memref<1x10240x128xf32, #tpu.memory_space<hbm>>
      %dma_start3A_67 = tpu.memref_squeeze %dma_start3A_66 : memref<1x10240x128xf32, #tpu.memory_space<hbm>> -> memref<10240x128xf32, #tpu.memory_space<hbm>>
      %dma_start3A_68 = arith.constant 0 : i32
      %dma_start3A_69 = tpu.memref_slice %dma_start3A_67[%add3A_54, %dma_start3A_68] : memref<10240x128xf32, #tpu.memory_space<hbm>> -> memref<128x128xf32, #tpu.memory_space<hbm>>
      tpu.enqueue_dma source(%arg10 : memref<128x128xf32, #tpu.memory_space<vmem>>) target(%dma_start3A_69 : memref<128x128xf32, #tpu.memory_space<hbm>>) target_semaphore(%run_scoped3A : memref<!tpu.dma_semaphore, #tpu.memory_space<semaphore_mem>>)
      %dma_wait3A_70 = arith.constant 0 : i32
      %dma_wait3A_71 = arith.constant 0 : i32
      %dma_wait3A_72 = tpu.memref_slice %arg5[%arg0, %dma_wait3A_70, %dma_wait3A_71] : memref<2x10240x128xf32, #tpu.memory_space<hbm>> -> memref<1x10240x128xf32, #tpu.memory_space<hbm>>
      %dma_wait3A_73 = tpu.memref_squeeze %dma_wait3A_72 : memref<1x10240x128xf32, #tpu.memory_space<hbm>> -> memref<10240x128xf32, #tpu.memory_space<hbm>>
      %dma_wait3A_74 = arith.constant 0 : i32
      %dma_wait3A_75 = tpu.memref_slice %dma_wait3A_73[%add3A_54, %dma_wait3A_74] : memref<10240x128xf32, #tpu.memory_space<hbm>> -> memref<128x128xf32, #tpu.memory_space<hbm>>
      %dma_wait3A_76 = arith.constant 0 : i32
      %dma_wait3A_77 = arith.constant 0 : i32
      %dma_wait3A_78 = tpu.memref_slice %arg5[%arg0, %dma_wait3A_76, %dma_wait3A_77] : memref<2x10240x128xf32, #tpu.memory_space<hbm>> -> memref<1x10240x128xf32, #tpu.memory_space<hbm>>
      %dma_wait3A_79 = tpu.memref_squeeze %dma_wait3A_78 : memref<1x10240x128xf32, #tpu.memory_space<hbm>> -> memref<10240x128xf32, #tpu.memory_space<hbm>>
      %dma_wait3A_80 = arith.constant 0 : i32
      %dma_wait3A_81 = tpu.memref_slice %dma_wait3A_79[%add3A_54, %dma_wait3A_80] : memref<10240x128xf32, #tpu.memory_space<hbm>> -> memref<128x128xf32, #tpu.memory_space<hbm>>
      tpu.wait_dma2 semaphore(%run_scoped3A : memref<!tpu.dma_semaphore, #tpu.memory_space<semaphore_mem>>) src(%arg10 : memref<128x128xf32, #tpu.memory_space<vmem>>) dst(%dma_wait3A_81 : memref<128x128xf32, #tpu.memory_space<hbm>>)
      tpu.yield
    }) : () -> ()
    %mul3A_55 = arith.constant 640 : i32
    %mul3A_56 = arith.muli %arg1, %mul3A_55 : i32
    %add3A_57 = arith.constant 512 : i32
    %add3A_58 = arith.addi %mul3A_56, %add3A_57 : i32
    "tpu.region"() ({
      %run_scoped3A = tpu.sem_alloc : memref<!tpu.dma_semaphore, #tpu.memory_space<semaphore_mem>>
      %dma_start3A = arith.constant 0 : i32
      %dma_start3A_59 = tpu.memref_slice %arg12[%add3A_58, %dma_start3A] : memref<10240x128xf32, #tpu.memory_space<vmem_shared>> -> memref<128x128xf32, #tpu.memory_space<vmem_shared>>
      %dma_start3A_60 = arith.constant 0 : i32
      %dma_start3A_61 = tpu.memref_slice %arg12[%add3A_58, %dma_start3A_60] : memref<10240x128xf32, #tpu.memory_space<vmem_shared>> -> memref<128x128xf32, #tpu.memory_space<vmem_shared>>
      tpu.enqueue_dma source(%dma_start3A_61 : memref<128x128xf32, #tpu.memory_space<vmem_shared>>) target(%arg10 : memref<128x128xf32, #tpu.memory_space<vmem>>) target_semaphore(%run_scoped3A : memref<!tpu.dma_semaphore, #tpu.memory_space<semaphore_mem>>)
      %dma_wait3A_62 = arith.constant 0 : i32
      %dma_wait3A_63 = tpu.memref_slice %arg12[%add3A_58, %dma_wait3A_62] : memref<10240x128xf32, #tpu.memory_space<vmem_shared>> -> memref<128x128xf32, #tpu.memory_space<vmem_shared>>
      %dma_wait3A_64 = arith.constant 0 : i32
      %dma_wait3A_65 = tpu.memref_slice %arg12[%add3A_58, %dma_wait3A_64] : memref<10240x128xf32, #tpu.memory_space<vmem_shared>> -> memref<128x128xf32, #tpu.memory_space<vmem_shared>>
      tpu.wait_dma2 semaphore(%run_scoped3A : memref<!tpu.dma_semaphore, #tpu.memory_space<semaphore_mem>>) src(%dma_wait3A_65 : memref<128x128xf32, #tpu.memory_space<vmem_shared>>) dst(%arg10 : memref<128x128xf32, #tpu.memory_space<vmem>>)
      tpu.yield
    }) : () -> ()
    "tpu.region"() ({
      %run_scoped3A = tpu.sem_alloc : memref<!tpu.dma_semaphore, #tpu.memory_space<semaphore_mem>>
      %dma_start3A = arith.constant 0 : i32
      %dma_start3A_59 = arith.constant 0 : i32
      %dma_start3A_60 = tpu.memref_slice %arg5[%arg0, %dma_start3A, %dma_start3A_59] : memref<2x10240x128xf32, #tpu.memory_space<hbm>> -> memref<1x10240x128xf32, #tpu.memory_space<hbm>>
      %dma_start3A_61 = tpu.memref_squeeze %dma_start3A_60 : memref<1x10240x128xf32, #tpu.memory_space<hbm>> -> memref<10240x128xf32, #tpu.memory_space<hbm>>
      %dma_start3A_62 = arith.constant 0 : i32
      %dma_start3A_63 = tpu.memref_slice %dma_start3A_61[%add3A_58, %dma_start3A_62] : memref<10240x128xf32, #tpu.memory_space<hbm>> -> memref<128x128xf32, #tpu.memory_space<hbm>>
      %dma_start3A_64 = arith.constant 0 : i32
      %dma_start3A_65 = arith.constant 0 : i32
      %dma_start3A_66 = tpu.memref_slice %arg5[%arg0, %dma_start3A_64, %dma_start3A_65] : memref<2x10240x128xf32, #tpu.memory_space<hbm>> -> memref<1x10240x128xf32, #tpu.memory_space<hbm>>
      %dma_start3A_67 = tpu.memref_squeeze %dma_start3A_66 : memref<1x10240x128xf32, #tpu.memory_space<hbm>> -> memref<10240x128xf32, #tpu.memory_space<hbm>>
      %dma_start3A_68 = arith.constant 0 : i32
      %dma_start3A_69 = tpu.memref_slice %dma_start3A_67[%add3A_58, %dma_start3A_68] : memref<10240x128xf32, #tpu.memory_space<hbm>> -> memref<128x128xf32, #tpu.memory_space<hbm>>
      tpu.enqueue_dma source(%arg10 : memref<128x128xf32, #tpu.memory_space<vmem>>) target(%dma_start3A_69 : memref<128x128xf32, #tpu.memory_space<hbm>>) target_semaphore(%run_scoped3A : memref<!tpu.dma_semaphore, #tpu.memory_space<semaphore_mem>>)
      %dma_wait3A_70 = arith.constant 0 : i32
      %dma_wait3A_71 = arith.constant 0 : i32
      %dma_wait3A_72 = tpu.memref_slice %arg5[%arg0, %dma_wait3A_70, %dma_wait3A_71] : memref<2x10240x128xf32, #tpu.memory_space<hbm>> -> memref<1x10240x128xf32, #tpu.memory_space<hbm>>
      %dma_wait3A_73 = tpu.memref_squeeze %dma_wait3A_72 : memref<1x10240x128xf32, #tpu.memory_space<hbm>> -> memref<10240x128xf32, #tpu.memory_space<hbm>>
      %dma_wait3A_74 = arith.constant 0 : i32
      %dma_wait3A_75 = tpu.memref_slice %dma_wait3A_73[%add3A_58, %dma_wait3A_74] : memref<10240x128xf32, #tpu.memory_space<hbm>> -> memref<128x128xf32, #tpu.memory_space<hbm>>
      %dma_wait3A_76 = arith.constant 0 : i32
      %dma_wait3A_77 = arith.constant 0 : i32
      %dma_wait3A_78 = tpu.memref_slice %arg5[%arg0, %dma_wait3A_76, %dma_wait3A_77] : memref<2x10240x128xf32, #tpu.memory_space<hbm>> -> memref<1x10240x128xf32, #tpu.memory_space<hbm>>
      %dma_wait3A_79 = tpu.memref_squeeze %dma_wait3A_78 : memref<1x10240x128xf32, #tpu.memory_space<hbm>> -> memref<10240x128xf32, #tpu.memory_space<hbm>>
      %dma_wait3A_80 = arith.constant 0 : i32
      %dma_wait3A_81 = tpu.memref_slice %dma_wait3A_79[%add3A_58, %dma_wait3A_80] : memref<10240x128xf32, #tpu.memory_space<hbm>> -> memref<128x128xf32, #tpu.memory_space<hbm>>
      tpu.wait_dma2 semaphore(%run_scoped3A : memref<!tpu.dma_semaphore, #tpu.memory_space<semaphore_mem>>) src(%arg10 : memref<128x128xf32, #tpu.memory_space<vmem>>) dst(%dma_wait3A_81 : memref<128x128xf32, #tpu.memory_space<hbm>>)
      tpu.yield
    }) : () -> ()
    return
  }
}

</mosaic_0001>

<sc_bundles>
// kernel: _sc_agg.3.cloned.1.call-start
scs
__scs_entry_jumppad:
0x0: {  	(pc) =	sbr.rel $0x88, $3  }
0x1: {  	(tag) =	ssettag $0x0;
	lr =	simm.s32 $0x1  }
0x2: {  	[smem:$0x3F9E] =	sst lr;
	_ =	strace $0xD0000000  }
0x3: {  	_ = 	snop  }
0x4: {  	_ = 	snop  }
0x5: {  	_ = 	snop  }
0x6: {  	_ = 	snop  }
0x7: {  	_ = 	snop  }
__scs_overlays_trampoline_lowered:
0x8: {  	[smem:$0x3FAD] =	sst s0  }
0x9: {  	[smem:$0x3FAE] =	sst s1  }
0xa: {  	[smem:$0x3FAF] =	sst s2  }
0xb: {  	[smem:$0x3FB0] =	sst s3  }
0xc: {  	[smem:$0x3FB1] =	sst s4  }
0xd: {  	[smem:$0x3FB2] =	sst s5  }
0xe: {  	[smem:$0x3FB3] =	sst s6  }
0xf: {  	[smem:$0x3FB4] =	sst s7  }
0x10: {  	[smem:$0x3FB5] =	sst s8  }
0x11: {  	[smem:$0x3FB6] =	sst s9;
	s0 =	simm.s32 @!p0 $0x0  }
0x12: {  	s1 =	sld [smem:$0x3F9C];
	s0 =	simm.s32 @p0 $0x1  }
0x13: {  	[smem:$0x3FB7] =	sst s0;
	s0 =	simm.s32 @!p1 $0x0  }
0x14: {  	s2 =	sld [smem:$0x3F9B];
	s0 =	simm.s32 @p1 $0x1  }
0x15: {  	[smem:$0x3FB8] =	sst s0;
	s0 =	simm.s32 @!p2 $0x0  }
0x16: {  	s3 =	sld [smem:$0x3FDB];
	s0 =	simm.s32 @p2 $0x1  }
0x17: {  	s4 =	simm.s32 $0x1BF5;
	[smem:$0x3FBA] =	sst s0  }
0x18: {  	s0 =	sld [smem:$0x3F9D];
	_ =	swait.ge [sflag:s4], $0x0  }
0x19: {  	s7 =	sld [smem:$0x3F9E]  }
0x1a: {  	s8 =	sadd.s32 $0xFFFFE003, lr  }
0x1b: {  	s9 =	sadd.s32 $0xFFFFFEF7, lr;
	s5 =	simm.s32 $0xFFFFFFFF;
	p2 =	slt.u32 s8, $0xFFFFF086  }
0x1c: {  	p1 =	slt.u32 s9, $0xF7A;
	s5 =	simm.s32 @!p2 $0x0  }
0x1d: {  	s5 =	simm.s32 @p1 $0x1;
	p0 =	seq.s32 s7, s2  }
0x1e: {  	s7 =	smul.u32 @!p0 $0xF7A, s2;
	p2 =	seq.s32 @!p0 s5, $0x0  }
0x1f: {  	s9 =	smul.u32 $0xF7A, s1;
	s8 =	simm.s32 @!p0 $0x1BF5;
	p2 =	por !p2, p0  }
0x20: {  	[sflag:s8] =	ssyncset.s32 @!p0 $0xFFFFF086;
	s6 =	sadd.s32 @!p0 s3, s7;
	s7 =	simm.s32 @!p0 $0x108  }
0x21: {  	s3 =	sadd.s32 s3, s9;
	s6 =	sadd.s32 @!p0 $0x88, s6;
	s7 =	simm.s32 @p2 $0x1082  }
0x22: {  	[simem:s7], [sflag:s8] =	dma.local @!p0 [hbm:s6], $0xF7A  }
0x23: {  	s9 =	sor.u32 $0xD0000000, s2;
	s6 =	simm.s32 $0x108;
	_ =	swait.ge @!p0 [sflag:s8], $0x0  }
0x24: {  	s3 =	sadd.s32 $0x88, s3;
	s6 =	simm.s32 @!p1 $0x1082;
	[sflag:s4] =	ssyncset.s32 $0xFFFFF086  }
0x25: {  	[simem:s6], [sflag:s4] =	dma.local [hbm:s3], $0xF7A  }
0x26: {  	[smem:$0x3F9E] =	sst s1;
	(tag) =	ssettag s2;
	_ =	strace s9  }
0x27: {  	s1 =	sld [smem:$0x3FAE]  }
0x28: {  	s2 =	sld [smem:$0x3FAF]  }
0x29: {  	s4 =	sld [smem:$0x3FB1]  }
0x2a: {  	p0 =	seq.s32 s5, $0x0;
	s5 =	sld [smem:$0x3FB2]  }
0x2b: {  	s6 =	sld [smem:$0x3FB3]  }
0x2c: {  	s7 =	sld [smem:$0x3FB4]  }
0x2d: {  	s3 =	simm.s32 $0x108;
	s8 =	sld [smem:$0x3FB5]  }
0x2e: {  	s3 =	simm.s32 @!p0 $0x1082;
	s9 =	sld [smem:$0x3FB6]  }
0x2f: {  	lr =	sadd.s32 s0, s3;
	s0 =	sld [smem:$0x3FAD]  }
0x30: {  	s3 =	sld [smem:$0x3FB0]  }
0x31: {  	[smem:$0x3FB9] =	sst s10  }
0x32: {  	s10 =	sld [smem:$0x3FB7];
	_ =	sdelay $0x3  }
0x33: {  	p0 =	seq.s32 s10, $0x1;
	s10 =	sld [smem:$0x3FB9];
	_ =	sdelay $0x3  }
0x34: {  	[smem:$0x3FB9] =	sst s10  }
0x35: {  	s10 =	sld [smem:$0x3FB8];
	_ =	sdelay $0x3  }
0x36: {  	p1 =	seq.s32 s10, $0x1;
	s10 =	sld [smem:$0x3FB9];
	_ =	sdelay $0x3  }
0x37: {  	[smem:$0x3FB9] =	sst s10  }
0x38: {  	s10 =	sld [smem:$0x3FBA]  }
0x39: {  	_ = 	snop;
	(pc) =	sbr.ind lr, $3  }
0x3a: {  	_ = 	snop  }
0x3b: {  	_ = 	snop  }
0x3c: {  	p2 =	seq.s32 s10, $0x1;
	s10 =	sld [smem:$0x3FB9]  }
0x3d: {  	_ =	shalt  }
0x3e: {  	_ =	shalt  }
0x3f: {  	_ =	shalt  }
0x40: {  	_ =	shalt  }
0x41: {  	_ =	shalt  }
0x42: {  	_ =	shalt  }
0x43: {  	_ =	shalt  }
0x44: {  	_ =	shalt  }
0x45: {  	_ =	shalt  }
0x46: {  	_ =	shalt  }
0x47: {  	_ =	shalt  }
0x48: {  	_ =	shalt  }
0x49: {  	_ =	shalt  }
0x4a: {  	_ =	shalt  }
0x4b: {  	_ =	shalt  }
0x4c: {  	_ =	shalt  }
0x4d: {  	_ =	shalt  }
0x4e: {  	_ =	shalt  }
0x4f: {  	_ =	shalt  }
0x50: {  	_ =	shalt  }
0x51: {  	_ =	shalt  }
0x52: {  	_ =	shalt  }
0x53: {  	_ =	shalt  }
0x54: {  	_ =	shalt  }
0x55: {  	_ =	shalt  }
0x56: {  	_ =	shalt  }
0x57: {  	_ =	shalt  }
0x58: {  	_ =	shalt  }
0x59: {  	_ =	shalt  }
0x5a: {  	_ =	shalt  }
0x5b: {  	_ =	shalt  }
0x5c: {  	_ =	shalt  }
0x5d: {  	_ =	shalt  }
0x5e: {  	_ =	shalt  }
0x5f: {  	_ =	shalt  }
0x60: {  	_ =	shalt  }
0x61: {  	_ =	shalt  }
0x62: {  	_ =	shalt  }
0x63: {  	_ =	shalt  }
0x64: {  	_ =	shalt  }
0x65: {  	_ =	shalt  }
0x66: {  	_ =	shalt  }
0x67: {  	_ =	shalt  }
0x68: {  	_ =	shalt  }
0x69: {  	_ =	shalt  }
0x6a: {  	_ =	shalt  }
0x6b: {  	_ =	shalt  }
0x6c: {  	_ =	shalt  }
0x6d: {  	_ =	shalt  }
0x6e: {  	_ =	shalt  }
0x6f: {  	_ =	shalt  }
0x70: {  	_ =	shalt  }
0x71: {  	_ =	shalt  }
0x72: {  	_ =	shalt  }
0x73: {  	_ =	shalt  }
0x74: {  	_ =	shalt  }
0x75: {  	_ =	shalt  }
0x76: {  	_ =	shalt  }
0x77: {  	_ =	shalt  }
0x78: {  	_ =	shalt  }
0x79: {  	_ =	shalt  }
0x7a: {  	_ =	shalt  }
0x7b: {  	_ =	shalt  }
0x7c: {  	_ =	shalt  }
0x7d: {  	_ =	shalt  }
0x7e: {  	_ =	shalt  }
0x7f: {  	_ =	shalt  }
0x80: {  	_ =	shalt  }
0x81: {  	_ =	shalt  }
0x82: {  	_ =	shalt  }
0x83: {  	_ =	shalt  }
0x84: {  	_ =	shalt  }
0x85: {  	_ =	shalt  }
0x86: {  	_ =	shalt  }
0x87: {  	_ =	shalt  }
.Lfunc_end0:
.L_simem_size_0:
called_computation_lowered:
.L_overlay_start_0:
0x88: {  	s2 =	sld [smem:$0x3FD9]  }
0x89: {  	s3 =	sld [smem:$0x3FFE];
	_ =	sdelay $0x1  }
0x8a: {  	s1 =	srdreg.scid  }
0x8b: {  	s0 =	sand.u32 $0x1, s1  }
0x8c: {  	s18 =	sshll.u32 s0, $0xA;
	s2 =	sadd.s32 s3, s2  }
0x8d: {  	s2 =	sadd.s32 s2, s18  }
0x8e: {  	[smem:$0x3FC5] =	sst s2  }
0x8f: {  	_ = 	snop  }
0x90: {  	s2 =	sld [smem:$0x3FC9]  }
0x91: {  	s19 =	sld [smem:$0x3FC8]  }
0x92: {  	s4 =	sld [smem:$0x3FC7]  }
0x93: {  	s5 =	sld [smem:$0x3FD0];
	(tm) =	ssettm $0x1  }
0x94: {  	s6 =	sld [smem:$0x3FFB];
	_ =	sdelay $0x3  }
0x95: {  	_ =	strace s6  }
0x96: {  	s6 =	sld [smem:$0x3FFC];
	_ =	sdelay $0x3  }
0x97: {  	_ =	strace s6  }
0x98: {  	s6 =	sld [smem:$0x3FFD];
	_ =	sdelay $0x3  }
0x99: {  	_ =	strace s6  }
0x9a: {  	_ =	strace $0x8FFFFFFF  }
0x9b: {  	s20 =	sld [smem:$0x3FDB];
	_ =	sdelay $0x1  }
0x9c: {  	s7 =	simm.s32 $_scs_section_size  }
0x9d: {  	s8 =	simm.s32 $_size__tile_overlayer_lowered;
	s9 =	simm.s32 $_tile_overlayer_lowered  }
0x9e: {  	s23 =	simm.s32 $0x1BFF;
	s22 =	sshll.u32 s9, $0x1;
	s6 =	sadd.s32 s7, s20  }
0x9f: {  	s10 =	simm.s32 $0x0;
	s21 =	sshll.u32 s8, $0x1;
	s8 =	sadd.s32 s22, s6  }
0xa0: {  	[timem:s10], [sflag:s23] =	dma.local [hbm:s8], s21  }
0xa1: {  	_ =	swait.ge [sflag:s23], s21  }
0xa2: {  	s7 =	ssub.s32 $0x0, s21;
	[sflag:s23] =	ssyncset.done $0x0  }
0xa3: {  	[sflag:s23] =	ssyncadd.s32 s7;
	_ =	sdelay $0x1  }
0xa4: {  	s24 =	simm.s32 $0x1B8B  }
0xa5: {  	_ =	swait.ge [sflag:s24], $0x1  }
0xa6: {  	[sflag:s24] =	ssyncset.done $0x0  }
0xa7: {  	s25 =	simm.s32 $0x1B8E;
	[sflag:s24] =	ssyncadd.s32 $0xFFFFFFFF  }
0xa8: {  	s26 =	simm.s32 $execute0_lowered;
	[smem:$0x3FD2] =	sst s25  }
0xa9: {  	s7 =	sshll.u32 s26, $0x1;
	_ =	strace $0x80000046;
	[dreg:$0x1] =	wrdreg $0xFFFFFFFF  }
0xaa: {  	s28 =	simm.s32 $_size_execute0_lowered;
	s6 =	sadd.s32 s6, s7;
	[dreg:$0x0] =	wrdreg $0x0  }
0xab: {  	s7 =	sshll.u32 s28, $0x1;
	[dreg:$0x2] =	wrdreg s6  }
0xac: {  	[dreg:$0x3] =	wrdreg s7  }
0xad: {  	[dreg:$0x4] =	wrdreg $0xC0  }
0xae: {  	_ =	task [dreg:s10], $0x5FFFF  }
0xaf: {  	[dreg:$0x1] =	wrdreg $0xFFFFFFFF  }
0xb0: {  	[dreg:$0x0] =	wrdreg $0x60  }
0xb1: {  	[dreg:$0x2] =	wrdreg s2  }
0xb2: {  	[dreg:$0x3] =	wrdreg s19  }
0xb3: {  	[dreg:$0x4] =	wrdreg s4  }
0xb4: {  	[dreg:$0x5] =	wrdreg s5  }
0xb5: {  	[dreg:$0x6] =	wrdreg $0x91000  }
0xb6: {  	[dreg:$0x7] =	wrdreg $0x9  }
0xb7: {  	_ =	task.clear_ibuf [dreg:s10], $0x8FFFF;
	_ =	strace $0x90000046  }
0xb8: {  	s29 =	simm.s32 $0x9;
	_ =	strace $0x80000048  }
0xb9: {  	_ =	swait.ge [sflag:s29], $0x1  }
0xba: {  	[sflag:s29] =	ssyncadd.s32 $0xFFFFFFFF  }
0xbb: {  	_ =	strace $0x90000048  }
0xbc: {  	_ =	sfence  }
0xbd: {  	s30 =	sld [smem:$0x0];
	_ =	sdelay $0x2  }
0xbe: {  	s31 =	sshll.u32 s1, $0xD;
	s1 =	sshrl.u32 s1, $0x2  }
0xbf: {  	s3 =	sand.u32 $0x4000, s31;
	s1 =	sadd.s32 s1, s30  }
0xc0: {  	s0 =	sor.u32 s3, s0;
	s1 =	sshll.u32 s1, $0x11  }
0xc1: {  	s0 =	sor.u32 s1, s0  }
0xc2: {  	s0 =	sadd.s32 $0x8F2B, s0  }
0xc3: {  	[sflag:s0] =	ssyncadd.remote.s32 $0x1  }
0xc4: {  	_ =	sfence.sel $0xFFFF  }
0xc5: {  	[dreg:$0x0] =	wrdreg $0xFFFFFFFF;
	(pc) =	sbr.abs _section_cstart, $3  }
0xc6: {  	[dreg:$0x1] =	wrdreg $0xFFFFFFFF  }
0xc7: {  	_ =	task.clear_ibuf [dreg:s10], $0x2FFFF;
	_ =	strace $0x9FFFFFFF  }
0xc8: {  	(tm) =	ssettm $0x7FFFFFFF  }
0xc9: {  	_ =	shalt  }
tec
execute0_lowered:
.L_overlay_start_1:
0x0: {  	(tag) =	ssettag $0x1  }
0x1: {  	s0 =	rddreg [dreg:$0x0]  }
0x2: {  	s1 =	rddreg [dreg:$0x1]  }
0x3: {  	s4 =	rddreg [dreg:$0x2]  }
0x4: {  	s5 =	rddreg [dreg:$0x3]  }
0x5: {  	s2 =	rddreg [dreg:$0x4];
	s6 =	srdreg.scid  }
0x6: {  	s16 =	stileid.u32;
	s3 =	simm.s32 $0x0;
	s17 =	simm.s32 $0x2  }
0x7: {  	s18 =	simm.s32 $0x1080;
	s19 =	simm.s32 $0x180;
	s28 =	simm.s32 $0x280  }
0x8: {  	s29 =	simm.s32 $0x300;
	s30 =	simm.s32 $0x380;
	s7 =	smul.u32 $0x280, s16  }
0x9: {  	s31 =	simm.s32 $0x400;
	s6 =	sand.u32 $0x1, s6;
	s9 =	smul.u32 $0x50000, s16  }
0xa: {  	[smem:$0x7FF] =	sst s3;
	s26 =	smul.u32 $0xA00, s16;
	s8 =	ssub.s32 $0x2, s6  }
0xb: {  	_ =	strace $0x80000047;
	s15 =	smul.u32 $0x28000, s6;
	[dreg:$0xa] =	wrdreg s19  }
0xc: {  	s19 =	simm.s32 $0x3;
	s10 =	sshrl.u32 s8, $0x1;
	s20 =	sshrl.u32 s9, $0x2  }
0xd: {  	s11 =	sadd.s32 $0x80, s7;
	s12 =	sadd.s32 $0x100, s7;
	s13 =	sadd.s32 $0x180, s7  }
0xe: {  	s14 =	sadd.s32 $0x200, s7;
	s4 =	sadd.s32 s26, s4;
	s7 =	simm.s32 $0x800  }
0xf: {  	s10 =	ssub.s32 s8, s10;
	s8 =	sadd.s32 s20, s2;
	s21 =	sshll.u32 s11, $0x7  }
0x10: {  	s22 =	sshll.u32 s12, $0x7;
	s23 =	sshll.u32 s13, $0x7;
	s25 =	sshll.u32 s14, $0x7  }
0x11: {  	s9 =	sadd.s32 s0, s15;
	s5 =	sadd.s32 s5, s15;
	[dreg:$0x6] =	wrdreg s4  }
0x12: {  	s20 =	smul.u32 $0x2800, s16;
	s0 =	sadd.s32 s26, s1;
	[dreg:$0x8] =	wrdreg s7  }
0x13: {  	s15 =	simm.s32 $0x1;
	s16 =	simm.s32 $0x1000;
	s1 =	simm.s32 $0x500  }
0x14: {  	[dreg:$0xb] =	wrdreg s8;
	s8 =	sadd.s32 s21, s2;
	s6 =	sadd.s32 s22, s2  }
0x15: {  	s24 =	sadd.s32 s23, s2;
	s21 =	sshll.u32 s11, $0x4;
	s22 =	sshll.u32 s12, $0x4  }
0x16: {  	s23 =	sshll.u32 s13, $0x4;
	s4 =	smax.u32 s10, $0x1;
	[dreg:$0x7] =	wrdreg s0  }
0x17: {  	s11 =	simm.s32 $0x1100;
	s12 =	simm.s32 $0x5;
	[dreg:$0xc] =	wrdreg s8  }
0x18: {  	s13 =	simm.s32 $0x80;
	s10 =	simm.s32 $0x100;
	[dreg:$0xd] =	wrdreg s24  }
0x19: {  	s0 =	simm.s32 $0x480;
	s8 =	sadd.s32 s25, s2;
	[dreg:$0xe] =	wrdreg s4  }
0x1a: {  	s24 =	sshll.u32 s14, $0x4;
	[dreg:$0x9] =	wrdreg s10;
	s20 =	sadd.s32 s20, s5  }
0x1b: {  	s14 =	simm.s32 $0x5100;
	s21 =	sadd.s32 s21, s5;
	[dreg:$0xf] =	wrdreg s20  }
0x1c: {  	s22 =	sadd.s32 s22, s5;
	s25 =	sadd.s32 s23, s5;
	[dreg:$0x10] =	wrdreg s21  }
0x1d: {  	s10 =	simm.s32 $0x580;
	s23 =	simm.s32 $0x780;
	[dreg:$0x11] =	wrdreg s22  }
0x1e: {  	[dreg:$0x12] =	wrdreg s25;
	s26 =	sadd.s32 s24, s5;
	s25 =	simm.s32 $0x4  }
0x1f: {  	s20 =	simm.s32 $0x600;
	s21 =	simm.s32 $0x680;
	s22 =	simm.s32 $0x700  }
0x20: {  	v0 =	vimm.f32 $0.0e+00;
	s24 =	simm.s32 $0x0;
	[dreg:$0x13] =	wrdreg s26;
	s26 =	simm.s32 $0x200  }
.LBB2_1:
0x21: {  	s4 =	simm.s32 $0x0;
	s5 =	simm.s32 $0x200  }
.LBB2_2:
0x22: {  	p0 =	sne.s32 s5, $0xFE00;
	[tilespmem:s4+$0x1170] =	vst v0  }
0x23: {  	[tilespmem:s4+$0x1100] =	vst v0  }
0x24: {  	[tilespmem:s4+$0x1110] =	vst v0  }
.Ltmp0:
0x25: {  	[tilespmem:s4+$0x1120] =	vst v0;
	(pc) =	sbr.rel @p0 .LBB2_2-.Ltmp0, $4  }
0x26: {  	[tilespmem:s4+$0x1130] =	vst v0  }
0x27: {  	[tilespmem:s4+$0x1140] =	vst v0  }
0x28: {  	[tilespmem:s4+$0x1150] =	vst v0  }
0x29: {  	[tilespmem:s4+$0x1160] =	vst v0;
	s4 =	sshra.s32 s5, $0x2;
	s5 =	sadd.s32 $0x200, s5  }
0x2a: {  	[tilespmem:s4+$0x1170] =	vst v0  }
0x2b: {  	[tilespmem:s4+$0x1100] =	vst v0  }
0x2c: {  	[tilespmem:s4+$0x1110] =	vst v0  }
0x2d: {  	[tilespmem:s4+$0x1120] =	vst v0  }
0x2e: {  	[tilespmem:s4+$0x1130] =	vst v0  }
0x2f: {  	[tilespmem:s4+$0x1140] =	vst v0  }
0x30: {  	[tilespmem:s4+$0x1150] =	vst v0  }
0x31: {  	[tilespmem:s4+$0x1160] =	vst v0;
	s7 =	rddreg [dreg:$0xb]  }
0x32: {  	[spmem:s7] =	stream.linear.scatter [tilespmem:s11], [sflag:$0x5], $0x4000, $0x38;
	[tilespmem:$0x1D100] =	vst v63  }
0x33: {  	_ =	swait.ge [sflag:s12], $0x4000  }
0x34: {  	[sflag:s12] =	ssyncset.done $0x0  }
0x35: {  	s5 =	rddreg [dreg:$0xc];
	[sflag:s12] =	ssyncadd.s32 $0xFFFFC000  }
0x36: {  	[spmem:s5] =	stream.linear.scatter [tilespmem:s11], [sflag:$0x5], $0x4000, $0x38;
	[tilespmem:$0x1D100] =	vst v63  }
0x37: {  	_ =	swait.ge [sflag:s12], $0x4000  }
0x38: {  	[sflag:s12] =	ssyncset.done $0x0  }
0x39: {  	[sflag:s12] =	ssyncadd.s32 $0xFFFFC000  }
0x3a: {  	[spmem:s6] =	stream.linear.scatter [tilespmem:s11], [sflag:$0x5], $0x4000, $0x38;
	[tilespmem:$0x1D100] =	vst v63  }
0x3b: {  	_ =	swait.ge [sflag:s12], $0x4000  }
0x3c: {  	[sflag:s12] =	ssyncset.done $0x0  }
0x3d: {  	s7 =	smov.u32 s6;
	s6 =	rddreg [dreg:$0xd];
	[sflag:s12] =	ssyncadd.s32 $0xFFFFC000  }
0x3e: {  	[spmem:s6] =	stream.linear.scatter [tilespmem:s11], [sflag:$0x5], $0x4000, $0x38;
	[tilespmem:$0x1D100] =	vst v63  }
0x3f: {  	_ =	swait.ge [sflag:s12], $0x4000  }
0x40: {  	[sflag:s12] =	ssyncset.done $0x0  }
0x41: {  	[sflag:s12] =	ssyncadd.s32 $0xFFFFC000  }
0x42: {  	[spmem:s8] =	stream.linear.scatter [tilespmem:s11], [sflag:$0x5], $0x4000, $0x38;
	[tilespmem:$0x1D100] =	vst v63  }
0x43: {  	_ =	swait.ge [sflag:s12], $0x4000  }
0x44: {  	[sflag:s12] =	ssyncset.done $0x0  }
0x45: {  	[sflag:s12] =	ssyncadd.s32 $0xFFFFC000  }
0x46: {  	s4 =	simm.s32 $0x0;
	[bflag:$0x0] =	sbarrier.arrive $0xFFFF  }
.LBB2_4:
0x47: {  	s5 =	rddreg [dreg:$0x7]  }
0x48: {  	s5 =	sadd.s32 s4, s5  }
0x49: {  	[tilespmem:s3], [sflag:$0x5] =	stream.linear.gather [hbm4b:s5+s3], $0x800, $0x38;
	[tilespmem:$0x1D100] =	vst v63  }
0x4a: {  	_ =	swait.ge [sflag:s12], $0x800  }
0x4b: {  	s5 =	rddreg [dreg:$0x6];
	[sflag:s12] =	ssyncset.done $0x0  }
0x4c: {  	s6 =	rddreg [dreg:$0x8];
	[sflag:s12] =	ssyncadd.s32 $0xFFFFF800;
	s5 =	sadd.s32 s4, s5  }
0x4d: {  	[tilespmem:s6], [sflag:$0x5] =	stream.linear.gather [hbm4b:s5+s3], $0x800, $0x38;
	[tilespmem:$0x1D100] =	vst v63  }
0x4e: {  	_ =	swait.ge [sflag:s12], $0x800  }
0x4f: {  	p0 =	seq.s32 s4, $0x0;
	[sflag:s12] =	ssyncset.done $0x0  }
0x50: {  	s5 =	simm.s32 @!p0 $0x3;
	[sflag:s12] =	ssyncadd.s32 $0xFFFFF800  }
0x51: {  	_ =	swait.ge @!p0 [sflag:s5], $0x4000  }
0x52: {  	[sflag:s5] =	ssyncset.done @!p0 $0x0  }
0x53: {  	[sflag:s5] =	ssyncadd.s32 @!p0 $0xFFFFC000  }
0x54: {  	v1 =	vld [tilespmem:$0x800]  }
0x55: {  	v2 =	vld [tilespmem:$0x810]  }
0x56: {  	v3 =	vld [tilespmem:$0x820]  }
0x57: {  	v4 =	vld [tilespmem:$0x830]  }
0x58: {  	v5 =	vld [tilespmem:$0x840]  }
0x59: {  	[tilespmem:$0x1000] =	vst v1;
	v1 =	vld [tilespmem:$0x850]  }
0x5a: {  	[tilespmem:$0x1010] =	vst v2;
	v2 =	vld [tilespmem:$0x860]  }
0x5b: {  	[tilespmem:$0x1020] =	vst v3;
	v3 =	vld [tilespmem:$0x870]  }
0x5c: {  	[tilespmem:$0x1030] =	vst v4  }
0x5d: {  	[tilespmem:$0x1040] =	vst v5  }
0x5e: {  	[tilespmem:$0x1050] =	vst v1  }
0x5f: {  	[tilespmem:$0x1060] =	vst v2  }
0x60: {  	s5 =	simm.s32 @!p0 $0x4;
	[tilespmem:$0x1070] =	vst v3  }
0x61: {  	[tilespmem:s11], [sflag:$0x1] =	stream.indirect.gather [hbm4b:s9+s13], $0x80, s3, s13, $0xb8;
	[tilespmem:$0x1D100] =	vst v63  }
0x62: {  	_ =	swait.ge @!p0 [sflag:s5], $0x4000  }
0x63: {  	[sflag:s5] =	ssyncset.done @!p0 $0x0  }
0x64: {  	[sflag:s5] =	ssyncadd.s32 @!p0 $0xFFFFC000  }
0x65: {  	v1 =	vld [tilespmem:$0x880]  }
0x66: {  	v2 =	vld [tilespmem:$0x890]  }
0x67: {  	v3 =	vld [tilespmem:$0x8A0]  }
0x68: {  	v34 =	vld [tilespmem:$0x8B0]  }
0x69: {  	v35 =	vld [tilespmem:$0x8C0]  }
0x6a: {  	[tilespmem:$0x1080] =	vst v1;
	v1 =	vld [tilespmem:$0x8D0]  }
0x6b: {  	[tilespmem:$0x1090] =	vst v2;
	v2 =	vld [tilespmem:$0x8E0]  }
0x6c: {  	[tilespmem:$0x10A0] =	vst v3;
	v3 =	vld [tilespmem:$0x8F0]  }
0x6d: {  	[tilespmem:$0x10B0] =	vst v34  }
0x6e: {  	[tilespmem:$0x10C0] =	vst v35  }
0x6f: {  	[tilespmem:$0x10D0] =	vst v1  }
0x70: {  	[tilespmem:$0x10E0] =	vst v2  }
0x71: {  	[tilespmem:$0x10F0] =	vst v3  }
0x72: {  	[tilespmem:s14], [sflag:$0x2] =	stream.indirect.gather [hbm4b:s9+s13], $0x80, s13, s13, $0xb8;
	[tilespmem:$0x1D100] =	vst v63  }
0x73: {  	_ =	swait.ge [sflag:s15], $0x4000  }
0x74: {  	[sflag:s15] =	ssyncset.done $0x0  }
0x75: {  	[sflag:s15] =	ssyncadd.s32 $0xFFFFC000  }
0x76: {  	[spmem:s2] =	stream.indirect.scatter.add.f32 [tilespmem:s11], [sflag:$0x3], $0x80, s16, s13, $0xb8;
	[tilespmem:$0x1D100] =	vst v63  }
0x77: {  	_ =	swait.ge [sflag:s17], $0x4000  }
0x78: {  	[sflag:s17] =	ssyncset.done $0x0  }
0x79: {  	[sflag:s17] =	ssyncadd.s32 $0xFFFFC000  }
0x7a: {  	[spmem:s2] =	stream.indirect.scatter.add.f32 [tilespmem:s14], [sflag:$0x4], $0x80, s18, s13, $0xb8;
	[tilespmem:$0x1D100] =	vst v63  }
0x7b: {  	_ =	swait.ge [sflag:s19], $0x4000  }
0x7c: {  	[sflag:s19] =	ssyncset.done $0x0  }
0x7d: {  	[sflag:s19] =	ssyncadd.s32 $0xFFFFC000  }
0x7e: {  	v1 =	vld [tilespmem:$0x900]  }
0x7f: {  	v2 =	vld [tilespmem:$0x910]  }
0x80: {  	v3 =	vld [tilespmem:$0x920]  }
0x81: {  	v36 =	vld [tilespmem:$0x930]  }
0x82: {  	v37 =	vld [tilespmem:$0x940]  }
0x83: {  	[tilespmem:$0x1000] =	vst v1;
	v1 =	vld [tilespmem:$0x950]  }
0x84: {  	[tilespmem:$0x1010] =	vst v2;
	v2 =	vld [tilespmem:$0x960]  }
0x85: {  	[tilespmem:$0x1020] =	vst v3;
	v3 =	vld [tilespmem:$0x970]  }
0x86: {  	[tilespmem:$0x1030] =	vst v36  }
0x87: {  	[tilespmem:$0x1040] =	vst v37  }
0x88: {  	[tilespmem:$0x1050] =	vst v1  }
0x89: {  	[tilespmem:$0x1060] =	vst v2  }
0x8a: {  	s6 =	rddreg [dreg:$0x9];
	[tilespmem:$0x1070] =	vst v3  }
0x8b: {  	[tilespmem:s11], [sflag:$0x1] =	stream.indirect.gather [hbm4b:s9+s13], $0x80, s6, s13, $0xb8;
	[tilespmem:$0x1D100] =	vst v63  }
0x8c: {  	_ =	swait.ge [sflag:s25], $0x4000  }
0x8d: {  	[sflag:s25] =	ssyncset.done $0x0  }
0x8e: {  	[sflag:s25] =	ssyncadd.s32 $0xFFFFC000  }
0x8f: {  	v1 =	vld [tilespmem:$0x980]  }
0x90: {  	v2 =	vld [tilespmem:$0x990]  }
0x91: {  	v3 =	vld [tilespmem:$0x9A0]  }
0x92: {  	v38 =	vld [tilespmem:$0x9B0]  }
0x93: {  	v39 =	vld [tilespmem:$0x9C0]  }
0x94: {  	[tilespmem:$0x1080] =	vst v1;
	v1 =	vld [tilespmem:$0x9D0]  }
0x95: {  	[tilespmem:$0x1090] =	vst v2;
	v2 =	vld [tilespmem:$0x9E0]  }
0x96: {  	[tilespmem:$0x10A0] =	vst v3;
	v3 =	vld [tilespmem:$0x9F0]  }
0x97: {  	[tilespmem:$0x10B0] =	vst v38  }
0x98: {  	[tilespmem:$0x10C0] =	vst v39  }
0x99: {  	[tilespmem:$0x10D0] =	vst v1  }
0x9a: {  	[tilespmem:$0x10E0] =	vst v2  }
0x9b: {  	s6 =	rddreg [dreg:$0xa];
	[tilespmem:$0x10F0] =	vst v3  }
0x9c: {  	[tilespmem:s14], [sflag:$0x2] =	stream.indirect.gather [hbm4b:s9+s13], $0x80, s6, s13, $0xb8;
	[tilespmem:$0x1D100] =	vst v63  }
0x9d: {  	_ =	swait.ge [sflag:s15], $0x4000  }
0x9e: {  	[sflag:s15] =	ssyncset.done $0x0  }
0x9f: {  	[sflag:s15] =	ssyncadd.s32 $0xFFFFC000  }
0xa0: {  	[spmem:s2] =	stream.indirect.scatter.add.f32 [tilespmem:s11], [sflag:$0x3], $0x80, s16, s13, $0xb8;
	[tilespmem:$0x1D100] =	vst v63  }
0xa1: {  	_ =	swait.ge [sflag:s17], $0x4000  }
0xa2: {  	[sflag:s17] =	ssyncset.done $0x0  }
0xa3: {  	[sflag:s17] =	ssyncadd.s32 $0xFFFFC000  }
0xa4: {  	[spmem:s2] =	stream.indirect.scatter.add.f32 [tilespmem:s14], [sflag:$0x4], $0x80, s18, s13, $0xb8;
	[tilespmem:$0x1D100] =	vst v63  }
0xa5: {  	_ =	swait.ge [sflag:s19], $0x4000  }
0xa6: {  	[sflag:s19] =	ssyncset.done $0x0  }
0xa7: {  	[sflag:s19] =	ssyncadd.s32 $0xFFFFC000  }
0xa8: {  	v1 =	vld [tilespmem:$0xA00]  }
0xa9: {  	v2 =	vld [tilespmem:$0xA10]  }
0xaa: {  	v3 =	vld [tilespmem:$0xA20]  }
0xab: {  	v40 =	vld [tilespmem:$0xA30]  }
0xac: {  	v41 =	vld [tilespmem:$0xA40]  }
0xad: {  	[tilespmem:$0x1000] =	vst v1;
	v1 =	vld [tilespmem:$0xA50]  }
0xae: {  	[tilespmem:$0x1010] =	vst v2;
	v2 =	vld [tilespmem:$0xA60]  }
0xaf: {  	[tilespmem:$0x1020] =	vst v3;
	v3 =	vld [tilespmem:$0xA70]  }
0xb0: {  	[tilespmem:$0x1030] =	vst v40  }
0xb1: {  	[tilespmem:$0x1040] =	vst v41  }
0xb2: {  	[tilespmem:$0x1050] =	vst v1  }
0xb3: {  	[tilespmem:$0x1060] =	vst v2  }
0xb4: {  	[tilespmem:$0x1070] =	vst v3  }
0xb5: {  	[tilespmem:s11], [sflag:$0x1] =	stream.indirect.gather [hbm4b:s9+s13], $0x80, s26, s13, $0xb8;
	[tilespmem:$0x1D100] =	vst v63  }
0xb6: {  	_ =	swait.ge [sflag:s25], $0x4000  }
0xb7: {  	[sflag:s25] =	ssyncset.done $0x0  }
0xb8: {  	[sflag:s25] =	ssyncadd.s32 $0xFFFFC000  }
0xb9: {  	v1 =	vld [tilespmem:$0xA80]  }
0xba: {  	v2 =	vld [tilespmem:$0xA90]  }
0xbb: {  	v3 =	vld [tilespmem:$0xAA0]  }
0xbc: {  	v42 =	vld [tilespmem:$0xAB0]  }
0xbd: {  	v43 =	vld [tilespmem:$0xAC0]  }
0xbe: {  	[tilespmem:$0x1080] =	vst v1;
	v1 =	vld [tilespmem:$0xAD0]  }
0xbf: {  	[tilespmem:$0x1090] =	vst v2;
	v2 =	vld [tilespmem:$0xAE0]  }
0xc0: {  	[tilespmem:$0x10A0] =	vst v3;
	v3 =	vld [tilespmem:$0xAF0]  }
0xc1: {  	[tilespmem:$0x10B0] =	vst v42  }
0xc2: {  	[tilespmem:$0x10C0] =	vst v43  }
0xc3: {  	[tilespmem:$0x10D0] =	vst v1  }
0xc4: {  	[tilespmem:$0x10E0] =	vst v2  }
0xc5: {  	[tilespmem:$0x10F0] =	vst v3  }
0xc6: {  	[tilespmem:s14], [sflag:$0x2] =	stream.indirect.gather [hbm4b:s9+s13], $0x80, s28, s13, $0xb8;
	[tilespmem:$0x1D100] =	vst v63  }
0xc7: {  	_ =	swait.ge [sflag:s15], $0x4000  }
0xc8: {  	[sflag:s15] =	ssyncset.done $0x0  }
0xc9: {  	[sflag:s15] =	ssyncadd.s32 $0xFFFFC000  }
0xca: {  	[spmem:s2] =	stream.indirect.scatter.add.f32 [tilespmem:s11], [sflag:$0x3], $0x80, s16, s13, $0xb8;
	[tilespmem:$0x1D100] =	vst v63  }
0xcb: {  	_ =	swait.ge [sflag:s17], $0x4000  }
0xcc: {  	[sflag:s17] =	ssyncset.done $0x0  }
0xcd: {  	[sflag:s17] =	ssyncadd.s32 $0xFFFFC000  }
0xce: {  	[spmem:s2] =	stream.indirect.scatter.add.f32 [tilespmem:s14], [sflag:$0x4], $0x80, s18, s13, $0xb8;
	[tilespmem:$0x1D100] =	vst v63  }
0xcf: {  	_ =	swait.ge [sflag:s19], $0x4000  }
0xd0: {  	[sflag:s19] =	ssyncset.done $0x0  }
0xd1: {  	[sflag:s19] =	ssyncadd.s32 $0xFFFFC000  }
0xd2: {  	v1 =	vld [tilespmem:$0xB00]  }
0xd3: {  	v2 =	vld [tilespmem:$0xB10]  }
0xd4: {  	v3 =	vld [tilespmem:$0xB20]  }
0xd5: {  	v44 =	vld [tilespmem:$0xB30]  }
0xd6: {  	v45 =	vld [tilespmem:$0xB40]  }
0xd7: {  	[tilespmem:$0x1000] =	vst v1;
	v1 =	vld [tilespmem:$0xB50]  }
0xd8: {  	[tilespmem:$0x1010] =	vst v2;
	v2 =	vld [tilespmem:$0xB60]  }
0xd9: {  	[tilespmem:$0x1020] =	vst v3;
	v3 =	vld [tilespmem:$0xB70]  }
0xda: {  	[tilespmem:$0x1030] =	vst v44  }
0xdb: {  	[tilespmem:$0x1040] =	vst v45  }
0xdc: {  	[tilespmem:$0x1050] =	vst v1  }
0xdd: {  	[tilespmem:$0x1060] =	vst v2  }
0xde: {  	[tilespmem:$0x1070] =	vst v3  }
0xdf: {  	[tilespmem:s11], [sflag:$0x1] =	stream.indirect.gather [hbm4b:s9+s13], $0x80, s29, s13, $0xb8;
	[tilespmem:$0x1D100] =	vst v63  }
0xe0: {  	_ =	swait.ge [sflag:s25], $0x4000  }
0xe1: {  	[sflag:s25] =	ssyncset.done $0x0  }
0xe2: {  	[sflag:s25] =	ssyncadd.s32 $0xFFFFC000  }
0xe3: {  	v1 =	vld [tilespmem:$0xB80]  }
0xe4: {  	v2 =	vld [tilespmem:$0xB90]  }
0xe5: {  	v3 =	vld [tilespmem:$0xBA0]  }
0xe6: {  	v46 =	vld [tilespmem:$0xBB0]  }
0xe7: {  	v47 =	vld [tilespmem:$0xBC0]  }
0xe8: {  	[tilespmem:$0x1080] =	vst v1;
	v1 =	vld [tilespmem:$0xBD0]  }
0xe9: {  	[tilespmem:$0x1090] =	vst v2;
	v2 =	vld [tilespmem:$0xBE0]  }
0xea: {  	[tilespmem:$0x10A0] =	vst v3;
	v3 =	vld [tilespmem:$0xBF0]  }
0xeb: {  	[tilespmem:$0x10B0] =	vst v46  }
0xec: {  	[tilespmem:$0x10C0] =	vst v47  }
0xed: {  	[tilespmem:$0x10D0] =	vst v1  }
0xee: {  	[tilespmem:$0x10E0] =	vst v2  }
0xef: {  	[tilespmem:$0x10F0] =	vst v3  }
0xf0: {  	[tilespmem:s14], [sflag:$0x2] =	stream.indirect.gather [hbm4b:s9+s13], $0x80, s30, s13, $0xb8;
	[tilespmem:$0x1D100] =	vst v63  }
0xf1: {  	_ =	swait.ge [sflag:s15], $0x4000  }
0xf2: {  	[sflag:s15] =	ssyncset.done $0x0  }
0xf3: {  	[sflag:s15] =	ssyncadd.s32 $0xFFFFC000  }
0xf4: {  	[spmem:s2] =	stream.indirect.scatter.add.f32 [tilespmem:s11], [sflag:$0x3], $0x80, s16, s13, $0xb8;
	[tilespmem:$0x1D100] =	vst v63  }
0xf5: {  	_ =	swait.ge [sflag:s17], $0x4000  }
0xf6: {  	[sflag:s17] =	ssyncset.done $0x0  }
0xf7: {  	[sflag:s17] =	ssyncadd.s32 $0xFFFFC000  }
0xf8: {  	[spmem:s2] =	stream.indirect.scatter.add.f32 [tilespmem:s14], [sflag:$0x4], $0x80, s18, s13, $0xb8;
	[tilespmem:$0x1D100] =	vst v63  }
0xf9: {  	_ =	swait.ge [sflag:s19], $0x4000  }
0xfa: {  	[sflag:s19] =	ssyncset.done $0x0  }
0xfb: {  	[sflag:s19] =	ssyncadd.s32 $0xFFFFC000  }
0xfc: {  	v1 =	vld [tilespmem:$0xC00]  }
0xfd: {  	v2 =	vld [tilespmem:$0xC10]  }
0xfe: {  	v3 =	vld [tilespmem:$0xC20]  }
0xff: {  	v48 =	vld [tilespmem:$0xC30]  }
0x100: {  	v49 =	vld [tilespmem:$0xC40]  }
0x101: {  	[tilespmem:$0x1000] =	vst v1;
	v1 =	vld [tilespmem:$0xC50]  }
0x102: {  	[tilespmem:$0x1010] =	vst v2;
	v2 =	vld [tilespmem:$0xC60]  }
0x103: {  	[tilespmem:$0x1020] =	vst v3;
	v3 =	vld [tilespmem:$0xC70]  }
0x104: {  	[tilespmem:$0x1030] =	vst v48  }
0x105: {  	[tilespmem:$0x1040] =	vst v49  }
0x106: {  	[tilespmem:$0x1050] =	vst v1  }
0x107: {  	[tilespmem:$0x1060] =	vst v2  }
0x108: {  	[tilespmem:$0x1070] =	vst v3  }
0x109: {  	[tilespmem:s11], [sflag:$0x1] =	stream.indirect.gather [hbm4b:s9+s13], $0x80, s31, s13, $0xb8;
	[tilespmem:$0x1D100] =	vst v63  }
0x10a: {  	_ =	swait.ge [sflag:s25], $0x4000  }
0x10b: {  	[sflag:s25] =	ssyncset.done $0x0  }
0x10c: {  	[sflag:s25] =	ssyncadd.s32 $0xFFFFC000  }
0x10d: {  	v1 =	vld [tilespmem:$0xC80]  }
0x10e: {  	v2 =	vld [tilespmem:$0xC90]  }
0x10f: {  	v3 =	vld [tilespmem:$0xCA0]  }
0x110: {  	v50 =	vld [tilespmem:$0xCB0]  }
0x111: {  	v51 =	vld [tilespmem:$0xCC0]  }
0x112: {  	[tilespmem:$0x1080] =	vst v1;
	v1 =	vld [tilespmem:$0xCD0]  }
0x113: {  	[tilespmem:$0x1090] =	vst v2;
	v2 =	vld [tilespmem:$0xCE0]  }
0x114: {  	[tilespmem:$0x10A0] =	vst v3;
	v3 =	vld [tilespmem:$0xCF0]  }
0x115: {  	[tilespmem:$0x10B0] =	vst v50  }
0x116: {  	[tilespmem:$0x10C0] =	vst v51  }
0x117: {  	[tilespmem:$0x10D0] =	vst v1  }
0x118: {  	[tilespmem:$0x10E0] =	vst v2  }
0x119: {  	[tilespmem:$0x10F0] =	vst v3  }
0x11a: {  	[tilespmem:s14], [sflag:$0x2] =	stream.indirect.gather [hbm4b:s9+s13], $0x80, s0, s13, $0xb8;
	[tilespmem:$0x1D100] =	vst v63  }
0x11b: {  	_ =	swait.ge [sflag:s15], $0x4000  }
0x11c: {  	[sflag:s15] =	ssyncset.done $0x0  }
0x11d: {  	[sflag:s15] =	ssyncadd.s32 $0xFFFFC000  }
0x11e: {  	[spmem:s2] =	stream.indirect.scatter.add.f32 [tilespmem:s11], [sflag:$0x3], $0x80, s16, s13, $0xb8;
	[tilespmem:$0x1D100] =	vst v63  }
0x11f: {  	_ =	swait.ge [sflag:s17], $0x4000  }
0x120: {  	[sflag:s17] =	ssyncset.done $0x0  }
0x121: {  	[sflag:s17] =	ssyncadd.s32 $0xFFFFC000  }
0x122: {  	[spmem:s2] =	stream.indirect.scatter.add.f32 [tilespmem:s14], [sflag:$0x4], $0x80, s18, s13, $0xb8;
	[tilespmem:$0x1D100] =	vst v63  }
0x123: {  	_ =	swait.ge [sflag:s19], $0x4000  }
0x124: {  	[sflag:s19] =	ssyncset.done $0x0  }
0x125: {  	[sflag:s19] =	ssyncadd.s32 $0xFFFFC000  }
0x126: {  	v1 =	vld [tilespmem:$0xD00]  }
0x127: {  	v2 =	vld [tilespmem:$0xD10]  }
0x128: {  	v3 =	vld [tilespmem:$0xD20]  }
0x129: {  	v52 =	vld [tilespmem:$0xD30]  }
0x12a: {  	v53 =	vld [tilespmem:$0xD40]  }
0x12b: {  	[tilespmem:$0x1000] =	vst v1;
	v1 =	vld [tilespmem:$0xD50]  }
0x12c: {  	[tilespmem:$0x1010] =	vst v2;
	v2 =	vld [tilespmem:$0xD60]  }
0x12d: {  	[tilespmem:$0x1020] =	vst v3;
	v3 =	vld [tilespmem:$0xD70]  }
0x12e: {  	[tilespmem:$0x1030] =	vst v52  }
0x12f: {  	[tilespmem:$0x1040] =	vst v53  }
0x130: {  	[tilespmem:$0x1050] =	vst v1  }
0x131: {  	[tilespmem:$0x1060] =	vst v2  }
0x132: {  	[tilespmem:$0x1070] =	vst v3  }
0x133: {  	[tilespmem:s11], [sflag:$0x1] =	stream.indirect.gather [hbm4b:s9+s13], $0x80, s1, s13, $0xb8;
	[tilespmem:$0x1D100] =	vst v63  }
0x134: {  	_ =	swait.ge [sflag:s25], $0x4000  }
0x135: {  	[sflag:s25] =	ssyncset.done $0x0  }
0x136: {  	[sflag:s25] =	ssyncadd.s32 $0xFFFFC000  }
0x137: {  	v1 =	vld [tilespmem:$0xD80]  }
0x138: {  	v2 =	vld [tilespmem:$0xD90]  }
0x139: {  	v3 =	vld [tilespmem:$0xDA0]  }
0x13a: {  	v54 =	vld [tilespmem:$0xDB0]  }
0x13b: {  	v55 =	vld [tilespmem:$0xDC0]  }
0x13c: {  	[tilespmem:$0x1080] =	vst v1;
	v1 =	vld [tilespmem:$0xDD0]  }
0x13d: {  	[tilespmem:$0x1090] =	vst v2;
	v2 =	vld [tilespmem:$0xDE0]  }
0x13e: {  	[tilespmem:$0x10A0] =	vst v3;
	v3 =	vld [tilespmem:$0xDF0]  }
0x13f: {  	[tilespmem:$0x10B0] =	vst v54  }
0x140: {  	[tilespmem:$0x10C0] =	vst v55  }
0x141: {  	[tilespmem:$0x10D0] =	vst v1  }
0x142: {  	[tilespmem:$0x10E0] =	vst v2  }
0x143: {  	[tilespmem:$0x10F0] =	vst v3  }
0x144: {  	[tilespmem:s14], [sflag:$0x2] =	stream.indirect.gather [hbm4b:s9+s13], $0x80, s10, s13, $0xb8;
	[tilespmem:$0x1D100] =	vst v63  }
0x145: {  	_ =	swait.ge [sflag:s15], $0x4000  }
0x146: {  	[sflag:s15] =	ssyncset.done $0x0  }
0x147: {  	[sflag:s15] =	ssyncadd.s32 $0xFFFFC000  }
0x148: {  	[spmem:s2] =	stream.indirect.scatter.add.f32 [tilespmem:s11], [sflag:$0x3], $0x80, s16, s13, $0xb8;
	[tilespmem:$0x1D100] =	vst v63  }
0x149: {  	_ =	swait.ge [sflag:s17], $0x4000  }
0x14a: {  	[sflag:s17] =	ssyncset.done $0x0  }
0x14b: {  	[sflag:s17] =	ssyncadd.s32 $0xFFFFC000  }
0x14c: {  	[spmem:s2] =	stream.indirect.scatter.add.f32 [tilespmem:s14], [sflag:$0x4], $0x80, s18, s13, $0xb8;
	[tilespmem:$0x1D100] =	vst v63  }
0x14d: {  	_ =	swait.ge [sflag:s19], $0x4000  }
0x14e: {  	[sflag:s19] =	ssyncset.done $0x0  }
0x14f: {  	[sflag:s19] =	ssyncadd.s32 $0xFFFFC000  }
0x150: {  	v1 =	vld [tilespmem:$0xE00]  }
0x151: {  	v2 =	vld [tilespmem:$0xE10]  }
0x152: {  	v3 =	vld [tilespmem:$0xE20]  }
0x153: {  	v56 =	vld [tilespmem:$0xE30]  }
0x154: {  	v57 =	vld [tilespmem:$0xE40]  }
0x155: {  	[tilespmem:$0x1000] =	vst v1;
	v1 =	vld [tilespmem:$0xE50]  }
0x156: {  	[tilespmem:$0x1010] =	vst v2;
	v2 =	vld [tilespmem:$0xE60]  }
0x157: {  	[tilespmem:$0x1020] =	vst v3;
	v3 =	vld [tilespmem:$0xE70]  }
0x158: {  	[tilespmem:$0x1030] =	vst v56  }
0x159: {  	[tilespmem:$0x1040] =	vst v57  }
0x15a: {  	[tilespmem:$0x1050] =	vst v1  }
0x15b: {  	[tilespmem:$0x1060] =	vst v2  }
0x15c: {  	[tilespmem:$0x1070] =	vst v3  }
0x15d: {  	[tilespmem:s11], [sflag:$0x1] =	stream.indirect.gather [hbm4b:s9+s13], $0x80, s20, s13, $0xb8;
	[tilespmem:$0x1D100] =	vst v63  }
0x15e: {  	_ =	swait.ge [sflag:s25], $0x4000  }
0x15f: {  	[sflag:s25] =	ssyncset.done $0x0  }
0x160: {  	[sflag:s25] =	ssyncadd.s32 $0xFFFFC000  }
0x161: {  	v1 =	vld [tilespmem:$0xE80]  }
0x162: {  	v2 =	vld [tilespmem:$0xE90]  }
0x163: {  	v3 =	vld [tilespmem:$0xEA0]  }
0x164: {  	v58 =	vld [tilespmem:$0xEB0]  }
0x165: {  	v59 =	vld [tilespmem:$0xEC0]  }
0x166: {  	[tilespmem:$0x1080] =	vst v1;
	v1 =	vld [tilespmem:$0xED0]  }
0x167: {  	[tilespmem:$0x1090] =	vst v2;
	v2 =	vld [tilespmem:$0xEE0]  }
0x168: {  	[tilespmem:$0x10A0] =	vst v3;
	v3 =	vld [tilespmem:$0xEF0]  }
0x169: {  	[tilespmem:$0x10B0] =	vst v58  }
0x16a: {  	[tilespmem:$0x10C0] =	vst v59  }
0x16b: {  	[tilespmem:$0x10D0] =	vst v1  }
0x16c: {  	[tilespmem:$0x10E0] =	vst v2  }
0x16d: {  	[tilespmem:$0x10F0] =	vst v3  }
0x16e: {  	[tilespmem:s14], [sflag:$0x2] =	stream.indirect.gather [hbm4b:s9+s13], $0x80, s21, s13, $0xb8;
	[tilespmem:$0x1D100] =	vst v63  }
0x16f: {  	_ =	swait.ge [sflag:s15], $0x4000  }
0x170: {  	[sflag:s15] =	ssyncset.done $0x0  }
0x171: {  	[sflag:s15] =	ssyncadd.s32 $0xFFFFC000  }
0x172: {  	[spmem:s2] =	stream.indirect.scatter.add.f32 [tilespmem:s11], [sflag:$0x3], $0x80, s16, s13, $0xb8;
	[tilespmem:$0x1D100] =	vst v63  }
0x173: {  	_ =	swait.ge [sflag:s17], $0x4000  }
0x174: {  	[sflag:s17] =	ssyncset.done $0x0  }
0x175: {  	[sflag:s17] =	ssyncadd.s32 $0xFFFFC000  }
0x176: {  	[spmem:s2] =	stream.indirect.scatter.add.f32 [tilespmem:s14], [sflag:$0x4], $0x80, s18, s13, $0xb8;
	[tilespmem:$0x1D100] =	vst v63  }
0x177: {  	_ =	swait.ge [sflag:s19], $0x4000  }
0x178: {  	[sflag:s19] =	ssyncset.done $0x0  }
0x179: {  	[sflag:s19] =	ssyncadd.s32 $0xFFFFC000  }
0x17a: {  	v1 =	vld [tilespmem:$0xF00]  }
0x17b: {  	v2 =	vld [tilespmem:$0xF10]  }
0x17c: {  	v3 =	vld [tilespmem:$0xF20]  }
0x17d: {  	v60 =	vld [tilespmem:$0xF30]  }
0x17e: {  	v61 =	vld [tilespmem:$0xF40]  }
0x17f: {  	[tilespmem:$0x1000] =	vst v1;
	v1 =	vld [tilespmem:$0xF50]  }
0x180: {  	[tilespmem:$0x1010] =	vst v2;
	v2 =	vld [tilespmem:$0xF60]  }
0x181: {  	[tilespmem:$0x1020] =	vst v3;
	v3 =	vld [tilespmem:$0xF70]  }
0x182: {  	[tilespmem:$0x1030] =	vst v60  }
0x183: {  	[tilespmem:$0x1040] =	vst v61  }
0x184: {  	[tilespmem:$0x1050] =	vst v1  }
0x185: {  	[tilespmem:$0x1060] =	vst v2  }
0x186: {  	[tilespmem:$0x1070] =	vst v3  }
0x187: {  	[tilespmem:s11], [sflag:$0x1] =	stream.indirect.gather [hbm4b:s9+s13], $0x80, s22, s13, $0xb8;
	[tilespmem:$0x1D100] =	vst v63  }
0x188: {  	_ =	swait.ge [sflag:s25], $0x4000  }
0x189: {  	[sflag:s25] =	ssyncset.done $0x0  }
0x18a: {  	[sflag:s25] =	ssyncadd.s32 $0xFFFFC000  }
0x18b: {  	v1 =	vld [tilespmem:$0xF80]  }
0x18c: {  	v2 =	vld [tilespmem:$0xF90]  }
0x18d: {  	v3 =	vld [tilespmem:$0xFA0]  }
0x18e: {  	v62 =	vld [tilespmem:$0xFB0]  }
0x18f: {  	v63 =	vld [tilespmem:$0xFC0]  }
0x190: {  	[tilespmem:$0x1080] =	vst v1;
	v1 =	vld [tilespmem:$0xFD0]  }
0x191: {  	[tilespmem:$0x1090] =	vst v2;
	v2 =	vld [tilespmem:$0xFE0]  }
0x192: {  	[tilespmem:$0x10A0] =	vst v3;
	v3 =	vld [tilespmem:$0xFF0]  }
0x193: {  	[tilespmem:$0x10B0] =	vst v62  }
0x194: {  	[tilespmem:$0x10C0] =	vst v63  }
0x195: {  	[tilespmem:$0x10D0] =	vst v1  }
0x196: {  	[tilespmem:$0x10E0] =	vst v2  }
0x197: {  	[tilespmem:$0x10F0] =	vst v3  }
0x198: {  	[tilespmem:s14], [sflag:$0x2] =	stream.indirect.gather [hbm4b:s9+s13], $0x80, s23, s13, $0xb8;
	[tilespmem:$0x1D100] =	vst v63  }
0x199: {  	_ =	swait.ge [sflag:s15], $0x4000  }
0x19a: {  	s4 =	sadd.s32 $0x100, s4;
	[sflag:s15] =	ssyncset.done $0x0  }
0x19b: {  	p0 =	sne.s32 s4, $0xA00;
	[sflag:s15] =	ssyncadd.s32 $0xFFFFC000  }
0x19c: {  	[spmem:s2] =	stream.indirect.scatter.add.f32 [tilespmem:s11], [sflag:$0x3], $0x80, s16, s13, $0xb8;
	[tilespmem:$0x1D100] =	vst v63  }
.Ltmp1:
0x19d: {  	_ = 	snop;
	(pc) =	sbr.rel @p0 .LBB2_4-.Ltmp1, $4  }
0x19e: {  	_ =	swait.ge [sflag:s17], $0x4000  }
0x19f: {  	[sflag:s17] =	ssyncset.done $0x0  }
0x1a0: {  	[sflag:s17] =	ssyncadd.s32 $0xFFFFC000  }
0x1a1: {  	[spmem:s2] =	stream.indirect.scatter.add.f32 [tilespmem:s14], [sflag:$0x4], $0x80, s18, s13, $0xb8;
	[tilespmem:$0x1D100] =	vst v63  }
0x1a2: {  	_ =	swait.ge [sflag:s19], $0x4000  }
0x1a3: {  	[sflag:s19] =	ssyncset.done $0x0  }
0x1a4: {  	[sflag:s19] =	ssyncadd.s32 $0xFFFFC000  }
0x1a5: {  	_ =	swait.ge [sflag:s25], $0x4000  }
0x1a6: {  	[sflag:s25] =	ssyncset.done $0x0  }
0x1a7: {  	[sflag:s25] =	ssyncadd.s32 $0xFFFFC000  }
0x1a8: {  	[bflag:$0x0] =	sbarrier.arrive $0xFFFF  }
0x1a9: {  	s4 =	rddreg [dreg:$0xb]  }
0x1aa: {  	[tilespmem:s11], [sflag:$0x5] =	stream.linear.gather [spmem:s4], $0x4000, $0x38;
	[tilespmem:$0x1D100] =	vst v63  }
0x1ab: {  	_ =	swait.ge [sflag:s12], $0x4000  }
0x1ac: {  	[sflag:s12] =	ssyncset.done $0x0  }
0x1ad: {  	s6 =	rddreg [dreg:$0xf];
	[sflag:s12] =	ssyncadd.s32 $0xFFFFC000  }
0x1ae: {  	[hbm4b:s6+s3] =	stream.linear.scatter [tilespmem:s11], [sflag:$0x5], $0x4000, $0x38;
	[tilespmem:$0x1D100] =	vst v63  }
0x1af: {  	_ =	swait.ge [sflag:s12], $0x4000  }
0x1b0: {  	[sflag:s12] =	ssyncset.done $0x0  }
0x1b1: {  	s5 =	rddreg [dreg:$0xc];
	[sflag:s12] =	ssyncadd.s32 $0xFFFFC000  }
0x1b2: {  	[tilespmem:s11], [sflag:$0x5] =	stream.linear.gather [spmem:s5], $0x4000, $0x38;
	[tilespmem:$0x1D100] =	vst v63  }
0x1b3: {  	_ =	swait.ge [sflag:s12], $0x4000  }
0x1b4: {  	[sflag:s12] =	ssyncset.done $0x0  }
0x1b5: {  	s6 =	rddreg [dreg:$0x10];
	[sflag:s12] =	ssyncadd.s32 $0xFFFFC000  }
0x1b6: {  	[hbm4b:s6+s3] =	stream.linear.scatter [tilespmem:s11], [sflag:$0x5], $0x4000, $0x38;
	[tilespmem:$0x1D100] =	vst v63  }
0x1b7: {  	_ =	swait.ge [sflag:s12], $0x4000  }
0x1b8: {  	[sflag:s12] =	ssyncset.done $0x0  }
0x1b9: {  	[sflag:s12] =	ssyncadd.s32 $0xFFFFC000  }
0x1ba: {  	[tilespmem:s11], [sflag:$0x5] =	stream.linear.gather [spmem:s7], $0x4000, $0x38;
	[tilespmem:$0x1D100] =	vst v63  }
0x1bb: {  	_ =	swait.ge [sflag:s12], $0x4000  }
0x1bc: {  	[sflag:s12] =	ssyncset.done $0x0  }
0x1bd: {  	s6 =	smov.u32 s7;
	s7 =	rddreg [dreg:$0x11];
	[sflag:s12] =	ssyncadd.s32 $0xFFFFC000  }
0x1be: {  	[hbm4b:s7+s3] =	stream.linear.scatter [tilespmem:s11], [sflag:$0x5], $0x4000, $0x38;
	[tilespmem:$0x1D100] =	vst v63  }
0x1bf: {  	_ =	swait.ge [sflag:s12], $0x4000  }
0x1c0: {  	[sflag:s12] =	ssyncset.done $0x0  }
0x1c1: {  	s5 =	rddreg [dreg:$0xd];
	[sflag:s12] =	ssyncadd.s32 $0xFFFFC000  }
0x1c2: {  	[tilespmem:s11], [sflag:$0x5] =	stream.linear.gather [spmem:s5], $0x4000, $0x38;
	[tilespmem:$0x1D100] =	vst v63  }
0x1c3: {  	_ =	swait.ge [sflag:s12], $0x4000  }
0x1c4: {  	[sflag:s12] =	ssyncset.done $0x0  }
0x1c5: {  	s7 =	rddreg [dreg:$0x12];
	[sflag:s12] =	ssyncadd.s32 $0xFFFFC000  }
0x1c6: {  	[hbm4b:s7+s3] =	stream.linear.scatter [tilespmem:s11], [sflag:$0x5], $0x4000, $0x38;
	[tilespmem:$0x1D100] =	vst v63  }
0x1c7: {  	_ =	swait.ge [sflag:s12], $0x4000  }
0x1c8: {  	[sflag:s12] =	ssyncset.done $0x0  }
0x1c9: {  	[sflag:s12] =	ssyncadd.s32 $0xFFFFC000  }
0x1ca: {  	[tilespmem:s11], [sflag:$0x5] =	stream.linear.gather [spmem:s8], $0x4000, $0x38;
	[tilespmem:$0x1D100] =	vst v63  }
0x1cb: {  	_ =	swait.ge [sflag:s12], $0x4000  }
0x1cc: {  	[sflag:s12] =	ssyncset.done $0x0  }
0x1cd: {  	s5 =	rddreg [dreg:$0x13];
	[sflag:s12] =	ssyncadd.s32 $0xFFFFC000  }
0x1ce: {  	[hbm4b:s5+s3] =	stream.linear.scatter [tilespmem:s11], [sflag:$0x5], $0x4000, $0x38;
	[tilespmem:$0x1D100] =	vst v63  }
0x1cf: {  	_ =	swait.ge [sflag:s12], $0x4000  }
0x1d0: {  	s24 =	sadd.s32 $0x1, s24;
	s7 =	rddreg [dreg:$0xe]  }
0x1d1: {  	p0 =	sne.s32 s24, s7  }
.Ltmp2:
0x1d2: {  	_ = 	snop;
	(pc) =	sbr.rel @p0 .LBB2_1-.Ltmp2, $3  }
0x1d3: {  	_ =	sdelay $0x1  }
0x1d4: {  	[sflag:s12] =	ssyncset.done $0x0  }
0x1d5: {  	[sflag:s12] =	ssyncadd.s32 $0xFFFFC000  }
0x1d6: {  	_ =	sfence.sel $0x180000  }
0x1d7: {  	[bflag:$0x0] =	sbarrier.arrive $0xFFFF  }
0x1d8: {  	_ =	strace $0x90000047  }
0x1d9: {  	s0 =	stileid.u32;
	[bflag:$0x2] =	sbarrier.arrive $0xFFFF  }
0x1da: {  	p0 =	sne.s32 s0, $0x0;
	s0 =	rddreg [dreg:$0x5]  }
0x1db: {  	s0 =	sadd.s32 @!p0 $0x100000, s0  }
0x1dc: {  	[sflag:s0] =	ssyncadd.tile.s32 @!p0 $0x1;
	_ =	shalt  }
.Lfunc_end2:
_tile_overlayer_lowered:
.L_overlay_start_2:
0x1dd: {  	(tag) =	ssettag $0x2  }
0x1de: {  	s0 =	rddreg [dreg:$0x0];
	s2 =	stileid.u32  }
0x1df: {  	s1 =	rddreg [dreg:$0x1];
	p0 =	sne.s32 s2, $0x0  }
0x1e0: {  	s3 =	rddreg [dreg:$0x2];
	[bflag:$0x3] =	sbarrier.arrive $0xFFFF;
	s2 =	simm.s32 @!p0 $0x1C05  }
0x1e1: {  	[timem:s3], [sflag:s2] =	dma.local @!p0 [hbm:s0], s1  }
0x1e2: {  	s0 =	simm.s32 @!p0 $0x5  }
0x1e3: {  	_ =	swait.ge @!p0 [sflag:s0], s1  }
0x1e4: {  	s1 =	ssub.s32 @!p0 $0x0, s1;
	[sflag:s0] =	ssyncset.done @!p0 $0x0  }
0x1e5: {  	[sflag:s0] =	ssyncadd.s32 @!p0 s1  }
0x1e6: {  	[bflag:$0x3] =	sbarrier.arrive $0xFFFF  }
0x1e7: {  	_ =	shalt  }

</sc_bundles>
